<compile_context>
chip_gen: v7x
topology: tpu7x:2x2x1
jax: 0.10.2.dev20260603
libtpu: 0.0.44.dev20260713+nightly
codegen_flags: <defaults>
</compile_context>

<pallas_src>
import functools

import jax
import jax.numpy as jnp
from jax import lax
from jax.experimental import pallas as pl
from jax.experimental.pallas import tpu as pltpu
from jax.experimental.pallas import tpu_sc as plsc

_K = 10
_ALPHA = 0.1
_L = 16
_NW = 16
_EB = 128
_G = 16


def _mlp_body(x_ref, w1_ref, b1_ref, w2_ref, b2_ref, o_ref):
    h = jnp.dot(x_ref[...], w1_ref[...], preferred_element_type=jnp.float32)
    h = jnp.maximum(h + b1_ref[...], 0.0)
    o_ref[...] = (
        jnp.dot(h, w2_ref[...], preferred_element_type=jnp.float32) + b2_ref[...]
    )


def _lsm_body(x_ref, o_ref):
    v = x_ref[...]
    m = jnp.max(v, axis=1, keepdims=True)
    e = jnp.exp(v - m)
    s = jnp.sum(e, axis=1, keepdims=True)
    o_ref[...] = v - m - jnp.log(s)


def _sc_body(nb, rpw, h_hbm, srcw_hbm, dstw_hbm, out_hbm, y_hbm,
             agg_sp, srcw_v, dstw_v, dinv_v, ah_v, y_v, agg_v,
             msg_v, ones_v, zeros_v, gsems, ssem):
    w = lax.axis_index("s")
    base = w * rpw
    ngrp = nb // _G

    pltpu.sync_copy(srcw_hbm.at[w], srcw_v)
    pltpu.sync_copy(dstw_hbm.at[w], dstw_v)
    pltpu.sync_copy(h_hbm.at[pl.ds(base, rpw)], agg_v)

    def fill_ones(i, c):
        ones_v[i, :] = jnp.full((_L,), 1.0, jnp.float32)
        zeros_v[i, :] = jnp.zeros((_L,), jnp.float32)
        return c
    lax.fori_loop(0, _EB, fill_ones, 0)

    def fill_node(i, c):
        ah_v[i, :] = agg_v[i, :] * _ALPHA
        return c
    lax.fori_loop(0, rpw, fill_node, 0)

    for r in range(rpw // _EB):
        pltpu.sync_copy(zeros_v, agg_sp.at[pl.ds(base + r * _EB, _EB)])
    plsc.subcore_barrier()

    def deg_group(g, c):
        j0 = g * _G
        descs = [
            pltpu.async_copy(
                ones_v, agg_sp.at[dstw_v.at[j0 + b]], ssem, add=True)
            for b in range(_G)
        ]
        for d in descs:
            d.wait()
        return c
    lax.fori_loop(0, ngrp, deg_group, 0)
    plsc.subcore_barrier()

    pltpu.sync_copy(agg_sp.at[pl.ds(base, rpw)], y_v)

    def init_row(i, c):
        x = y_v[i, :] + 1.0
        bits = lax.bitcast_convert_type(x, jnp.int32)
        bits = 0x5F3759DF - lax.shift_right_arithmetic(bits, 1)
        r = lax.bitcast_convert_type(bits, jnp.float32)
        hx = 0.5 * x
        r = r * (1.5 - (hx * r) * r)
        r = r * (1.5 - (hx * r) * r)
        r = r * (1.5 - (hx * r) * r)
        dinv_v[i, :] = r
        y_v[i, :] = r * (ah_v[i, :] * (1.0 / _ALPHA))
        return c
    lax.fori_loop(0, rpw, init_row, 0)

    pltpu.sync_copy(y_v, y_hbm.at[pl.ds(base, rpw)])
    for r in range(rpw // _EB):
        pltpu.sync_copy(zeros_v, agg_sp.at[pl.ds(base + r * _EB, _EB)])
    plsc.subcore_barrier()

    def step(k, c):
        def edge_group(g, cc):
            j0 = g * _G
            gds = [
                pltpu.async_copy(
                    y_hbm.at[srcw_v.at[j0 + b]], msg_v.at[b], gsems.at[b])
                for b in range(_G)
            ]
            sds = []
            for b in range(_G):
                gds[b].wait()
                sds.append(pltpu.async_copy(
                    msg_v.at[b], agg_sp.at[dstw_v.at[j0 + b]], ssem,
                    add=True))
            for d in sds:
                d.wait()
            return cc
        lax.fori_loop(0, ngrp, edge_group, 0)
        plsc.subcore_barrier()

        pltpu.sync_copy(agg_sp.at[pl.ds(base, rpw)], agg_v)

        def upd(i, cc):
            for u in range(4):
                r = 4 * i + u
                d = dinv_v[r, :]
                o = ((1.0 - _ALPHA) * d * (agg_v[r, :] + y_v[r, :])
                     + ah_v[r, :])
                y_v[r, :] = d * o
            return cc
        lax.fori_loop(0, rpw // 4, upd, 0)

        pltpu.sync_copy(y_v, y_hbm.at[pl.ds(base, rpw)])
        for r in range(rpw // _EB):
            pltpu.sync_copy(zeros_v, agg_sp.at[pl.ds(base + r * _EB, _EB)])
        plsc.subcore_barrier()
        return c
    lax.fori_loop(0, _K, step, 0)

    def fin(i, c):
        agg_v[i, :] = y_v[i, :] / dinv_v[i, :]
        return c
    lax.fori_loop(0, rpw, fin, 0)
    pltpu.sync_copy(agg_v, out_hbm.at[pl.ds(base, rpw)])


def kernel(x, edge_index, W1, b1, W2, b2):
    n, in_c = x.shape
    hid = W1.shape[1]
    out_c = W2.shape[1]
    e = edge_index.shape[1]

    blk = 2000
    grid = n // blk
    h = pl.pallas_call(
        _mlp_body,
        grid=(grid,),
        in_specs=[
            pl.BlockSpec((blk, in_c), lambda i: (i, 0)),
            pl.BlockSpec((in_c, hid), lambda i: (0, 0)),
            pl.BlockSpec((1, hid), lambda i: (0, 0)),
            pl.BlockSpec((hid, out_c), lambda i: (0, 0)),
            pl.BlockSpec((1, out_c), lambda i: (0, 0)),
        ],
        out_specs=pl.BlockSpec((blk, out_c), lambda i: (i, 0)),
        out_shape=jax.ShapeDtypeStruct((n, out_c), jnp.float32),
    )(x, W1, b1.reshape(1, hid), W2, b2.reshape(1, out_c))

    npad = ((n + _NW * _L - 1) // (_NW * _L)) * (_NW * _L)
    rpw = npad // _NW
    nb = (e + _NW * _EB * _G - 1) // (_NW * _EB * _G) * _G
    ep = _NW * nb * _EB

    pad = ep - e
    srcp = jnp.concatenate([edge_index[0], jnp.full((pad,), n, jnp.int32)])
    dstp = jnp.concatenate([edge_index[1], jnp.full((pad,), n, jnp.int32)])
    srcw = srcp.reshape(_NW, nb, _EB)
    dstw = dstp.reshape(_NW, nb, _EB)
    hp = jnp.pad(h, ((0, npad - n), (0, 0)))

    mesh = plsc.VectorSubcoreMesh(
        core_axis_name="c", subcore_axis_name="s", num_cores=1)
    out_pad, _ = pl.kernel(
        functools.partial(_sc_body, nb, rpw),
        out_type=(
            jax.ShapeDtypeStruct((npad, out_c), jnp.float32),
            jax.ShapeDtypeStruct((npad, out_c), jnp.float32),
        ),
        mesh=mesh,
        compiler_params=pltpu.CompilerParams(use_tc_tiling_on_sc=False),
        scratch_types=[
            pltpu.VMEM_SHARED((npad, out_c), jnp.float32),
            pltpu.VMEM((nb, _EB), jnp.int32),
            pltpu.VMEM((nb, _EB), jnp.int32),
            pltpu.VMEM((rpw, out_c), jnp.float32),
            pltpu.VMEM((rpw, out_c), jnp.float32),
            pltpu.VMEM((rpw, out_c), jnp.float32),
            pltpu.VMEM((rpw, out_c), jnp.float32),
            pltpu.VMEM((_G, _EB, out_c), jnp.float32),
            pltpu.VMEM((_EB, out_c), jnp.float32),
            pltpu.VMEM((_EB, out_c), jnp.float32),
            pltpu.SemaphoreType.DMA((_G,)),
            pltpu.SemaphoreType.DMA,
        ],
    )(hp, srcw, dstw)
    out = out_pad[:n]

    return pl.pallas_call(
        _lsm_body,
        grid=(grid,),
        in_specs=[pl.BlockSpec((blk, out_c), lambda i: (i, 0))],
        out_specs=pl.BlockSpec((blk, out_c), lambda i: (i, 0)),
        out_shape=jax.ShapeDtypeStruct((n, out_c), jnp.float32),
    )(out)

# --- scband reference (transcript-rebuilt; emitter-appended) ---
"""Pipeline reference for scband-appnpnet-9414568312943 (READ-ONLY COPY).

The authoritative reference and input builder live on the scoring server;
editing this copy changes nothing except your own understanding.
"""

import jax, jax.numpy as jnp
import numpy as np

N = 10000
E = 320000
IN_C = 128
HID = 64
OUT_C = 16
K = 10
ALPHA = 0.1


def setup_inputs(seed: int = 0) -> dict:
    key = jax.random.key(seed)
    k1, k2, k3, k4, k5, k6 = jax.random.split(key, 6)
    x = jax.random.normal(k1, (N, IN_C), dtype=jnp.float32)
    edge_index = jax.random.randint(k2, (2, E), 0, N, dtype=jnp.int32)
    W1 = jax.random.normal(k3, (IN_C, HID), dtype=jnp.float32) * (1.0 / np.sqrt(IN_C))
    b1 = jnp.zeros((HID,), dtype=jnp.float32)
    W2 = jax.random.normal(k4, (HID, OUT_C), dtype=jnp.float32) * (1.0 / np.sqrt(HID))
    b2 = jnp.zeros((OUT_C,), dtype=jnp.float32)
    return {"x": x, "edge_index": edge_index, "W1": W1, "b1": b1, "W2": W2, "b2": b2}


def reference(x, edge_index, W1, b1, W2, b2):
    # Eval mode: dropout is identity.
    # MLP: lin1 -> relu -> lin2
    h = jnp.maximum(jnp.dot(x, W1) + b1, 0.0)
    h = jnp.dot(h, W2) + b2

    # GCN normalization with self-loops (as in PyG gcn_norm)
    loop = jnp.arange(N, dtype=edge_index.dtype)
    src = jnp.concatenate([edge_index[0], loop])
    dst = jnp.concatenate([edge_index[1], loop])
    deg = jnp.zeros((N,), dtype=x.dtype).at[dst].add(1.0)
    dinv = jnp.where(deg > 0, 1.0 / jnp.sqrt(deg), 0.0)
    norm = dinv[src] * dinv[dst]

    # APPNP propagation: x_{t+1} = (1-alpha) * A_hat x_t + alpha * h
    out = h
    for _ in range(K):
        msg = out[src] * norm[:, None]
        agg = jnp.zeros_like(h).at[dst].add(msg)
        out = (1.0 - ALPHA) * agg + ALPHA * h

    # log_softmax over classes
    return out - jax.scipy.special.logsumexp(out, axis=1, keepdims=True)

if __name__ == "__main__":
    import jax
    _d = setup_inputs()
    print(jax.jit(kernel)(*tuple(_d.values())))

</pallas_src>

<mosaic_0001>
#map = affine_map<(d0, d1) -> (0, 0)>
#map1 = affine_map<(d0, d1) -> (0, 0, 0)>
module attributes {stable_mosaic.version = 14 : i64} {
  func.func @_sc_body(%arg0: i32, %arg1: i32, %arg2: memref<10240x16xf32, #tpu.memory_space<hbm>>, %arg3: memref<16x160x128xi32, #tpu.memory_space<hbm>>, %arg4: memref<16x160x128xi32, #tpu.memory_space<hbm>>, %arg5: memref<10240x16xf32, #tpu.memory_space<hbm>>, %arg6: memref<10240x16xf32, #tpu.memory_space<hbm>>, %arg7: memref<10240x16xf32, #tpu.memory_space<vmem_shared>>, %arg8: memref<160x128xi32, #tpu.memory_space<vmem>>, %arg9: memref<160x128xi32, #tpu.memory_space<vmem>>, %arg10: memref<640x16xf32, #tpu.memory_space<vmem>>, %arg11: memref<640x16xf32, #tpu.memory_space<vmem>>, %arg12: memref<640x16xf32, #tpu.memory_space<vmem>>, %arg13: memref<640x16xf32, #tpu.memory_space<vmem>>, %arg14: memref<16x128x16xf32, #tpu.memory_space<vmem>>, %arg15: memref<128x16xf32, #tpu.memory_space<vmem>>, %arg16: memref<128x16xf32, #tpu.memory_space<vmem>>, %arg17: memref<16x!tpu.dma_semaphore, #tpu.memory_space<semaphore_mem>>, %arg18: memref<!tpu.dma_semaphore, #tpu.memory_space<semaphore_mem>>) attributes {dimension_semantics = [#tpu.dimension_semantics<core_parallel>, #tpu.dimension_semantics<subcore_parallel>], iteration_bounds = array<i64: 1, 16>, scalar_prefetch = 0 : i64, scratch_operands = 12 : i64, tpu.core_type = #tpu.core_type<sc_vector_subcore>, window_params = [{transform_indices = #map}, {transform_indices = #map1}, {transform_indices = #map1}, {transform_indices = #map}, {transform_indices = #map}]} {
    %mul3A = arith.constant 640 : i32
    %mul3A_0 = arith.muli %arg1, %mul3A : i32
    "tpu.region"() ({
      %run_scoped3A = tpu.sem_alloc : memref<!tpu.dma_semaphore, #tpu.memory_space<semaphore_mem>>
      %dma_start3A = arith.constant 0 : i32
      %dma_start3A_57 = arith.constant 0 : i32
      %dma_start3A_58 = tpu.memref_slice %arg3[%arg1, %dma_start3A, %dma_start3A_57] : memref<16x160x128xi32, #tpu.memory_space<hbm>> -> memref<1x160x128xi32, #tpu.memory_space<hbm>>
      %dma_start3A_59 = tpu.memref_squeeze %dma_start3A_58 : memref<1x160x128xi32, #tpu.memory_space<hbm>> -> memref<160x128xi32, #tpu.memory_space<hbm>>
      %dma_start3A_60 = arith.constant 0 : i32
      %dma_start3A_61 = arith.constant 0 : i32
      %dma_start3A_62 = tpu.memref_slice %arg3[%arg1, %dma_start3A_60, %dma_start3A_61] : memref<16x160x128xi32, #tpu.memory_space<hbm>> -> memref<1x160x128xi32, #tpu.memory_space<hbm>>
      %dma_start3A_63 = tpu.memref_squeeze %dma_start3A_62 : memref<1x160x128xi32, #tpu.memory_space<hbm>> -> memref<160x128xi32, #tpu.memory_space<hbm>>
      tpu.enqueue_dma source(%dma_start3A_63 : memref<160x128xi32, #tpu.memory_space<hbm>>) target(%arg8 : memref<160x128xi32, #tpu.memory_space<vmem>>) target_semaphore(%run_scoped3A : memref<!tpu.dma_semaphore, #tpu.memory_space<semaphore_mem>>)
      %dma_wait3A = arith.constant 0 : i32
      %dma_wait3A_64 = arith.constant 0 : i32
      %dma_wait3A_65 = tpu.memref_slice %arg3[%arg1, %dma_wait3A, %dma_wait3A_64] : memref<16x160x128xi32, #tpu.memory_space<hbm>> -> memref<1x160x128xi32, #tpu.memory_space<hbm>>
      %dma_wait3A_66 = tpu.memref_squeeze %dma_wait3A_65 : memref<1x160x128xi32, #tpu.memory_space<hbm>> -> memref<160x128xi32, #tpu.memory_space<hbm>>
      %dma_wait3A_67 = arith.constant 0 : i32
      %dma_wait3A_68 = arith.constant 0 : i32
      %dma_wait3A_69 = tpu.memref_slice %arg3[%arg1, %dma_wait3A_67, %dma_wait3A_68] : memref<16x160x128xi32, #tpu.memory_space<hbm>> -> memref<1x160x128xi32, #tpu.memory_space<hbm>>
      %dma_wait3A_70 = tpu.memref_squeeze %dma_wait3A_69 : memref<1x160x128xi32, #tpu.memory_space<hbm>> -> memref<160x128xi32, #tpu.memory_space<hbm>>
      tpu.wait_dma2 semaphore(%run_scoped3A : memref<!tpu.dma_semaphore, #tpu.memory_space<semaphore_mem>>) src(%dma_wait3A_70 : memref<160x128xi32, #tpu.memory_space<hbm>>) dst(%arg8 : memref<160x128xi32, #tpu.memory_space<vmem>>)
      tpu.yield
    }) : () -> ()
    "tpu.region"() ({
      %run_scoped3A = tpu.sem_alloc : memref<!tpu.dma_semaphore, #tpu.memory_space<semaphore_mem>>
      %dma_start3A = arith.constant 0 : i32
      %dma_start3A_57 = arith.constant 0 : i32
      %dma_start3A_58 = tpu.memref_slice %arg4[%arg1, %dma_start3A, %dma_start3A_57] : memref<16x160x128xi32, #tpu.memory_space<hbm>> -> memref<1x160x128xi32, #tpu.memory_space<hbm>>
      %dma_start3A_59 = tpu.memref_squeeze %dma_start3A_58 : memref<1x160x128xi32, #tpu.memory_space<hbm>> -> memref<160x128xi32, #tpu.memory_space<hbm>>
      %dma_start3A_60 = arith.constant 0 : i32
      %dma_start3A_61 = arith.constant 0 : i32
      %dma_start3A_62 = tpu.memref_slice %arg4[%arg1, %dma_start3A_60, %dma_start3A_61] : memref<16x160x128xi32, #tpu.memory_space<hbm>> -> memref<1x160x128xi32, #tpu.memory_space<hbm>>
      %dma_start3A_63 = tpu.memref_squeeze %dma_start3A_62 : memref<1x160x128xi32, #tpu.memory_space<hbm>> -> memref<160x128xi32, #tpu.memory_space<hbm>>
      tpu.enqueue_dma source(%dma_start3A_63 : memref<160x128xi32, #tpu.memory_space<hbm>>) target(%arg9 : memref<160x128xi32, #tpu.memory_space<vmem>>) target_semaphore(%run_scoped3A : memref<!tpu.dma_semaphore, #tpu.memory_space<semaphore_mem>>)
      %dma_wait3A = arith.constant 0 : i32
      %dma_wait3A_64 = arith.constant 0 : i32
      %dma_wait3A_65 = tpu.memref_slice %arg4[%arg1, %dma_wait3A, %dma_wait3A_64] : memref<16x160x128xi32, #tpu.memory_space<hbm>> -> memref<1x160x128xi32, #tpu.memory_space<hbm>>
      %dma_wait3A_66 = tpu.memref_squeeze %dma_wait3A_65 : memref<1x160x128xi32, #tpu.memory_space<hbm>> -> memref<160x128xi32, #tpu.memory_space<hbm>>
      %dma_wait3A_67 = arith.constant 0 : i32
      %dma_wait3A_68 = arith.constant 0 : i32
      %dma_wait3A_69 = tpu.memref_slice %arg4[%arg1, %dma_wait3A_67, %dma_wait3A_68] : memref<16x160x128xi32, #tpu.memory_space<hbm>> -> memref<1x160x128xi32, #tpu.memory_space<hbm>>
      %dma_wait3A_70 = tpu.memref_squeeze %dma_wait3A_69 : memref<1x160x128xi32, #tpu.memory_space<hbm>> -> memref<160x128xi32, #tpu.memory_space<hbm>>
      tpu.wait_dma2 semaphore(%run_scoped3A : memref<!tpu.dma_semaphore, #tpu.memory_space<semaphore_mem>>) src(%dma_wait3A_70 : memref<160x128xi32, #tpu.memory_space<hbm>>) dst(%arg9 : memref<160x128xi32, #tpu.memory_space<vmem>>)
      tpu.yield
    }) : () -> ()
    "tpu.region"() ({
      %run_scoped3A = tpu.sem_alloc : memref<!tpu.dma_semaphore, #tpu.memory_space<semaphore_mem>>
      %dma_start3A = arith.constant 0 : i32
      %dma_start3A_57 = tpu.memref_slice %arg2[%mul3A_0, %dma_start3A] : memref<10240x16xf32, #tpu.memory_space<hbm>> -> memref<640x16xf32, #tpu.memory_space<hbm>>
      %dma_start3A_58 = arith.constant 0 : i32
      %dma_start3A_59 = tpu.memref_slice %arg2[%mul3A_0, %dma_start3A_58] : memref<10240x16xf32, #tpu.memory_space<hbm>> -> memref<640x16xf32, #tpu.memory_space<hbm>>
      tpu.enqueue_dma source(%dma_start3A_59 : memref<640x16xf32, #tpu.memory_space<hbm>>) target(%arg13 : memref<640x16xf32, #tpu.memory_space<vmem>>) target_semaphore(%run_scoped3A : memref<!tpu.dma_semaphore, #tpu.memory_space<semaphore_mem>>)
      %dma_wait3A = arith.constant 0 : i32
      %dma_wait3A_60 = tpu.memref_slice %arg2[%mul3A_0, %dma_wait3A] : memref<10240x16xf32, #tpu.memory_space<hbm>> -> memref<640x16xf32, #tpu.memory_space<hbm>>
      %dma_wait3A_61 = arith.constant 0 : i32
      %dma_wait3A_62 = tpu.memref_slice %arg2[%mul3A_0, %dma_wait3A_61] : memref<10240x16xf32, #tpu.memory_space<hbm>> -> memref<640x16xf32, #tpu.memory_space<hbm>>
      tpu.wait_dma2 semaphore(%run_scoped3A : memref<!tpu.dma_semaphore, #tpu.memory_space<semaphore_mem>>) src(%dma_wait3A_62 : memref<640x16xf32, #tpu.memory_space<hbm>>) dst(%arg13 : memref<640x16xf32, #tpu.memory_space<vmem>>)
      tpu.yield
    }) : () -> ()
    %scan3A = arith.constant 0 : i32
    %scan3A_1 = arith.constant 0 : i32
    %scan3A_2 = arith.constant 128 : i32
    %scan3A_3 = arith.addi %scan3A_1, %scan3A_2 : i32
    %scan3A_4 = arith.constant 1 : i32
    scf.for %scan3A_57 = %scan3A_1 to %scan3A_3 step %scan3A_4  : i32 {
      %broadcast_in_dim3A = arith.constant 1.000000e+00 : f32
      %broadcast_in_dim3A_58 = vector.broadcast %broadcast_in_dim3A : f32 to vector<16xf32>
      %swap3A = arith.index_cast %scan3A_57 : i32 to index
      %swap3A_59 = arith.constant 0 : index
      %swap3A_60 = tpu.vector_load %arg15[%swap3A, %swap3A_59] {strides = array<i32>} : memref<128x16xf32, #tpu.memory_space<vmem>>, vector<1x16xf32>,
      %swap3A_61 = vector.shape_cast %swap3A_60 : vector<1x16xf32> to vector<16xf32>
      %swap3A_62 = vector.shape_cast %broadcast_in_dim3A_58 : vector<16xf32> to vector<1x16xf32>
      tpu.vector_store %arg15[%swap3A, %swap3A_59], %swap3A_62 {strides = array<i32>} : memref<128x16xf32, #tpu.memory_space<vmem>>, vector<1x16xf32>,
      %broadcast_in_dim3A_63 = arith.constant 0.000000e+00 : f32
      %broadcast_in_dim3A_64 = vector.broadcast %broadcast_in_dim3A_63 : f32 to vector<16xf32>
      %swap3A_65 = arith.index_cast %scan3A_57 : i32 to index
      %swap3A_66 = arith.constant 0 : index
      %swap3A_67 = tpu.vector_load %arg16[%swap3A_65, %swap3A_66] {strides = array<i32>} : memref<128x16xf32, #tpu.memory_space<vmem>>, vector<1x16xf32>,
      %swap3A_68 = vector.shape_cast %swap3A_67 : vector<1x16xf32> to vector<16xf32>
      %swap3A_69 = vector.shape_cast %broadcast_in_dim3A_64 : vector<16xf32> to vector<1x16xf32>
      tpu.vector_store %arg16[%swap3A_65, %swap3A_66], %swap3A_69 {strides = array<i32>} : memref<128x16xf32, #tpu.memory_space<vmem>>, vector<1x16xf32>,
    }
    %scan3A_5 = arith.constant 128 : i32
    %scan3A_6 = arith.constant 0 : i32
    %scan3A_7 = arith.constant 0 : i32
    %scan3A_8 = arith.constant 640 : i32
    %scan3A_9 = arith.addi %scan3A_7, %scan3A_8 : i32
    %scan3A_10 = arith.constant 1 : i32
    scf.for %scan3A_57 = %scan3A_7 to %scan3A_9 step %scan3A_10  : i32 {
      %get3A = arith.index_cast %scan3A_57 : i32 to index
      %get3A_58 = arith.constant 0 : index
      %get3A_59 = tpu.vector_load %arg13[%get3A, %get3A_58] {strides = array<i32>} : memref<640x16xf32, #tpu.memory_space<vmem>>, vector<1x16xf32>,
      %get3A_60 = vector.shape_cast %get3A_59 : vector<1x16xf32> to vector<16xf32>
      %mul3A_61 = arith.constant 1.000000e-01 : f32
      %mul3A_62 = vector.broadcast %mul3A_61 : f32 to vector<16xf32>
      %mul3A_63 = arith.mulf %get3A_60, %mul3A_62 : vector<16xf32>
      %swap3A = arith.index_cast %scan3A_57 : i32 to index
      %swap3A_64 = arith.constant 0 : index
      %swap3A_65 = tpu.vector_load %arg11[%swap3A, %swap3A_64] {strides = array<i32>} : memref<640x16xf32, #tpu.memory_space<vmem>>, vector<1x16xf32>,
      %swap3A_66 = vector.shape_cast %swap3A_65 : vector<1x16xf32> to vector<16xf32>
      %swap3A_67 = vector.shape_cast %mul3A_63 : vector<16xf32> to vector<1x16xf32>
      tpu.vector_store %arg11[%swap3A, %swap3A_64], %swap3A_67 {strides = array<i32>} : memref<640x16xf32, #tpu.memory_space<vmem>>, vector<1x16xf32>,
    }
    %scan3A_11 = arith.constant 640 : i32
    %add3A = arith.constant 0 : i32
    %add3A_12 = arith.addi %mul3A_0, %add3A : i32
    "tpu.region"() ({
      %run_scoped3A = tpu.sem_alloc : memref<!tpu.dma_semaphore, #tpu.memory_space<semaphore_mem>>
      %dma_start3A = arith.constant 0 : i32
      %dma_start3A_57 = tpu.memref_slice %arg7[%add3A_12, %dma_start3A] : memref<10240x16xf32, #tpu.memory_space<vmem_shared>> -> memref<128x16xf32, #tpu.memory_space<vmem_shared>>
      %dma_start3A_58 = arith.constant 0 : i32
      %dma_start3A_59 = tpu.memref_slice %arg7[%add3A_12, %dma_start3A_58] : memref<10240x16xf32, #tpu.memory_space<vmem_shared>> -> memref<128x16xf32, #tpu.memory_space<vmem_shared>>
      tpu.enqueue_dma source(%arg16 : memref<128x16xf32, #tpu.memory_space<vmem>>) target(%dma_start3A_59 : memref<128x16xf32, #tpu.memory_space<vmem_shared>>) target_semaphore(%run_scoped3A : memref<!tpu.dma_semaphore, #tpu.memory_space<semaphore_mem>>)
      %dma_wait3A = arith.constant 0 : i32
      %dma_wait3A_60 = tpu.memref_slice %arg7[%add3A_12, %dma_wait3A] : memref<10240x16xf32, #tpu.memory_space<vmem_shared>> -> memref<128x16xf32, #tpu.memory_space<vmem_shared>>
      %dma_wait3A_61 = arith.constant 0 : i32
      %dma_wait3A_62 = tpu.memref_slice %arg7[%add3A_12, %dma_wait3A_61] : memref<10240x16xf32, #tpu.memory_space<vmem_shared>> -> memref<128x16xf32, #tpu.memory_space<vmem_shared>>
      tpu.wait_dma2 semaphore(%run_scoped3A : memref<!tpu.dma_semaphore, #tpu.memory_space<semaphore_mem>>) src(%arg16 : memref<128x16xf32, #tpu.memory_space<vmem>>) dst(%dma_wait3A_62 : memref<128x16xf32, #tpu.memory_space<vmem_shared>>)
      tpu.yield
    }) : () -> ()
    %add3A_13 = arith.constant 128 : i32
    %add3A_14 = arith.addi %mul3A_0, %add3A_13 : i32
    "tpu.region"() ({
      %run_scoped3A = tpu.sem_alloc : memref<!tpu.dma_semaphore, #tpu.memory_space<semaphore_mem>>
      %dma_start3A = arith.constant 0 : i32
      %dma_start3A_57 = tpu.memref_slice %arg7[%add3A_14, %dma_start3A] : memref<10240x16xf32, #tpu.memory_space<vmem_shared>> -> memref<128x16xf32, #tpu.memory_space<vmem_shared>>
      %dma_start3A_58 = arith.constant 0 : i32
      %dma_start3A_59 = tpu.memref_slice %arg7[%add3A_14, %dma_start3A_58] : memref<10240x16xf32, #tpu.memory_space<vmem_shared>> -> memref<128x16xf32, #tpu.memory_space<vmem_shared>>
      tpu.enqueue_dma source(%arg16 : memref<128x16xf32, #tpu.memory_space<vmem>>) target(%dma_start3A_59 : memref<128x16xf32, #tpu.memory_space<vmem_shared>>) target_semaphore(%run_scoped3A : memref<!tpu.dma_semaphore, #tpu.memory_space<semaphore_mem>>)
      %dma_wait3A = arith.constant 0 : i32
      %dma_wait3A_60 = tpu.memref_slice %arg7[%add3A_14, %dma_wait3A] : memref<10240x16xf32, #tpu.memory_space<vmem_shared>> -> memref<128x16xf32, #tpu.memory_space<vmem_shared>>
      %dma_wait3A_61 = arith.constant 0 : i32
      %dma_wait3A_62 = tpu.memref_slice %arg7[%add3A_14, %dma_wait3A_61] : memref<10240x16xf32, #tpu.memory_space<vmem_shared>> -> memref<128x16xf32, #tpu.memory_space<vmem_shared>>
      tpu.wait_dma2 semaphore(%run_scoped3A : memref<!tpu.dma_semaphore, #tpu.memory_space<semaphore_mem>>) src(%arg16 : memref<128x16xf32, #tpu.memory_space<vmem>>) dst(%dma_wait3A_62 : memref<128x16xf32, #tpu.memory_space<vmem_shared>>)
      tpu.yield
    }) : () -> ()
    %add3A_15 = arith.constant 256 : i32
    %add3A_16 = arith.addi %mul3A_0, %add3A_15 : i32
    "tpu.region"() ({
      %run_scoped3A = tpu.sem_alloc : memref<!tpu.dma_semaphore, #tpu.memory_space<semaphore_mem>>
      %dma_start3A = arith.constant 0 : i32
      %dma_start3A_57 = tpu.memref_slice %arg7[%add3A_16, %dma_start3A] : memref<10240x16xf32, #tpu.memory_space<vmem_shared>> -> memref<128x16xf32, #tpu.memory_space<vmem_shared>>
      %dma_start3A_58 = arith.constant 0 : i32
      %dma_start3A_59 = tpu.memref_slice %arg7[%add3A_16, %dma_start3A_58] : memref<10240x16xf32, #tpu.memory_space<vmem_shared>> -> memref<128x16xf32, #tpu.memory_space<vmem_shared>>
      tpu.enqueue_dma source(%arg16 : memref<128x16xf32, #tpu.memory_space<vmem>>) target(%dma_start3A_59 : memref<128x16xf32, #tpu.memory_space<vmem_shared>>) target_semaphore(%run_scoped3A : memref<!tpu.dma_semaphore, #tpu.memory_space<semaphore_mem>>)
      %dma_wait3A = arith.constant 0 : i32
      %dma_wait3A_60 = tpu.memref_slice %arg7[%add3A_16, %dma_wait3A] : memref<10240x16xf32, #tpu.memory_space<vmem_shared>> -> memref<128x16xf32, #tpu.memory_space<vmem_shared>>
      %dma_wait3A_61 = arith.constant 0 : i32
      %dma_wait3A_62 = tpu.memref_slice %arg7[%add3A_16, %dma_wait3A_61] : memref<10240x16xf32, #tpu.memory_space<vmem_shared>> -> memref<128x16xf32, #tpu.memory_space<vmem_shared>>
      tpu.wait_dma2 semaphore(%run_scoped3A : memref<!tpu.dma_semaphore, #tpu.memory_space<semaphore_mem>>) src(%arg16 : memref<128x16xf32, #tpu.memory_space<vmem>>) dst(%dma_wait3A_62 : memref<128x16xf32, #tpu.memory_space<vmem_shared>>)
      tpu.yield
    }) : () -> ()
    %add3A_17 = arith.constant 384 : i32
    %add3A_18 = arith.addi %mul3A_0, %add3A_17 : i32
    "tpu.region"() ({
      %run_scoped3A = tpu.sem_alloc : memref<!tpu.dma_semaphore, #tpu.memory_space<semaphore_mem>>
      %dma_start3A = arith.constant 0 : i32
      %dma_start3A_57 = tpu.memref_slice %arg7[%add3A_18, %dma_start3A] : memref<10240x16xf32, #tpu.memory_space<vmem_shared>> -> memref<128x16xf32, #tpu.memory_space<vmem_shared>>
      %dma_start3A_58 = arith.constant 0 : i32
      %dma_start3A_59 = tpu.memref_slice %arg7[%add3A_18, %dma_start3A_58] : memref<10240x16xf32, #tpu.memory_space<vmem_shared>> -> memref<128x16xf32, #tpu.memory_space<vmem_shared>>
      tpu.enqueue_dma source(%arg16 : memref<128x16xf32, #tpu.memory_space<vmem>>) target(%dma_start3A_59 : memref<128x16xf32, #tpu.memory_space<vmem_shared>>) target_semaphore(%run_scoped3A : memref<!tpu.dma_semaphore, #tpu.memory_space<semaphore_mem>>)
      %dma_wait3A = arith.constant 0 : i32
      %dma_wait3A_60 = tpu.memref_slice %arg7[%add3A_18, %dma_wait3A] : memref<10240x16xf32, #tpu.memory_space<vmem_shared>> -> memref<128x16xf32, #tpu.memory_space<vmem_shared>>
      %dma_wait3A_61 = arith.constant 0 : i32
      %dma_wait3A_62 = tpu.memref_slice %arg7[%add3A_18, %dma_wait3A_61] : memref<10240x16xf32, #tpu.memory_space<vmem_shared>> -> memref<128x16xf32, #tpu.memory_space<vmem_shared>>
      tpu.wait_dma2 semaphore(%run_scoped3A : memref<!tpu.dma_semaphore, #tpu.memory_space<semaphore_mem>>) src(%arg16 : memref<128x16xf32, #tpu.memory_space<vmem>>) dst(%dma_wait3A_62 : memref<128x16xf32, #tpu.memory_space<vmem_shared>>)
      tpu.yield
    }) : () -> ()
    %add3A_19 = arith.constant 512 : i32
    %add3A_20 = arith.addi %mul3A_0, %add3A_19 : i32
    "tpu.region"() ({
      %run_scoped3A = tpu.sem_alloc : memref<!tpu.dma_semaphore, #tpu.memory_space<semaphore_mem>>
      %dma_start3A = arith.constant 0 : i32
      %dma_start3A_57 = tpu.memref_slice %arg7[%add3A_20, %dma_start3A] : memref<10240x16xf32, #tpu.memory_space<vmem_shared>> -> memref<128x16xf32, #tpu.memory_space<vmem_shared>>
      %dma_start3A_58 = arith.constant 0 : i32
      %dma_start3A_59 = tpu.memref_slice %arg7[%add3A_20, %dma_start3A_58] : memref<10240x16xf32, #tpu.memory_space<vmem_shared>> -> memref<128x16xf32, #tpu.memory_space<vmem_shared>>
      tpu.enqueue_dma source(%arg16 : memref<128x16xf32, #tpu.memory_space<vmem>>) target(%dma_start3A_59 : memref<128x16xf32, #tpu.memory_space<vmem_shared>>) target_semaphore(%run_scoped3A : memref<!tpu.dma_semaphore, #tpu.memory_space<semaphore_mem>>)
      %dma_wait3A = arith.constant 0 : i32
      %dma_wait3A_60 = tpu.memref_slice %arg7[%add3A_20, %dma_wait3A] : memref<10240x16xf32, #tpu.memory_space<vmem_shared>> -> memref<128x16xf32, #tpu.memory_space<vmem_shared>>
      %dma_wait3A_61 = arith.constant 0 : i32
      %dma_wait3A_62 = tpu.memref_slice %arg7[%add3A_20, %dma_wait3A_61] : memref<10240x16xf32, #tpu.memory_space<vmem_shared>> -> memref<128x16xf32, #tpu.memory_space<vmem_shared>>
      tpu.wait_dma2 semaphore(%run_scoped3A : memref<!tpu.dma_semaphore, #tpu.memory_space<semaphore_mem>>) src(%arg16 : memref<128x16xf32, #tpu.memory_space<vmem>>) dst(%dma_wait3A_62 : memref<128x16xf32, #tpu.memory_space<vmem_shared>>)
      tpu.yield
    }) : () -> ()
    %barrier3A = arith.constant 0 : index
    tpu.barrier barrier_id(%barrier3A)
    %scan3A_21 = arith.constant 0 : i32
    %scan3A_22 = arith.constant 0 : i32
    %scan3A_23 = arith.constant 10 : i32
    %scan3A_24 = arith.addi %scan3A_22, %scan3A_23 : i32
    %scan3A_25 = arith.constant 1 : i32
    scf.for %scan3A_57 = %scan3A_22 to %scan3A_24 step %scan3A_25  : i32 {
      %mul3A_58 = arith.constant 16 : i32
      %mul3A_59 = arith.muli %scan3A_57, %mul3A_58 : i32
      %add3A_60 = arith.constant 0 : i32
      %add3A_61 = arith.addi %mul3A_59, %add3A_60 : i32
      %dma_start3A = arith.constant 0 : i32
      %dma_start3A_62 = tpu.memref_slice %arg9[%add3A_61, %dma_start3A] : memref<160x128xi32, #tpu.memory_space<vmem>> -> memref<1x128xi32, #tpu.memory_space<vmem>>
      %dma_start3A_63 = tpu.memref_squeeze %dma_start3A_62 : memref<1x128xi32, #tpu.memory_space<vmem>> -> memref<128xi32, #tpu.memory_space<vmem>>
      %dma_start3A_64 = arith.constant 0 : i32
      %dma_start3A_65 = arith.constant 0 : i32
      %dma_start3A_66 = tpu.memref_slice %arg7[%dma_start3A_64, %dma_start3A_65] : memref<10240x16xf32, #tpu.memory_space<vmem_shared>> -> memref<10240x16xf32, #tpu.memory_space<vmem_shared>>
      tpu.enqueue_indirect_dma source(%arg15 : memref<128x16xf32, #tpu.memory_space<vmem>>) target(%dma_start3A_66 : memref<10240x16xf32, #tpu.memory_space<vmem_shared>>) offsets(%dma_start3A_63 : memref<128xi32, #tpu.memory_space<vmem>>) semaphore(%arg18 : memref<!tpu.dma_semaphore, #tpu.memory_space<semaphore_mem>>) {add = true}
      %add3A_67 = arith.constant 1 : i32
      %add3A_68 = arith.addi %mul3A_59, %add3A_67 : i32
      %dma_start3A_69 = arith.constant 0 : i32
      %dma_start3A_70 = tpu.memref_slice %arg9[%add3A_68, %dma_start3A_69] : memref<160x128xi32, #tpu.memory_space<vmem>> -> memref<1x128xi32, #tpu.memory_space<vmem>>
      %dma_start3A_71 = tpu.memref_squeeze %dma_start3A_70 : memref<1x128xi32, #tpu.memory_space<vmem>> -> memref<128xi32, #tpu.memory_space<vmem>>
      %dma_start3A_72 = arith.constant 0 : i32
      %dma_start3A_73 = arith.constant 0 : i32
      %dma_start3A_74 = tpu.memref_slice %arg7[%dma_start3A_72, %dma_start3A_73] : memref<10240x16xf32, #tpu.memory_space<vmem_shared>> -> memref<10240x16xf32, #tpu.memory_space<vmem_shared>>
      tpu.enqueue_indirect_dma source(%arg15 : memref<128x16xf32, #tpu.memory_space<vmem>>) target(%dma_start3A_74 : memref<10240x16xf32, #tpu.memory_space<vmem_shared>>) offsets(%dma_start3A_71 : memref<128xi32, #tpu.memory_space<vmem>>) semaphore(%arg18 : memref<!tpu.dma_semaphore, #tpu.memory_space<semaphore_mem>>) {add = true}
      %add3A_75 = arith.constant 2 : i32
      %add3A_76 = arith.addi %mul3A_59, %add3A_75 : i32
      %dma_start3A_77 = arith.constant 0 : i32
      %dma_start3A_78 = tpu.memref_slice %arg9[%add3A_76, %dma_start3A_77] : memref<160x128xi32, #tpu.memory_space<vmem>> -> memref<1x128xi32, #tpu.memory_space<vmem>>
      %dma_start3A_79 = tpu.memref_squeeze %dma_start3A_78 : memref<1x128xi32, #tpu.memory_space<vmem>> -> memref<128xi32, #tpu.memory_space<vmem>>
      %dma_start3A_80 = arith.constant 0 : i32
      %dma_start3A_81 = arith.constant 0 : i32
      %dma_start3A_82 = tpu.memref_slice %arg7[%dma_start3A_80, %dma_start3A_81] : memref<10240x16xf32, #tpu.memory_space<vmem_shared>> -> memref<10240x16xf32, #tpu.memory_space<vmem_shared>>
      tpu.enqueue_indirect_dma source(%arg15 : memref<128x16xf32, #tpu.memory_space<vmem>>) target(%dma_start3A_82 : memref<10240x16xf32, #tpu.memory_space<vmem_shared>>) offsets(%dma_start3A_79 : memref<128xi32, #tpu.memory_space<vmem>>) semaphore(%arg18 : memref<!tpu.dma_semaphore, #tpu.memory_space<semaphore_mem>>) {add = true}
      %add3A_83 = arith.constant 3 : i32
      %add3A_84 = arith.addi %mul3A_59, %add3A_83 : i32
      %dma_start3A_85 = arith.constant 0 : i32
      %dma_start3A_86 = tpu.memref_slice %arg9[%add3A_84, %dma_start3A_85] : memref<160x128xi32, #tpu.memory_space<vmem>> -> memref<1x128xi32, #tpu.memory_space<vmem>>
      %dma_start3A_87 = tpu.memref_squeeze %dma_start3A_86 : memref<1x128xi32, #tpu.memory_space<vmem>> -> memref<128xi32, #tpu.memory_space<vmem>>
      %dma_start3A_88 = arith.constant 0 : i32
      %dma_start3A_89 = arith.constant 0 : i32
      %dma_start3A_90 = tpu.memref_slice %arg7[%dma_start3A_88, %dma_start3A_89] : memref<10240x16xf32, #tpu.memory_space<vmem_shared>> -> memref<10240x16xf32, #tpu.memory_space<vmem_shared>>
      tpu.enqueue_indirect_dma source(%arg15 : memref<128x16xf32, #tpu.memory_space<vmem>>) target(%dma_start3A_90 : memref<10240x16xf32, #tpu.memory_space<vmem_shared>>) offsets(%dma_start3A_87 : memref<128xi32, #tpu.memory_space<vmem>>) semaphore(%arg18 : memref<!tpu.dma_semaphore, #tpu.memory_space<semaphore_mem>>) {add = true}
      %add3A_91 = arith.constant 4 : i32
      %add3A_92 = arith.addi %mul3A_59, %add3A_91 : i32
      %dma_start3A_93 = arith.constant 0 : i32
      %dma_start3A_94 = tpu.memref_slice %arg9[%add3A_92, %dma_start3A_93] : memref<160x128xi32, #tpu.memory_space<vmem>> -> memref<1x128xi32, #tpu.memory_space<vmem>>
      %dma_start3A_95 = tpu.memref_squeeze %dma_start3A_94 : memref<1x128xi32, #tpu.memory_space<vmem>> -> memref<128xi32, #tpu.memory_space<vmem>>
      %dma_start3A_96 = arith.constant 0 : i32
      %dma_start3A_97 = arith.constant 0 : i32
      %dma_start3A_98 = tpu.memref_slice %arg7[%dma_start3A_96, %dma_start3A_97] : memref<10240x16xf32, #tpu.memory_space<vmem_shared>> -> memref<10240x16xf32, #tpu.memory_space<vmem_shared>>
      tpu.enqueue_indirect_dma source(%arg15 : memref<128x16xf32, #tpu.memory_space<vmem>>) target(%dma_start3A_98 : memref<10240x16xf32, #tpu.memory_space<vmem_shared>>) offsets(%dma_start3A_95 : memref<128xi32, #tpu.memory_space<vmem>>) semaphore(%arg18 : memref<!tpu.dma_semaphore, #tpu.memory_space<semaphore_mem>>) {add = true}
      %add3A_99 = arith.constant 5 : i32
      %add3A_100 = arith.addi %mul3A_59, %add3A_99 : i32
      %dma_start3A_101 = arith.constant 0 : i32
      %dma_start3A_102 = tpu.memref_slice %arg9[%add3A_100, %dma_start3A_101] : memref<160x128xi32, #tpu.memory_space<vmem>> -> memref<1x128xi32, #tpu.memory_space<vmem>>
      %dma_start3A_103 = tpu.memref_squeeze %dma_start3A_102 : memref<1x128xi32, #tpu.memory_space<vmem>> -> memref<128xi32, #tpu.memory_space<vmem>>
      %dma_start3A_104 = arith.constant 0 : i32
      %dma_start3A_105 = arith.constant 0 : i32
      %dma_start3A_106 = tpu.memref_slice %arg7[%dma_start3A_104, %dma_start3A_105] : memref<10240x16xf32, #tpu.memory_space<vmem_shared>> -> memref<10240x16xf32, #tpu.memory_space<vmem_shared>>
      tpu.enqueue_indirect_dma source(%arg15 : memref<128x16xf32, #tpu.memory_space<vmem>>) target(%dma_start3A_106 : memref<10240x16xf32, #tpu.memory_space<vmem_shared>>) offsets(%dma_start3A_103 : memref<128xi32, #tpu.memory_space<vmem>>) semaphore(%arg18 : memref<!tpu.dma_semaphore, #tpu.memory_space<semaphore_mem>>) {add = true}
      %add3A_107 = arith.constant 6 : i32
      %add3A_108 = arith.addi %mul3A_59, %add3A_107 : i32
      %dma_start3A_109 = arith.constant 0 : i32
      %dma_start3A_110 = tpu.memref_slice %arg9[%add3A_108, %dma_start3A_109] : memref<160x128xi32, #tpu.memory_space<vmem>> -> memref<1x128xi32, #tpu.memory_space<vmem>>
      %dma_start3A_111 = tpu.memref_squeeze %dma_start3A_110 : memref<1x128xi32, #tpu.memory_space<vmem>> -> memref<128xi32, #tpu.memory_space<vmem>>
      %dma_start3A_112 = arith.constant 0 : i32
      %dma_start3A_113 = arith.constant 0 : i32
      %dma_start3A_114 = tpu.memref_slice %arg7[%dma_start3A_112, %dma_start3A_113] : memref<10240x16xf32, #tpu.memory_space<vmem_shared>> -> memref<10240x16xf32, #tpu.memory_space<vmem_shared>>
      tpu.enqueue_indirect_dma source(%arg15 : memref<128x16xf32, #tpu.memory_space<vmem>>) target(%dma_start3A_114 : memref<10240x16xf32, #tpu.memory_space<vmem_shared>>) offsets(%dma_start3A_111 : memref<128xi32, #tpu.memory_space<vmem>>) semaphore(%arg18 : memref<!tpu.dma_semaphore, #tpu.memory_space<semaphore_mem>>) {add = true}
      %add3A_115 = arith.constant 7 : i32
      %add3A_116 = arith.addi %mul3A_59, %add3A_115 : i32
      %dma_start3A_117 = arith.constant 0 : i32
      %dma_start3A_118 = tpu.memref_slice %arg9[%add3A_116, %dma_start3A_117] : memref<160x128xi32, #tpu.memory_space<vmem>> -> memref<1x128xi32, #tpu.memory_space<vmem>>
      %dma_start3A_119 = tpu.memref_squeeze %dma_start3A_118 : memref<1x128xi32, #tpu.memory_space<vmem>> -> memref<128xi32, #tpu.memory_space<vmem>>
      %dma_start3A_120 = arith.constant 0 : i32
      %dma_start3A_121 = arith.constant 0 : i32
      %dma_start3A_122 = tpu.memref_slice %arg7[%dma_start3A_120, %dma_start3A_121] : memref<10240x16xf32, #tpu.memory_space<vmem_shared>> -> memref<10240x16xf32, #tpu.memory_space<vmem_shared>>
      tpu.enqueue_indirect_dma source(%arg15 : memref<128x16xf32, #tpu.memory_space<vmem>>) target(%dma_start3A_122 : memref<10240x16xf32, #tpu.memory_space<vmem_shared>>) offsets(%dma_start3A_119 : memref<128xi32, #tpu.memory_space<vmem>>) semaphore(%arg18 : memref<!tpu.dma_semaphore, #tpu.memory_space<semaphore_mem>>) {add = true}
      %add3A_123 = arith.constant 8 : i32
      %add3A_124 = arith.addi %mul3A_59, %add3A_123 : i32
      %dma_start3A_125 = arith.constant 0 : i32
      %dma_start3A_126 = tpu.memref_slice %arg9[%add3A_124, %dma_start3A_125] : memref<160x128xi32, #tpu.memory_space<vmem>> -> memref<1x128xi32, #tpu.memory_space<vmem>>
      %dma_start3A_127 = tpu.memref_squeeze %dma_start3A_126 : memref<1x128xi32, #tpu.memory_space<vmem>> -> memref<128xi32, #tpu.memory_space<vmem>>
      %dma_start3A_128 = arith.constant 0 : i32
      %dma_start3A_129 = arith.constant 0 : i32
      %dma_start3A_130 = tpu.memref_slice %arg7[%dma_start3A_128, %dma_start3A_129] : memref<10240x16xf32, #tpu.memory_space<vmem_shared>> -> memref<10240x16xf32, #tpu.memory_space<vmem_shared>>
      tpu.enqueue_indirect_dma source(%arg15 : memref<128x16xf32, #tpu.memory_space<vmem>>) target(%dma_start3A_130 : memref<10240x16xf32, #tpu.memory_space<vmem_shared>>) offsets(%dma_start3A_127 : memref<128xi32, #tpu.memory_space<vmem>>) semaphore(%arg18 : memref<!tpu.dma_semaphore, #tpu.memory_space<semaphore_mem>>) {add = true}
      %add3A_131 = arith.constant 9 : i32
      %add3A_132 = arith.addi %mul3A_59, %add3A_131 : i32
      %dma_start3A_133 = arith.constant 0 : i32
      %dma_start3A_134 = tpu.memref_slice %arg9[%add3A_132, %dma_start3A_133] : memref<160x128xi32, #tpu.memory_space<vmem>> -> memref<1x128xi32, #tpu.memory_space<vmem>>
      %dma_start3A_135 = tpu.memref_squeeze %dma_start3A_134 : memref<1x128xi32, #tpu.memory_space<vmem>> -> memref<128xi32, #tpu.memory_space<vmem>>
      %dma_start3A_136 = arith.constant 0 : i32
      %dma_start3A_137 = arith.constant 0 : i32
      %dma_start3A_138 = tpu.memref_slice %arg7[%dma_start3A_136, %dma_start3A_137] : memref<10240x16xf32, #tpu.memory_space<vmem_shared>> -> memref<10240x16xf32, #tpu.memory_space<vmem_shared>>
      tpu.enqueue_indirect_dma source(%arg15 : memref<128x16xf32, #tpu.memory_space<vmem>>) target(%dma_start3A_138 : memref<10240x16xf32, #tpu.memory_space<vmem_shared>>) offsets(%dma_start3A_135 : memref<128xi32, #tpu.memory_space<vmem>>) semaphore(%arg18 : memref<!tpu.dma_semaphore, #tpu.memory_space<semaphore_mem>>) {add = true}
      %add3A_139 = arith.constant 10 : i32
      %add3A_140 = arith.addi %mul3A_59, %add3A_139 : i32
      %dma_start3A_141 = arith.constant 0 : i32
      %dma_start3A_142 = tpu.memref_slice %arg9[%add3A_140, %dma_start3A_141] : memref<160x128xi32, #tpu.memory_space<vmem>> -> memref<1x128xi32, #tpu.memory_space<vmem>>
      %dma_start3A_143 = tpu.memref_squeeze %dma_start3A_142 : memref<1x128xi32, #tpu.memory_space<vmem>> -> memref<128xi32, #tpu.memory_space<vmem>>
      %dma_start3A_144 = arith.constant 0 : i32
      %dma_start3A_145 = arith.constant 0 : i32
      %dma_start3A_146 = tpu.memref_slice %arg7[%dma_start3A_144, %dma_start3A_145] : memref<10240x16xf32, #tpu.memory_space<vmem_shared>> -> memref<10240x16xf32, #tpu.memory_space<vmem_shared>>
      tpu.enqueue_indirect_dma source(%arg15 : memref<128x16xf32, #tpu.memory_space<vmem>>) target(%dma_start3A_146 : memref<10240x16xf32, #tpu.memory_space<vmem_shared>>) offsets(%dma_start3A_143 : memref<128xi32, #tpu.memory_space<vmem>>) semaphore(%arg18 : memref<!tpu.dma_semaphore, #tpu.memory_space<semaphore_mem>>) {add = true}
      %add3A_147 = arith.constant 11 : i32
      %add3A_148 = arith.addi %mul3A_59, %add3A_147 : i32
      %dma_start3A_149 = arith.constant 0 : i32
      %dma_start3A_150 = tpu.memref_slice %arg9[%add3A_148, %dma_start3A_149] : memref<160x128xi32, #tpu.memory_space<vmem>> -> memref<1x128xi32, #tpu.memory_space<vmem>>
      %dma_start3A_151 = tpu.memref_squeeze %dma_start3A_150 : memref<1x128xi32, #tpu.memory_space<vmem>> -> memref<128xi32, #tpu.memory_space<vmem>>
      %dma_start3A_152 = arith.constant 0 : i32
      %dma_start3A_153 = arith.constant 0 : i32
      %dma_start3A_154 = tpu.memref_slice %arg7[%dma_start3A_152, %dma_start3A_153] : memref<10240x16xf32, #tpu.memory_space<vmem_shared>> -> memref<10240x16xf32, #tpu.memory_space<vmem_shared>>
      tpu.enqueue_indirect_dma source(%arg15 : memref<128x16xf32, #tpu.memory_space<vmem>>) target(%dma_start3A_154 : memref<10240x16xf32, #tpu.memory_space<vmem_shared>>) offsets(%dma_start3A_151 : memref<128xi32, #tpu.memory_space<vmem>>) semaphore(%arg18 : memref<!tpu.dma_semaphore, #tpu.memory_space<semaphore_mem>>) {add = true}
      %add3A_155 = arith.constant 12 : i32
      %add3A_156 = arith.addi %mul3A_59, %add3A_155 : i32
      %dma_start3A_157 = arith.constant 0 : i32
      %dma_start3A_158 = tpu.memref_slice %arg9[%add3A_156, %dma_start3A_157] : memref<160x128xi32, #tpu.memory_space<vmem>> -> memref<1x128xi32, #tpu.memory_space<vmem>>
      %dma_start3A_159 = tpu.memref_squeeze %dma_start3A_158 : memref<1x128xi32, #tpu.memory_space<vmem>> -> memref<128xi32, #tpu.memory_space<vmem>>
      %dma_start3A_160 = arith.constant 0 : i32
      %dma_start3A_161 = arith.constant 0 : i32
      %dma_start3A_162 = tpu.memref_slice %arg7[%dma_start3A_160, %dma_start3A_161] : memref<10240x16xf32, #tpu.memory_space<vmem_shared>> -> memref<10240x16xf32, #tpu.memory_space<vmem_shared>>
      tpu.enqueue_indirect_dma source(%arg15 : memref<128x16xf32, #tpu.memory_space<vmem>>) target(%dma_start3A_162 : memref<10240x16xf32, #tpu.memory_space<vmem_shared>>) offsets(%dma_start3A_159 : memref<128xi32, #tpu.memory_space<vmem>>) semaphore(%arg18 : memref<!tpu.dma_semaphore, #tpu.memory_space<semaphore_mem>>) {add = true}
      %add3A_163 = arith.constant 13 : i32
      %add3A_164 = arith.addi %mul3A_59, %add3A_163 : i32
      %dma_start3A_165 = arith.constant 0 : i32
      %dma_start3A_166 = tpu.memref_slice %arg9[%add3A_164, %dma_start3A_165] : memref<160x128xi32, #tpu.memory_space<vmem>> -> memref<1x128xi32, #tpu.memory_space<vmem>>
      %dma_start3A_167 = tpu.memref_squeeze %dma_start3A_166 : memref<1x128xi32, #tpu.memory_space<vmem>> -> memref<128xi32, #tpu.memory_space<vmem>>
      %dma_start3A_168 = arith.constant 0 : i32
      %dma_start3A_169 = arith.constant 0 : i32
      %dma_start3A_170 = tpu.memref_slice %arg7[%dma_start3A_168, %dma_start3A_169] : memref<10240x16xf32, #tpu.memory_space<vmem_shared>> -> memref<10240x16xf32, #tpu.memory_space<vmem_shared>>
      tpu.enqueue_indirect_dma source(%arg15 : memref<128x16xf32, #tpu.memory_space<vmem>>) target(%dma_start3A_170 : memref<10240x16xf32, #tpu.memory_space<vmem_shared>>) offsets(%dma_start3A_167 : memref<128xi32, #tpu.memory_space<vmem>>) semaphore(%arg18 : memref<!tpu.dma_semaphore, #tpu.memory_space<semaphore_mem>>) {add = true}
      %add3A_171 = arith.constant 14 : i32
      %add3A_172 = arith.addi %mul3A_59, %add3A_171 : i32
      %dma_start3A_173 = arith.constant 0 : i32
      %dma_start3A_174 = tpu.memref_slice %arg9[%add3A_172, %dma_start3A_173] : memref<160x128xi32, #tpu.memory_space<vmem>> -> memref<1x128xi32, #tpu.memory_space<vmem>>
      %dma_start3A_175 = tpu.memref_squeeze %dma_start3A_174 : memref<1x128xi32, #tpu.memory_space<vmem>> -> memref<128xi32, #tpu.memory_space<vmem>>
      %dma_start3A_176 = arith.constant 0 : i32
      %dma_start3A_177 = arith.constant 0 : i32
      %dma_start3A_178 = tpu.memref_slice %arg7[%dma_start3A_176, %dma_start3A_177] : memref<10240x16xf32, #tpu.memory_space<vmem_shared>> -> memref<10240x16xf32, #tpu.memory_space<vmem_shared>>
      tpu.enqueue_indirect_dma source(%arg15 : memref<128x16xf32, #tpu.memory_space<vmem>>) target(%dma_start3A_178 : memref<10240x16xf32, #tpu.memory_space<vmem_shared>>) offsets(%dma_start3A_175 : memref<128xi32, #tpu.memory_space<vmem>>) semaphore(%arg18 : memref<!tpu.dma_semaphore, #tpu.memory_space<semaphore_mem>>) {add = true}
      %add3A_179 = arith.constant 15 : i32
      %add3A_180 = arith.addi %mul3A_59, %add3A_179 : i32
      %dma_start3A_181 = arith.constant 0 : i32
      %dma_start3A_182 = tpu.memref_slice %arg9[%add3A_180, %dma_start3A_181] : memref<160x128xi32, #tpu.memory_space<vmem>> -> memref<1x128xi32, #tpu.memory_space<vmem>>
      %dma_start3A_183 = tpu.memref_squeeze %dma_start3A_182 : memref<1x128xi32, #tpu.memory_space<vmem>> -> memref<128xi32, #tpu.memory_space<vmem>>
      %dma_start3A_184 = arith.constant 0 : i32
      %dma_start3A_185 = arith.constant 0 : i32
      %dma_start3A_186 = tpu.memref_slice %arg7[%dma_start3A_184, %dma_start3A_185] : memref<10240x16xf32, #tpu.memory_space<vmem_shared>> -> memref<10240x16xf32, #tpu.memory_space<vmem_shared>>
      tpu.enqueue_indirect_dma source(%arg15 : memref<128x16xf32, #tpu.memory_space<vmem>>) target(%dma_start3A_186 : memref<10240x16xf32, #tpu.memory_space<vmem_shared>>) offsets(%dma_start3A_183 : memref<128xi32, #tpu.memory_space<vmem>>) semaphore(%arg18 : memref<!tpu.dma_semaphore, #tpu.memory_space<semaphore_mem>>) {add = true}
      %dma_wait3A = arith.constant 0 : i32
      %dma_wait3A_187 = tpu.memref_slice %arg9[%add3A_61, %dma_wait3A] : memref<160x128xi32, #tpu.memory_space<vmem>> -> memref<1x128xi32, #tpu.memory_space<vmem>>
      %dma_wait3A_188 = tpu.memref_squeeze %dma_wait3A_187 : memref<1x128xi32, #tpu.memory_space<vmem>> -> memref<128xi32, #tpu.memory_space<vmem>>
      %dma_wait3A_189 = arith.constant 0 : i32
      %dma_wait3A_190 = arith.constant 0 : i32
      %dma_wait3A_191 = tpu.memref_slice %arg7[%dma_wait3A_189, %dma_wait3A_190] : memref<10240x16xf32, #tpu.memory_space<vmem_shared>> -> memref<10240x16xf32, #tpu.memory_space<vmem_shared>>
      tpu.wait_indirect_dma semaphore(%arg18 : memref<!tpu.dma_semaphore, #tpu.memory_space<semaphore_mem>>) src(%arg15 : memref<128x16xf32, #tpu.memory_space<vmem>>) dst(%dma_wait3A_191 : memref<10240x16xf32, #tpu.memory_space<vmem_shared>>)
      %dma_wait3A_192 = arith.constant 0 : i32
      %dma_wait3A_193 = tpu.memref_slice %arg9[%add3A_68, %dma_wait3A_192] : memref<160x128xi32, #tpu.memory_space<vmem>> -> memref<1x128xi32, #tpu.memory_space<vmem>>
      %dma_wait3A_194 = tpu.memref_squeeze %dma_wait3A_193 : memref<1x128xi32, #tpu.memory_space<vmem>> -> memref<128xi32, #tpu.memory_space<vmem>>
      %dma_wait3A_195 = arith.constant 0 : i32
      %dma_wait3A_196 = arith.constant 0 : i32
      %dma_wait3A_197 = tpu.memref_slice %arg7[%dma_wait3A_195, %dma_wait3A_196] : memref<10240x16xf32, #tpu.memory_space<vmem_shared>> -> memref<10240x16xf32, #tpu.memory_space<vmem_shared>>
      tpu.wait_indirect_dma semaphore(%arg18 : memref<!tpu.dma_semaphore, #tpu.memory_space<semaphore_mem>>) src(%arg15 : memref<128x16xf32, #tpu.memory_space<vmem>>) dst(%dma_wait3A_197 : memref<10240x16xf32, #tpu.memory_space<vmem_shared>>)
      %dma_wait3A_198 = arith.constant 0 : i32
      %dma_wait3A_199 = tpu.memref_slice %arg9[%add3A_76, %dma_wait3A_198] : memref<160x128xi32, #tpu.memory_space<vmem>> -> memref<1x128xi32, #tpu.memory_space<vmem>>
      %dma_wait3A_200 = tpu.memref_squeeze %dma_wait3A_199 : memref<1x128xi32, #tpu.memory_space<vmem>> -> memref<128xi32, #tpu.memory_space<vmem>>
      %dma_wait3A_201 = arith.constant 0 : i32
      %dma_wait3A_202 = arith.constant 0 : i32
      %dma_wait3A_203 = tpu.memref_slice %arg7[%dma_wait3A_201, %dma_wait3A_202] : memref<10240x16xf32, #tpu.memory_space<vmem_shared>> -> memref<10240x16xf32, #tpu.memory_space<vmem_shared>>
      tpu.wait_indirect_dma semaphore(%arg18 : memref<!tpu.dma_semaphore, #tpu.memory_space<semaphore_mem>>) src(%arg15 : memref<128x16xf32, #tpu.memory_space<vmem>>) dst(%dma_wait3A_203 : memref<10240x16xf32, #tpu.memory_space<vmem_shared>>)
      %dma_wait3A_204 = arith.constant 0 : i32
      %dma_wait3A_205 = tpu.memref_slice %arg9[%add3A_84, %dma_wait3A_204] : memref<160x128xi32, #tpu.memory_space<vmem>> -> memref<1x128xi32, #tpu.memory_space<vmem>>
      %dma_wait3A_206 = tpu.memref_squeeze %dma_wait3A_205 : memref<1x128xi32, #tpu.memory_space<vmem>> -> memref<128xi32, #tpu.memory_space<vmem>>
      %dma_wait3A_207 = arith.constant 0 : i32
      %dma_wait3A_208 = arith.constant 0 : i32
      %dma_wait3A_209 = tpu.memref_slice %arg7[%dma_wait3A_207, %dma_wait3A_208] : memref<10240x16xf32, #tpu.memory_space<vmem_shared>> -> memref<10240x16xf32, #tpu.memory_space<vmem_shared>>
      tpu.wait_indirect_dma semaphore(%arg18 : memref<!tpu.dma_semaphore, #tpu.memory_space<semaphore_mem>>) src(%arg15 : memref<128x16xf32, #tpu.memory_space<vmem>>) dst(%dma_wait3A_209 : memref<10240x16xf32, #tpu.memory_space<vmem_shared>>)
      %dma_wait3A_210 = arith.constant 0 : i32
      %dma_wait3A_211 = tpu.memref_slice %arg9[%add3A_92, %dma_wait3A_210] : memref<160x128xi32, #tpu.memory_space<vmem>> -> memref<1x128xi32, #tpu.memory_space<vmem>>
      %dma_wait3A_212 = tpu.memref_squeeze %dma_wait3A_211 : memref<1x128xi32, #tpu.memory_space<vmem>> -> memref<128xi32, #tpu.memory_space<vmem>>
      %dma_wait3A_213 = arith.constant 0 : i32
      %dma_wait3A_214 = arith.constant 0 : i32
      %dma_wait3A_215 = tpu.memref_slice %arg7[%dma_wait3A_213, %dma_wait3A_214] : memref<10240x16xf32, #tpu.memory_space<vmem_shared>> -> memref<10240x16xf32, #tpu.memory_space<vmem_shared>>
      tpu.wait_indirect_dma semaphore(%arg18 : memref<!tpu.dma_semaphore, #tpu.memory_space<semaphore_mem>>) src(%arg15 : memref<128x16xf32, #tpu.memory_space<vmem>>) dst(%dma_wait3A_215 : memref<10240x16xf32, #tpu.memory_space<vmem_shared>>)
      %dma_wait3A_216 = arith.constant 0 : i32
      %dma_wait3A_217 = tpu.memref_slice %arg9[%add3A_100, %dma_wait3A_216] : memref<160x128xi32, #tpu.memory_space<vmem>> -> memref<1x128xi32, #tpu.memory_space<vmem>>
      %dma_wait3A_218 = tpu.memref_squeeze %dma_wait3A_217 : memref<1x128xi32, #tpu.memory_space<vmem>> -> memref<128xi32, #tpu.memory_space<vmem>>
      %dma_wait3A_219 = arith.constant 0 : i32
      %dma_wait3A_220 = arith.constant 0 : i32
      %dma_wait3A_221 = tpu.memref_slice %arg7[%dma_wait3A_219, %dma_wait3A_220] : memref<10240x16xf32, #tpu.memory_space<vmem_shared>> -> memref<10240x16xf32, #tpu.memory_space<vmem_shared>>
      tpu.wait_indirect_dma semaphore(%arg18 : memref<!tpu.dma_semaphore, #tpu.memory_space<semaphore_mem>>) src(%arg15 : memref<128x16xf32, #tpu.memory_space<vmem>>) dst(%dma_wait3A_221 : memref<10240x16xf32, #tpu.memory_space<vmem_shared>>)
      %dma_wait3A_222 = arith.constant 0 : i32
      %dma_wait3A_223 = tpu.memref_slice %arg9[%add3A_108, %dma_wait3A_222] : memref<160x128xi32, #tpu.memory_space<vmem>> -> memref<1x128xi32, #tpu.memory_space<vmem>>
      %dma_wait3A_224 = tpu.memref_squeeze %dma_wait3A_223 : memref<1x128xi32, #tpu.memory_space<vmem>> -> memref<128xi32, #tpu.memory_space<vmem>>
      %dma_wait3A_225 = arith.constant 0 : i32
      %dma_wait3A_226 = arith.constant 0 : i32
      %dma_wait3A_227 = tpu.memref_slice %arg7[%dma_wait3A_225, %dma_wait3A_226] : memref<10240x16xf32, #tpu.memory_space<vmem_shared>> -> memref<10240x16xf32, #tpu.memory_space<vmem_shared>>
      tpu.wait_indirect_dma semaphore(%arg18 : memref<!tpu.dma_semaphore, #tpu.memory_space<semaphore_mem>>) src(%arg15 : memref<128x16xf32, #tpu.memory_space<vmem>>) dst(%dma_wait3A_227 : memref<10240x16xf32, #tpu.memory_space<vmem_shared>>)
      %dma_wait3A_228 = arith.constant 0 : i32
      %dma_wait3A_229 = tpu.memref_slice %arg9[%add3A_116, %dma_wait3A_228] : memref<160x128xi32, #tpu.memory_space<vmem>> -> memref<1x128xi32, #tpu.memory_space<vmem>>
      %dma_wait3A_230 = tpu.memref_squeeze %dma_wait3A_229 : memref<1x128xi32, #tpu.memory_space<vmem>> -> memref<128xi32, #tpu.memory_space<vmem>>
      %dma_wait3A_231 = arith.constant 0 : i32
      %dma_wait3A_232 = arith.constant 0 : i32
      %dma_wait3A_233 = tpu.memref_slice %arg7[%dma_wait3A_231, %dma_wait3A_232] : memref<10240x16xf32, #tpu.memory_space<vmem_shared>> -> memref<10240x16xf32, #tpu.memory_space<vmem_shared>>
      tpu.wait_indirect_dma semaphore(%arg18 : memref<!tpu.dma_semaphore, #tpu.memory_space<semaphore_mem>>) src(%arg15 : memref<128x16xf32, #tpu.memory_space<vmem>>) dst(%dma_wait3A_233 : memref<10240x16xf32, #tpu.memory_space<vmem_shared>>)
      %dma_wait3A_234 = arith.constant 0 : i32
      %dma_wait3A_235 = tpu.memref_slice %arg9[%add3A_124, %dma_wait3A_234] : memref<160x128xi32, #tpu.memory_space<vmem>> -> memref<1x128xi32, #tpu.memory_space<vmem>>
      %dma_wait3A_236 = tpu.memref_squeeze %dma_wait3A_235 : memref<1x128xi32, #tpu.memory_space<vmem>> -> memref<128xi32, #tpu.memory_space<vmem>>
      %dma_wait3A_237 = arith.constant 0 : i32
      %dma_wait3A_238 = arith.constant 0 : i32
      %dma_wait3A_239 = tpu.memref_slice %arg7[%dma_wait3A_237, %dma_wait3A_238] : memref<10240x16xf32, #tpu.memory_space<vmem_shared>> -> memref<10240x16xf32, #tpu.memory_space<vmem_shared>>
      tpu.wait_indirect_dma semaphore(%arg18 : memref<!tpu.dma_semaphore, #tpu.memory_space<semaphore_mem>>) src(%arg15 : memref<128x16xf32, #tpu.memory_space<vmem>>) dst(%dma_wait3A_239 : memref<10240x16xf32, #tpu.memory_space<vmem_shared>>)
      %dma_wait3A_240 = arith.constant 0 : i32
      %dma_wait3A_241 = tpu.memref_slice %arg9[%add3A_132, %dma_wait3A_240] : memref<160x128xi32, #tpu.memory_space<vmem>> -> memref<1x128xi32, #tpu.memory_space<vmem>>
      %dma_wait3A_242 = tpu.memref_squeeze %dma_wait3A_241 : memref<1x128xi32, #tpu.memory_space<vmem>> -> memref<128xi32, #tpu.memory_space<vmem>>
      %dma_wait3A_243 = arith.constant 0 : i32
      %dma_wait3A_244 = arith.constant 0 : i32
      %dma_wait3A_245 = tpu.memref_slice %arg7[%dma_wait3A_243, %dma_wait3A_244] : memref<10240x16xf32, #tpu.memory_space<vmem_shared>> -> memref<10240x16xf32, #tpu.memory_space<vmem_shared>>
      tpu.wait_indirect_dma semaphore(%arg18 : memref<!tpu.dma_semaphore, #tpu.memory_space<semaphore_mem>>) src(%arg15 : memref<128x16xf32, #tpu.memory_space<vmem>>) dst(%dma_wait3A_245 : memref<10240x16xf32, #tpu.memory_space<vmem_shared>>)
      %dma_wait3A_246 = arith.constant 0 : i32
      %dma_wait3A_247 = tpu.memref_slice %arg9[%add3A_140, %dma_wait3A_246] : memref<160x128xi32, #tpu.memory_space<vmem>> -> memref<1x128xi32, #tpu.memory_space<vmem>>
      %dma_wait3A_248 = tpu.memref_squeeze %dma_wait3A_247 : memref<1x128xi32, #tpu.memory_space<vmem>> -> memref<128xi32, #tpu.memory_space<vmem>>
      %dma_wait3A_249 = arith.constant 0 : i32
      %dma_wait3A_250 = arith.constant 0 : i32
      %dma_wait3A_251 = tpu.memref_slice %arg7[%dma_wait3A_249, %dma_wait3A_250] : memref<10240x16xf32, #tpu.memory_space<vmem_shared>> -> memref<10240x16xf32, #tpu.memory_space<vmem_shared>>
      tpu.wait_indirect_dma semaphore(%arg18 : memref<!tpu.dma_semaphore, #tpu.memory_space<semaphore_mem>>) src(%arg15 : memref<128x16xf32, #tpu.memory_space<vmem>>) dst(%dma_wait3A_251 : memref<10240x16xf32, #tpu.memory_space<vmem_shared>>)
      %dma_wait3A_252 = arith.constant 0 : i32
      %dma_wait3A_253 = tpu.memref_slice %arg9[%add3A_148, %dma_wait3A_252] : memref<160x128xi32, #tpu.memory_space<vmem>> -> memref<1x128xi32, #tpu.memory_space<vmem>>
      %dma_wait3A_254 = tpu.memref_squeeze %dma_wait3A_253 : memref<1x128xi32, #tpu.memory_space<vmem>> -> memref<128xi32, #tpu.memory_space<vmem>>
      %dma_wait3A_255 = arith.constant 0 : i32
      %dma_wait3A_256 = arith.constant 0 : i32
      %dma_wait3A_257 = tpu.memref_slice %arg7[%dma_wait3A_255, %dma_wait3A_256] : memref<10240x16xf32, #tpu.memory_space<vmem_shared>> -> memref<10240x16xf32, #tpu.memory_space<vmem_shared>>
      tpu.wait_indirect_dma semaphore(%arg18 : memref<!tpu.dma_semaphore, #tpu.memory_space<semaphore_mem>>) src(%arg15 : memref<128x16xf32, #tpu.memory_space<vmem>>) dst(%dma_wait3A_257 : memref<10240x16xf32, #tpu.memory_space<vmem_shared>>)
      %dma_wait3A_258 = arith.constant 0 : i32
      %dma_wait3A_259 = tpu.memref_slice %arg9[%add3A_156, %dma_wait3A_258] : memref<160x128xi32, #tpu.memory_space<vmem>> -> memref<1x128xi32, #tpu.memory_space<vmem>>
      %dma_wait3A_260 = tpu.memref_squeeze %dma_wait3A_259 : memref<1x128xi32, #tpu.memory_space<vmem>> -> memref<128xi32, #tpu.memory_space<vmem>>
      %dma_wait3A_261 = arith.constant 0 : i32
      %dma_wait3A_262 = arith.constant 0 : i32
      %dma_wait3A_263 = tpu.memref_slice %arg7[%dma_wait3A_261, %dma_wait3A_262] : memref<10240x16xf32, #tpu.memory_space<vmem_shared>> -> memref<10240x16xf32, #tpu.memory_space<vmem_shared>>
      tpu.wait_indirect_dma semaphore(%arg18 : memref<!tpu.dma_semaphore, #tpu.memory_space<semaphore_mem>>) src(%arg15 : memref<128x16xf32, #tpu.memory_space<vmem>>) dst(%dma_wait3A_263 : memref<10240x16xf32, #tpu.memory_space<vmem_shared>>)
      %dma_wait3A_264 = arith.constant 0 : i32
      %dma_wait3A_265 = tpu.memref_slice %arg9[%add3A_164, %dma_wait3A_264] : memref<160x128xi32, #tpu.memory_space<vmem>> -> memref<1x128xi32, #tpu.memory_space<vmem>>
      %dma_wait3A_266 = tpu.memref_squeeze %dma_wait3A_265 : memref<1x128xi32, #tpu.memory_space<vmem>> -> memref<128xi32, #tpu.memory_space<vmem>>
      %dma_wait3A_267 = arith.constant 0 : i32
      %dma_wait3A_268 = arith.constant 0 : i32
      %dma_wait3A_269 = tpu.memref_slice %arg7[%dma_wait3A_267, %dma_wait3A_268] : memref<10240x16xf32, #tpu.memory_space<vmem_shared>> -> memref<10240x16xf32, #tpu.memory_space<vmem_shared>>
      tpu.wait_indirect_dma semaphore(%arg18 : memref<!tpu.dma_semaphore, #tpu.memory_space<semaphore_mem>>) src(%arg15 : memref<128x16xf32, #tpu.memory_space<vmem>>) dst(%dma_wait3A_269 : memref<10240x16xf32, #tpu.memory_space<vmem_shared>>)
      %dma_wait3A_270 = arith.constant 0 : i32
      %dma_wait3A_271 = tpu.memref_slice %arg9[%add3A_172, %dma_wait3A_270] : memref<160x128xi32, #tpu.memory_space<vmem>> -> memref<1x128xi32, #tpu.memory_space<vmem>>
      %dma_wait3A_272 = tpu.memref_squeeze %dma_wait3A_271 : memref<1x128xi32, #tpu.memory_space<vmem>> -> memref<128xi32, #tpu.memory_space<vmem>>
      %dma_wait3A_273 = arith.constant 0 : i32
      %dma_wait3A_274 = arith.constant 0 : i32
      %dma_wait3A_275 = tpu.memref_slice %arg7[%dma_wait3A_273, %dma_wait3A_274] : memref<10240x16xf32, #tpu.memory_space<vmem_shared>> -> memref<10240x16xf32, #tpu.memory_space<vmem_shared>>
      tpu.wait_indirect_dma semaphore(%arg18 : memref<!tpu.dma_semaphore, #tpu.memory_space<semaphore_mem>>) src(%arg15 : memref<128x16xf32, #tpu.memory_space<vmem>>) dst(%dma_wait3A_275 : memref<10240x16xf32, #tpu.memory_space<vmem_shared>>)
      %dma_wait3A_276 = arith.constant 0 : i32
      %dma_wait3A_277 = tpu.memref_slice %arg9[%add3A_180, %dma_wait3A_276] : memref<160x128xi32, #tpu.memory_space<vmem>> -> memref<1x128xi32, #tpu.memory_space<vmem>>
      %dma_wait3A_278 = tpu.memref_squeeze %dma_wait3A_277 : memref<1x128xi32, #tpu.memory_space<vmem>> -> memref<128xi32, #tpu.memory_space<vmem>>
      %dma_wait3A_279 = arith.constant 0 : i32
      %dma_wait3A_280 = arith.constant 0 : i32
      %dma_wait3A_281 = tpu.memref_slice %arg7[%dma_wait3A_279, %dma_wait3A_280] : memref<10240x16xf32, #tpu.memory_space<vmem_shared>> -> memref<10240x16xf32, #tpu.memory_space<vmem_shared>>
      tpu.wait_indirect_dma semaphore(%arg18 : memref<!tpu.dma_semaphore, #tpu.memory_space<semaphore_mem>>) src(%arg15 : memref<128x16xf32, #tpu.memory_space<vmem>>) dst(%dma_wait3A_281 : memref<10240x16xf32, #tpu.memory_space<vmem_shared>>)
    }
    %scan3A_26 = arith.constant 10 : i32
    %barrier3A_27 = arith.constant 0 : index
    tpu.barrier barrier_id(%barrier3A_27)
    "tpu.region"() ({
      %run_scoped3A = tpu.sem_alloc : memref<!tpu.dma_semaphore, #tpu.memory_space<semaphore_mem>>
      %dma_start3A = arith.constant 0 : i32
      %dma_start3A_57 = tpu.memref_slice %arg7[%mul3A_0, %dma_start3A] : memref<10240x16xf32, #tpu.memory_space<vmem_shared>> -> memref<640x16xf32, #tpu.memory_space<vmem_shared>>
      %dma_start3A_58 = arith.constant 0 : i32
      %dma_start3A_59 = tpu.memref_slice %arg7[%mul3A_0, %dma_start3A_58] : memref<10240x16xf32, #tpu.memory_space<vmem_shared>> -> memref<640x16xf32, #tpu.memory_space<vmem_shared>>
      tpu.enqueue_dma source(%dma_start3A_59 : memref<640x16xf32, #tpu.memory_space<vmem_shared>>) target(%arg12 : memref<640x16xf32, #tpu.memory_space<vmem>>) target_semaphore(%run_scoped3A : memref<!tpu.dma_semaphore, #tpu.memory_space<semaphore_mem>>)
      %dma_wait3A = arith.constant 0 : i32
      %dma_wait3A_60 = tpu.memref_slice %arg7[%mul3A_0, %dma_wait3A] : memref<10240x16xf32, #tpu.memory_space<vmem_shared>> -> memref<640x16xf32, #tpu.memory_space<vmem_shared>>
      %dma_wait3A_61 = arith.constant 0 : i32
      %dma_wait3A_62 = tpu.memref_slice %arg7[%mul3A_0, %dma_wait3A_61] : memref<10240x16xf32, #tpu.memory_space<vmem_shared>> -> memref<640x16xf32, #tpu.memory_space<vmem_shared>>
      tpu.wait_dma2 semaphore(%run_scoped3A : memref<!tpu.dma_semaphore, #tpu.memory_space<semaphore_mem>>) src(%dma_wait3A_62 : memref<640x16xf32, #tpu.memory_space<vmem_shared>>) dst(%arg12 : memref<640x16xf32, #tpu.memory_space<vmem>>)
      tpu.yield
    }) : () -> ()
    %scan3A_28 = arith.constant 0 : i32
    %scan3A_29 = arith.constant 0 : i32
    %scan3A_30 = arith.constant 640 : i32
    %scan3A_31 = arith.addi %scan3A_29, %scan3A_30 : i32
    %scan3A_32 = arith.constant 1 : i32
    scf.for %scan3A_57 = %scan3A_29 to %scan3A_31 step %scan3A_32  : i32 {
      %get3A = arith.index_cast %scan3A_57 : i32 to index
      %get3A_58 = arith.constant 0 : index
      %get3A_59 = tpu.vector_load %arg12[%get3A, %get3A_58] {strides = array<i32>} : memref<640x16xf32, #tpu.memory_space<vmem>>, vector<1x16xf32>,
      %get3A_60 = vector.shape_cast %get3A_59 : vector<1x16xf32> to vector<16xf32>
      %add3A_61 = arith.constant 1.000000e+00 : f32
      %add3A_62 = vector.broadcast %add3A_61 : f32 to vector<16xf32>
      %add3A_63 = arith.addf %get3A_60, %add3A_62 : vector<16xf32>
      %bitcast_convert_type3A = tpu.bitcast %add3A_63 : vector<16xf32> -> vector<16xi32>
      %shift_right_arithmetic3A = arith.constant 1 : i32
      %shift_right_arithmetic3A_64 = vector.broadcast %shift_right_arithmetic3A : i32 to vector<16xi32>
      %shift_right_arithmetic3A_65 = arith.shrsi %bitcast_convert_type3A, %shift_right_arithmetic3A_64 : vector<16xi32>
      %sub3A = arith.constant 1597463007 : i32
      %sub3A_66 = vector.broadcast %sub3A : i32 to vector<16xi32>
      %sub3A_67 = arith.subi %sub3A_66, %shift_right_arithmetic3A_65 : vector<16xi32>
      %bitcast_convert_type3A_68 = tpu.bitcast %sub3A_67 : vector<16xi32> -> vector<16xf32>
      %mul3A_69 = arith.constant 5.000000e-01 : f32
      %mul3A_70 = vector.broadcast %mul3A_69 : f32 to vector<16xf32>
      %mul3A_71 = arith.mulf %mul3A_70, %add3A_63 : vector<16xf32>
      %mul3A_72 = arith.mulf %mul3A_71, %bitcast_convert_type3A_68 : vector<16xf32>
      %mul3A_73 = arith.mulf %mul3A_72, %bitcast_convert_type3A_68 : vector<16xf32>
      %sub3A_74 = arith.constant 1.500000e+00 : f32
      %sub3A_75 = vector.broadcast %sub3A_74 : f32 to vector<16xf32>
      %sub3A_76 = arith.subf %sub3A_75, %mul3A_73 : vector<16xf32>
      %mul3A_77 = arith.mulf %bitcast_convert_type3A_68, %sub3A_76 : vector<16xf32>
      %mul3A_78 = arith.mulf %mul3A_71, %mul3A_77 : vector<16xf32>
      %mul3A_79 = arith.mulf %mul3A_78, %mul3A_77 : vector<16xf32>
      %sub3A_80 = arith.constant 1.500000e+00 : f32
      %sub3A_81 = vector.broadcast %sub3A_80 : f32 to vector<16xf32>
      %sub3A_82 = arith.subf %sub3A_81, %mul3A_79 : vector<16xf32>
      %mul3A_83 = arith.mulf %mul3A_77, %sub3A_82 : vector<16xf32>
      %mul3A_84 = arith.mulf %mul3A_71, %mul3A_83 : vector<16xf32>
      %mul3A_85 = arith.mulf %mul3A_84, %mul3A_83 : vector<16xf32>
      %sub3A_86 = arith.constant 1.500000e+00 : f32
      %sub3A_87 = vector.broadcast %sub3A_86 : f32 to vector<16xf32>
      %sub3A_88 = arith.subf %sub3A_87, %mul3A_85 : vector<16xf32>
      %mul3A_89 = arith.mulf %mul3A_83, %sub3A_88 : vector<16xf32>
      %swap3A = arith.index_cast %scan3A_57 : i32 to index
      %swap3A_90 = arith.constant 0 : index
      %swap3A_91 = tpu.vector_load %arg10[%swap3A, %swap3A_90] {strides = array<i32>} : memref<640x16xf32, #tpu.memory_space<vmem>>, vector<1x16xf32>,
      %swap3A_92 = vector.shape_cast %swap3A_91 : vector<1x16xf32> to vector<16xf32>
      %swap3A_93 = vector.shape_cast %mul3A_89 : vector<16xf32> to vector<1x16xf32>
      tpu.vector_store %arg10[%swap3A, %swap3A_90], %swap3A_93 {strides = array<i32>} : memref<640x16xf32, #tpu.memory_space<vmem>>, vector<1x16xf32>,
      %get3A_94 = arith.index_cast %scan3A_57 : i32 to index
      %get3A_95 = arith.constant 0 : index
      %get3A_96 = tpu.vector_load %arg11[%get3A_94, %get3A_95] {strides = array<i32>} : memref<640x16xf32, #tpu.memory_space<vmem>>, vector<1x16xf32>,
      %get3A_97 = vector.shape_cast %get3A_96 : vector<1x16xf32> to vector<16xf32>
      %mul3A_98 = arith.constant 1.000000e+01 : f32
      %mul3A_99 = vector.broadcast %mul3A_98 : f32 to vector<16xf32>
      %mul3A_100 = arith.mulf %get3A_97, %mul3A_99 : vector<16xf32>
      %mul3A_101 = arith.mulf %mul3A_89, %mul3A_100 : vector<16xf32>
      %swap3A_102 = arith.index_cast %scan3A_57 : i32 to index
      %swap3A_103 = arith.constant 0 : index
      %swap3A_104 = tpu.vector_load %arg12[%swap3A_102, %swap3A_103] {strides = array<i32>} : memref<640x16xf32, #tpu.memory_space<vmem>>, vector<1x16xf32>,
      %swap3A_105 = vector.shape_cast %swap3A_104 : vector<1x16xf32> to vector<16xf32>
      %swap3A_106 = vector.shape_cast %mul3A_101 : vector<16xf32> to vector<1x16xf32>
      tpu.vector_store %arg12[%swap3A_102, %swap3A_103], %swap3A_106 {strides = array<i32>} : memref<640x16xf32, #tpu.memory_space<vmem>>, vector<1x16xf32>,
    }
    %scan3A_33 = arith.constant 640 : i32
    "tpu.region"() ({
      %run_scoped3A = tpu.sem_alloc : memref<!tpu.dma_semaphore, #tpu.memory_space<semaphore_mem>>
      %dma_start3A = arith.constant 0 : i32
      %dma_start3A_57 = tpu.memref_slice %arg6[%mul3A_0, %dma_start3A] : memref<10240x16xf32, #tpu.memory_space<hbm>> -> memref<640x16xf32, #tpu.memory_space<hbm>>
      %dma_start3A_58 = arith.constant 0 : i32
      %dma_start3A_59 = tpu.memref_slice %arg6[%mul3A_0, %dma_start3A_58] : memref<10240x16xf32, #tpu.memory_space<hbm>> -> memref<640x16xf32, #tpu.memory_space<hbm>>
      tpu.enqueue_dma source(%arg12 : memref<640x16xf32, #tpu.memory_space<vmem>>) target(%dma_start3A_59 : memref<640x16xf32, #tpu.memory_space<hbm>>) target_semaphore(%run_scoped3A : memref<!tpu.dma_semaphore, #tpu.memory_space<semaphore_mem>>)
      %dma_wait3A = arith.constant 0 : i32
      %dma_wait3A_60 = tpu.memref_slice %arg6[%mul3A_0, %dma_wait3A] : memref<10240x16xf32, #tpu.memory_space<hbm>> -> memref<640x16xf32, #tpu.memory_space<hbm>>
      %dma_wait3A_61 = arith.constant 0 : i32
      %dma_wait3A_62 = tpu.memref_slice %arg6[%mul3A_0, %dma_wait3A_61] : memref<10240x16xf32, #tpu.memory_space<hbm>> -> memref<640x16xf32, #tpu.memory_space<hbm>>
      tpu.wait_dma2 semaphore(%run_scoped3A : memref<!tpu.dma_semaphore, #tpu.memory_space<semaphore_mem>>) src(%arg12 : memref<640x16xf32, #tpu.memory_space<vmem>>) dst(%dma_wait3A_62 : memref<640x16xf32, #tpu.memory_space<hbm>>)
      tpu.yield
    }) : () -> ()
    %add3A_34 = arith.constant 0 : i32
    %add3A_35 = arith.addi %mul3A_0, %add3A_34 : i32
    "tpu.region"() ({
      %run_scoped3A = tpu.sem_alloc : memref<!tpu.dma_semaphore, #tpu.memory_space<semaphore_mem>>
      %dma_start3A = arith.constant 0 : i32
      %dma_start3A_57 = tpu.memref_slice %arg7[%add3A_35, %dma_start3A] : memref<10240x16xf32, #tpu.memory_space<vmem_shared>> -> memref<128x16xf32, #tpu.memory_space<vmem_shared>>
      %dma_start3A_58 = arith.constant 0 : i32
      %dma_start3A_59 = tpu.memref_slice %arg7[%add3A_35, %dma_start3A_58] : memref<10240x16xf32, #tpu.memory_space<vmem_shared>> -> memref<128x16xf32, #tpu.memory_space<vmem_shared>>
      tpu.enqueue_dma source(%arg16 : memref<128x16xf32, #tpu.memory_space<vmem>>) target(%dma_start3A_59 : memref<128x16xf32, #tpu.memory_space<vmem_shared>>) target_semaphore(%run_scoped3A : memref<!tpu.dma_semaphore, #tpu.memory_space<semaphore_mem>>)
      %dma_wait3A = arith.constant 0 : i32
      %dma_wait3A_60 = tpu.memref_slice %arg7[%add3A_35, %dma_wait3A] : memref<10240x16xf32, #tpu.memory_space<vmem_shared>> -> memref<128x16xf32, #tpu.memory_space<vmem_shared>>
      %dma_wait3A_61 = arith.constant 0 : i32
      %dma_wait3A_62 = tpu.memref_slice %arg7[%add3A_35, %dma_wait3A_61] : memref<10240x16xf32, #tpu.memory_space<vmem_shared>> -> memref<128x16xf32, #tpu.memory_space<vmem_shared>>
      tpu.wait_dma2 semaphore(%run_scoped3A : memref<!tpu.dma_semaphore, #tpu.memory_space<semaphore_mem>>) src(%arg16 : memref<128x16xf32, #tpu.memory_space<vmem>>) dst(%dma_wait3A_62 : memref<128x16xf32, #tpu.memory_space<vmem_shared>>)
      tpu.yield
    }) : () -> ()
    %add3A_36 = arith.constant 128 : i32
    %add3A_37 = arith.addi %mul3A_0, %add3A_36 : i32
    "tpu.region"() ({
      %run_scoped3A = tpu.sem_alloc : memref<!tpu.dma_semaphore, #tpu.memory_space<semaphore_mem>>
      %dma_start3A = arith.constant 0 : i32
      %dma_start3A_57 = tpu.memref_slice %arg7[%add3A_37, %dma_start3A] : memref<10240x16xf32, #tpu.memory_space<vmem_shared>> -> memref<128x16xf32, #tpu.memory_space<vmem_shared>>
      %dma_start3A_58 = arith.constant 0 : i32
      %dma_start3A_59 = tpu.memref_slice %arg7[%add3A_37, %dma_start3A_58] : memref<10240x16xf32, #tpu.memory_space<vmem_shared>> -> memref<128x16xf32, #tpu.memory_space<vmem_shared>>
      tpu.enqueue_dma source(%arg16 : memref<128x16xf32, #tpu.memory_space<vmem>>) target(%dma_start3A_59 : memref<128x16xf32, #tpu.memory_space<vmem_shared>>) target_semaphore(%run_scoped3A : memref<!tpu.dma_semaphore, #tpu.memory_space<semaphore_mem>>)
      %dma_wait3A = arith.constant 0 : i32
      %dma_wait3A_60 = tpu.memref_slice %arg7[%add3A_37, %dma_wait3A] : memref<10240x16xf32, #tpu.memory_space<vmem_shared>> -> memref<128x16xf32, #tpu.memory_space<vmem_shared>>
      %dma_wait3A_61 = arith.constant 0 : i32
      %dma_wait3A_62 = tpu.memref_slice %arg7[%add3A_37, %dma_wait3A_61] : memref<10240x16xf32, #tpu.memory_space<vmem_shared>> -> memref<128x16xf32, #tpu.memory_space<vmem_shared>>
      tpu.wait_dma2 semaphore(%run_scoped3A : memref<!tpu.dma_semaphore, #tpu.memory_space<semaphore_mem>>) src(%arg16 : memref<128x16xf32, #tpu.memory_space<vmem>>) dst(%dma_wait3A_62 : memref<128x16xf32, #tpu.memory_space<vmem_shared>>)
      tpu.yield
    }) : () -> ()
    %add3A_38 = arith.constant 256 : i32
    %add3A_39 = arith.addi %mul3A_0, %add3A_38 : i32
    "tpu.region"() ({
      %run_scoped3A = tpu.sem_alloc : memref<!tpu.dma_semaphore, #tpu.memory_space<semaphore_mem>>
      %dma_start3A = arith.constant 0 : i32
      %dma_start3A_57 = tpu.memref_slice %arg7[%add3A_39, %dma_start3A] : memref<10240x16xf32, #tpu.memory_space<vmem_shared>> -> memref<128x16xf32, #tpu.memory_space<vmem_shared>>
      %dma_start3A_58 = arith.constant 0 : i32
      %dma_start3A_59 = tpu.memref_slice %arg7[%add3A_39, %dma_start3A_58] : memref<10240x16xf32, #tpu.memory_space<vmem_shared>> -> memref<128x16xf32, #tpu.memory_space<vmem_shared>>
      tpu.enqueue_dma source(%arg16 : memref<128x16xf32, #tpu.memory_space<vmem>>) target(%dma_start3A_59 : memref<128x16xf32, #tpu.memory_space<vmem_shared>>) target_semaphore(%run_scoped3A : memref<!tpu.dma_semaphore, #tpu.memory_space<semaphore_mem>>)
      %dma_wait3A = arith.constant 0 : i32
      %dma_wait3A_60 = tpu.memref_slice %arg7[%add3A_39, %dma_wait3A] : memref<10240x16xf32, #tpu.memory_space<vmem_shared>> -> memref<128x16xf32, #tpu.memory_space<vmem_shared>>
      %dma_wait3A_61 = arith.constant 0 : i32
      %dma_wait3A_62 = tpu.memref_slice %arg7[%add3A_39, %dma_wait3A_61] : memref<10240x16xf32, #tpu.memory_space<vmem_shared>> -> memref<128x16xf32, #tpu.memory_space<vmem_shared>>
      tpu.wait_dma2 semaphore(%run_scoped3A : memref<!tpu.dma_semaphore, #tpu.memory_space<semaphore_mem>>) src(%arg16 : memref<128x16xf32, #tpu.memory_space<vmem>>) dst(%dma_wait3A_62 : memref<128x16xf32, #tpu.memory_space<vmem_shared>>)
      tpu.yield
    }) : () -> ()
    %add3A_40 = arith.constant 384 : i32
    %add3A_41 = arith.addi %mul3A_0, %add3A_40 : i32
    "tpu.region"() ({
      %run_scoped3A = tpu.sem_alloc : memref<!tpu.dma_semaphore, #tpu.memory_space<semaphore_mem>>
      %dma_start3A = arith.constant 0 : i32
      %dma_start3A_57 = tpu.memref_slice %arg7[%add3A_41, %dma_start3A] : memref<10240x16xf32, #tpu.memory_space<vmem_shared>> -> memref<128x16xf32, #tpu.memory_space<vmem_shared>>
      %dma_start3A_58 = arith.constant 0 : i32
      %dma_start3A_59 = tpu.memref_slice %arg7[%add3A_41, %dma_start3A_58] : memref<10240x16xf32, #tpu.memory_space<vmem_shared>> -> memref<128x16xf32, #tpu.memory_space<vmem_shared>>
      tpu.enqueue_dma source(%arg16 : memref<128x16xf32, #tpu.memory_space<vmem>>) target(%dma_start3A_59 : memref<128x16xf32, #tpu.memory_space<vmem_shared>>) target_semaphore(%run_scoped3A : memref<!tpu.dma_semaphore, #tpu.memory_space<semaphore_mem>>)
      %dma_wait3A = arith.constant 0 : i32
      %dma_wait3A_60 = tpu.memref_slice %arg7[%add3A_41, %dma_wait3A] : memref<10240x16xf32, #tpu.memory_space<vmem_shared>> -> memref<128x16xf32, #tpu.memory_space<vmem_shared>>
      %dma_wait3A_61 = arith.constant 0 : i32
      %dma_wait3A_62 = tpu.memref_slice %arg7[%add3A_41, %dma_wait3A_61] : memref<10240x16xf32, #tpu.memory_space<vmem_shared>> -> memref<128x16xf32, #tpu.memory_space<vmem_shared>>
      tpu.wait_dma2 semaphore(%run_scoped3A : memref<!tpu.dma_semaphore, #tpu.memory_space<semaphore_mem>>) src(%arg16 : memref<128x16xf32, #tpu.memory_space<vmem>>) dst(%dma_wait3A_62 : memref<128x16xf32, #tpu.memory_space<vmem_shared>>)
      tpu.yield
    }) : () -> ()
    %add3A_42 = arith.constant 512 : i32
    %add3A_43 = arith.addi %mul3A_0, %add3A_42 : i32
    "tpu.region"() ({
      %run_scoped3A = tpu.sem_alloc : memref<!tpu.dma_semaphore, #tpu.memory_space<semaphore_mem>>
      %dma_start3A = arith.constant 0 : i32
      %dma_start3A_57 = tpu.memref_slice %arg7[%add3A_43, %dma_start3A] : memref<10240x16xf32, #tpu.memory_space<vmem_shared>> -> memref<128x16xf32, #tpu.memory_space<vmem_shared>>
      %dma_start3A_58 = arith.constant 0 : i32
      %dma_start3A_59 = tpu.memref_slice %arg7[%add3A_43, %dma_start3A_58] : memref<10240x16xf32, #tpu.memory_space<vmem_shared>> -> memref<128x16xf32, #tpu.memory_space<vmem_shared>>
      tpu.enqueue_dma source(%arg16 : memref<128x16xf32, #tpu.memory_space<vmem>>) target(%dma_start3A_59 : memref<128x16xf32, #tpu.memory_space<vmem_shared>>) target_semaphore(%run_scoped3A : memref<!tpu.dma_semaphore, #tpu.memory_space<semaphore_mem>>)
      %dma_wait3A = arith.constant 0 : i32
      %dma_wait3A_60 = tpu.memref_slice %arg7[%add3A_43, %dma_wait3A] : memref<10240x16xf32, #tpu.memory_space<vmem_shared>> -> memref<128x16xf32, #tpu.memory_space<vmem_shared>>
      %dma_wait3A_61 = arith.constant 0 : i32
      %dma_wait3A_62 = tpu.memref_slice %arg7[%add3A_43, %dma_wait3A_61] : memref<10240x16xf32, #tpu.memory_space<vmem_shared>> -> memref<128x16xf32, #tpu.memory_space<vmem_shared>>
      tpu.wait_dma2 semaphore(%run_scoped3A : memref<!tpu.dma_semaphore, #tpu.memory_space<semaphore_mem>>) src(%arg16 : memref<128x16xf32, #tpu.memory_space<vmem>>) dst(%dma_wait3A_62 : memref<128x16xf32, #tpu.memory_space<vmem_shared>>)
      tpu.yield
    }) : () -> ()
    %barrier3A_44 = arith.constant 0 : index
    tpu.barrier barrier_id(%barrier3A_44)
    %scan3A_45 = arith.constant 0 : i32
    %scan3A_46 = arith.constant 0 : i32
    %scan3A_47 = arith.constant 10 : i32
    %scan3A_48 = arith.addi %scan3A_46, %scan3A_47 : i32
    %scan3A_49 = arith.constant 1 : i32
    scf.for %scan3A_57 = %scan3A_46 to %scan3A_48 step %scan3A_49  : i32 {
      %scan3A_58 = arith.constant 0 : i32
      %scan3A_59 = arith.constant 0 : i32
      %scan3A_60 = arith.constant 10 : i32
      %scan3A_61 = arith.addi %scan3A_59, %scan3A_60 : i32
      %scan3A_62 = arith.constant 1 : i32
      scf.for %scan3A_82 = %scan3A_59 to %scan3A_61 step %scan3A_62  : i32 {
        %mul3A_83 = arith.constant 16 : i32
        %mul3A_84 = arith.muli %scan3A_82, %mul3A_83 : i32
        %add3A_85 = arith.constant 0 : i32
        %add3A_86 = arith.addi %mul3A_84, %add3A_85 : i32
        %dma_start3A = arith.constant 0 : i32
        %dma_start3A_87 = arith.constant 0 : i32
        %dma_start3A_88 = arith.constant 0 : i32
        %dma_start3A_89 = arith.constant 0 : i32
        %dma_start3A_90 = tpu.memref_slice %arg14[%dma_start3A, %dma_start3A_88, %dma_start3A_89] : memref<16x128x16xf32, #tpu.memory_space<vmem>> -> memref<1x128x16xf32, #tpu.memory_space<vmem>>
        %dma_start3A_91 = tpu.memref_squeeze %dma_start3A_90 : memref<1x128x16xf32, #tpu.memory_space<vmem>> -> memref<128x16xf32, #tpu.memory_space<vmem>>
        %dma_start3A_92 = arith.constant 0 : i32
        %dma_start3A_93 = tpu.memref_slice %arg8[%add3A_86, %dma_start3A_92] : memref<160x128xi32, #tpu.memory_space<vmem>> -> memref<1x128xi32, #tpu.memory_space<vmem>>
        %dma_start3A_94 = tpu.memref_squeeze %dma_start3A_93 : memref<1x128xi32, #tpu.memory_space<vmem>> -> memref<128xi32, #tpu.memory_space<vmem>>
        %dma_start3A_95 = arith.constant 0 : i32
        %dma_start3A_96 = arith.constant 0 : i32
        %dma_start3A_97 = tpu.memref_slice %arg6[%dma_start3A_95, %dma_start3A_96] : memref<10240x16xf32, #tpu.memory_space<hbm>> -> memref<10240x16xf32, #tpu.memory_space<hbm>>
        %dma_start3A_98 = tpu.memref_slice %arg17[%dma_start3A_87] : memref<16x!tpu.dma_semaphore, #tpu.memory_space<semaphore_mem>> -> memref<1x!tpu.dma_semaphore, #tpu.memory_space<semaphore_mem>>
        %dma_start3A_99 = tpu.memref_squeeze %dma_start3A_98 : memref<1x!tpu.dma_semaphore, #tpu.memory_space<semaphore_mem>> -> memref<!tpu.dma_semaphore, #tpu.memory_space<semaphore_mem>>
        tpu.enqueue_indirect_dma source(%dma_start3A_97 : memref<10240x16xf32, #tpu.memory_space<hbm>>) target(%dma_start3A_91 : memref<128x16xf32, #tpu.memory_space<vmem>>) offsets(%dma_start3A_94 : memref<128xi32, #tpu.memory_space<vmem>>) semaphore(%dma_start3A_99 : memref<!tpu.dma_semaphore, #tpu.memory_space<semaphore_mem>>)
        %add3A_100 = arith.constant 1 : i32
        %add3A_101 = arith.addi %mul3A_84, %add3A_100 : i32
        %dma_start3A_102 = arith.constant 1 : i32
        %dma_start3A_103 = arith.constant 1 : i32
        %dma_start3A_104 = arith.constant 0 : i32
        %dma_start3A_105 = arith.constant 0 : i32
        %dma_start3A_106 = tpu.memref_slice %arg14[%dma_start3A_102, %dma_start3A_104, %dma_start3A_105] : memref<16x128x16xf32, #tpu.memory_space<vmem>> -> memref<1x128x16xf32, #tpu.memory_space<vmem>>
        %dma_start3A_107 = tpu.memref_squeeze %dma_start3A_106 : memref<1x128x16xf32, #tpu.memory_space<vmem>> -> memref<128x16xf32, #tpu.memory_space<vmem>>
        %dma_start3A_108 = arith.constant 0 : i32
        %dma_start3A_109 = tpu.memref_slice %arg8[%add3A_101, %dma_start3A_108] : memref<160x128xi32, #tpu.memory_space<vmem>> -> memref<1x128xi32, #tpu.memory_space<vmem>>
        %dma_start3A_110 = tpu.memref_squeeze %dma_start3A_109 : memref<1x128xi32, #tpu.memory_space<vmem>> -> memref<128xi32, #tpu.memory_space<vmem>>
        %dma_start3A_111 = arith.constant 0 : i32
        %dma_start3A_112 = arith.constant 0 : i32
        %dma_start3A_113 = tpu.memref_slice %arg6[%dma_start3A_111, %dma_start3A_112] : memref<10240x16xf32, #tpu.memory_space<hbm>> -> memref<10240x16xf32, #tpu.memory_space<hbm>>
        %dma_start3A_114 = tpu.memref_slice %arg17[%dma_start3A_103] : memref<16x!tpu.dma_semaphore, #tpu.memory_space<semaphore_mem>> -> memref<1x!tpu.dma_semaphore, #tpu.memory_space<semaphore_mem>>
        %dma_start3A_115 = tpu.memref_squeeze %dma_start3A_114 : memref<1x!tpu.dma_semaphore, #tpu.memory_space<semaphore_mem>> -> memref<!tpu.dma_semaphore, #tpu.memory_space<semaphore_mem>>
        tpu.enqueue_indirect_dma source(%dma_start3A_113 : memref<10240x16xf32, #tpu.memory_space<hbm>>) target(%dma_start3A_107 : memref<128x16xf32, #tpu.memory_space<vmem>>) offsets(%dma_start3A_110 : memref<128xi32, #tpu.memory_space<vmem>>) semaphore(%dma_start3A_115 : memref<!tpu.dma_semaphore, #tpu.memory_space<semaphore_mem>>)
        %add3A_116 = arith.constant 2 : i32
        %add3A_117 = arith.addi %mul3A_84, %add3A_116 : i32
        %dma_start3A_118 = arith.constant 2 : i32
        %dma_start3A_119 = arith.constant 2 : i32
        %dma_start3A_120 = arith.constant 0 : i32
        %dma_start3A_121 = arith.constant 0 : i32
        %dma_start3A_122 = tpu.memref_slice %arg14[%dma_start3A_118, %dma_start3A_120, %dma_start3A_121] : memref<16x128x16xf32, #tpu.memory_space<vmem>> -> memref<1x128x16xf32, #tpu.memory_space<vmem>>
        %dma_start3A_123 = tpu.memref_squeeze %dma_start3A_122 : memref<1x128x16xf32, #tpu.memory_space<vmem>> -> memref<128x16xf32, #tpu.memory_space<vmem>>
        %dma_start3A_124 = arith.constant 0 : i32
        %dma_start3A_125 = tpu.memref_slice %arg8[%add3A_117, %dma_start3A_124] : memref<160x128xi32, #tpu.memory_space<vmem>> -> memref<1x128xi32, #tpu.memory_space<vmem>>
        %dma_start3A_126 = tpu.memref_squeeze %dma_start3A_125 : memref<1x128xi32, #tpu.memory_space<vmem>> -> memref<128xi32, #tpu.memory_space<vmem>>
        %dma_start3A_127 = arith.constant 0 : i32
        %dma_start3A_128 = arith.constant 0 : i32
        %dma_start3A_129 = tpu.memref_slice %arg6[%dma_start3A_127, %dma_start3A_128] : memref<10240x16xf32, #tpu.memory_space<hbm>> -> memref<10240x16xf32, #tpu.memory_space<hbm>>
        %dma_start3A_130 = tpu.memref_slice %arg17[%dma_start3A_119] : memref<16x!tpu.dma_semaphore, #tpu.memory_space<semaphore_mem>> -> memref<1x!tpu.dma_semaphore, #tpu.memory_space<semaphore_mem>>
        %dma_start3A_131 = tpu.memref_squeeze %dma_start3A_130 : memref<1x!tpu.dma_semaphore, #tpu.memory_space<semaphore_mem>> -> memref<!tpu.dma_semaphore, #tpu.memory_space<semaphore_mem>>
        tpu.enqueue_indirect_dma source(%dma_start3A_129 : memref<10240x16xf32, #tpu.memory_space<hbm>>) target(%dma_start3A_123 : memref<128x16xf32, #tpu.memory_space<vmem>>) offsets(%dma_start3A_126 : memref<128xi32, #tpu.memory_space<vmem>>) semaphore(%dma_start3A_131 : memref<!tpu.dma_semaphore, #tpu.memory_space<semaphore_mem>>)
        %add3A_132 = arith.constant 3 : i32
        %add3A_133 = arith.addi %mul3A_84, %add3A_132 : i32
        %dma_start3A_134 = arith.constant 3 : i32
        %dma_start3A_135 = arith.constant 3 : i32
        %dma_start3A_136 = arith.constant 0 : i32
        %dma_start3A_137 = arith.constant 0 : i32
        %dma_start3A_138 = tpu.memref_slice %arg14[%dma_start3A_134, %dma_start3A_136, %dma_start3A_137] : memref<16x128x16xf32, #tpu.memory_space<vmem>> -> memref<1x128x16xf32, #tpu.memory_space<vmem>>
        %dma_start3A_139 = tpu.memref_squeeze %dma_start3A_138 : memref<1x128x16xf32, #tpu.memory_space<vmem>> -> memref<128x16xf32, #tpu.memory_space<vmem>>
        %dma_start3A_140 = arith.constant 0 : i32
        %dma_start3A_141 = tpu.memref_slice %arg8[%add3A_133, %dma_start3A_140] : memref<160x128xi32, #tpu.memory_space<vmem>> -> memref<1x128xi32, #tpu.memory_space<vmem>>
        %dma_start3A_142 = tpu.memref_squeeze %dma_start3A_141 : memref<1x128xi32, #tpu.memory_space<vmem>> -> memref<128xi32, #tpu.memory_space<vmem>>
        %dma_start3A_143 = arith.constant 0 : i32
        %dma_start3A_144 = arith.constant 0 : i32
        %dma_start3A_145 = tpu.memref_slice %arg6[%dma_start3A_143, %dma_start3A_144] : memref<10240x16xf32, #tpu.memory_space<hbm>> -> memref<10240x16xf32, #tpu.memory_space<hbm>>
        %dma_start3A_146 = tpu.memref_slice %arg17[%dma_start3A_135] : memref<16x!tpu.dma_semaphore, #tpu.memory_space<semaphore_mem>> -> memref<1x!tpu.dma_semaphore, #tpu.memory_space<semaphore_mem>>
        %dma_start3A_147 = tpu.memref_squeeze %dma_start3A_146 : memref<1x!tpu.dma_semaphore, #tpu.memory_space<semaphore_mem>> -> memref<!tpu.dma_semaphore, #tpu.memory_space<semaphore_mem>>
        tpu.enqueue_indirect_dma source(%dma_start3A_145 : memref<10240x16xf32, #tpu.memory_space<hbm>>) target(%dma_start3A_139 : memref<128x16xf32, #tpu.memory_space<vmem>>) offsets(%dma_start3A_142 : memref<128xi32, #tpu.memory_space<vmem>>) semaphore(%dma_start3A_147 : memref<!tpu.dma_semaphore, #tpu.memory_space<semaphore_mem>>)
        %add3A_148 = arith.constant 4 : i32
        %add3A_149 = arith.addi %mul3A_84, %add3A_148 : i32
        %dma_start3A_150 = arith.constant 4 : i32
        %dma_start3A_151 = arith.constant 4 : i32
        %dma_start3A_152 = arith.constant 0 : i32
        %dma_start3A_153 = arith.constant 0 : i32
        %dma_start3A_154 = tpu.memref_slice %arg14[%dma_start3A_150, %dma_start3A_152, %dma_start3A_153] : memref<16x128x16xf32, #tpu.memory_space<vmem>> -> memref<1x128x16xf32, #tpu.memory_space<vmem>>
        %dma_start3A_155 = tpu.memref_squeeze %dma_start3A_154 : memref<1x128x16xf32, #tpu.memory_space<vmem>> -> memref<128x16xf32, #tpu.memory_space<vmem>>
        %dma_start3A_156 = arith.constant 0 : i32
        %dma_start3A_157 = tpu.memref_slice %arg8[%add3A_149, %dma_start3A_156] : memref<160x128xi32, #tpu.memory_space<vmem>> -> memref<1x128xi32, #tpu.memory_space<vmem>>
        %dma_start3A_158 = tpu.memref_squeeze %dma_start3A_157 : memref<1x128xi32, #tpu.memory_space<vmem>> -> memref<128xi32, #tpu.memory_space<vmem>>
        %dma_start3A_159 = arith.constant 0 : i32
        %dma_start3A_160 = arith.constant 0 : i32
        %dma_start3A_161 = tpu.memref_slice %arg6[%dma_start3A_159, %dma_start3A_160] : memref<10240x16xf32, #tpu.memory_space<hbm>> -> memref<10240x16xf32, #tpu.memory_space<hbm>>
        %dma_start3A_162 = tpu.memref_slice %arg17[%dma_start3A_151] : memref<16x!tpu.dma_semaphore, #tpu.memory_space<semaphore_mem>> -> memref<1x!tpu.dma_semaphore, #tpu.memory_space<semaphore_mem>>
        %dma_start3A_163 = tpu.memref_squeeze %dma_start3A_162 : memref<1x!tpu.dma_semaphore, #tpu.memory_space<semaphore_mem>> -> memref<!tpu.dma_semaphore, #tpu.memory_space<semaphore_mem>>
        tpu.enqueue_indirect_dma source(%dma_start3A_161 : memref<10240x16xf32, #tpu.memory_space<hbm>>) target(%dma_start3A_155 : memref<128x16xf32, #tpu.memory_space<vmem>>) offsets(%dma_start3A_158 : memref<128xi32, #tpu.memory_space<vmem>>) semaphore(%dma_start3A_163 : memref<!tpu.dma_semaphore, #tpu.memory_space<semaphore_mem>>)
        %add3A_164 = arith.constant 5 : i32
        %add3A_165 = arith.addi %mul3A_84, %add3A_164 : i32
        %dma_start3A_166 = arith.constant 5 : i32
        %dma_start3A_167 = arith.constant 5 : i32
        %dma_start3A_168 = arith.constant 0 : i32
        %dma_start3A_169 = arith.constant 0 : i32
        %dma_start3A_170 = tpu.memref_slice %arg14[%dma_start3A_166, %dma_start3A_168, %dma_start3A_169] : memref<16x128x16xf32, #tpu.memory_space<vmem>> -> memref<1x128x16xf32, #tpu.memory_space<vmem>>
        %dma_start3A_171 = tpu.memref_squeeze %dma_start3A_170 : memref<1x128x16xf32, #tpu.memory_space<vmem>> -> memref<128x16xf32, #tpu.memory_space<vmem>>
        %dma_start3A_172 = arith.constant 0 : i32
        %dma_start3A_173 = tpu.memref_slice %arg8[%add3A_165, %dma_start3A_172] : memref<160x128xi32, #tpu.memory_space<vmem>> -> memref<1x128xi32, #tpu.memory_space<vmem>>
        %dma_start3A_174 = tpu.memref_squeeze %dma_start3A_173 : memref<1x128xi32, #tpu.memory_space<vmem>> -> memref<128xi32, #tpu.memory_space<vmem>>
        %dma_start3A_175 = arith.constant 0 : i32
        %dma_start3A_176 = arith.constant 0 : i32
        %dma_start3A_177 = tpu.memref_slice %arg6[%dma_start3A_175, %dma_start3A_176] : memref<10240x16xf32, #tpu.memory_space<hbm>> -> memref<10240x16xf32, #tpu.memory_space<hbm>>
        %dma_start3A_178 = tpu.memref_slice %arg17[%dma_start3A_167] : memref<16x!tpu.dma_semaphore, #tpu.memory_space<semaphore_mem>> -> memref<1x!tpu.dma_semaphore, #tpu.memory_space<semaphore_mem>>
        %dma_start3A_179 = tpu.memref_squeeze %dma_start3A_178 : memref<1x!tpu.dma_semaphore, #tpu.memory_space<semaphore_mem>> -> memref<!tpu.dma_semaphore, #tpu.memory_space<semaphore_mem>>
        tpu.enqueue_indirect_dma source(%dma_start3A_177 : memref<10240x16xf32, #tpu.memory_space<hbm>>) target(%dma_start3A_171 : memref<128x16xf32, #tpu.memory_space<vmem>>) offsets(%dma_start3A_174 : memref<128xi32, #tpu.memory_space<vmem>>) semaphore(%dma_start3A_179 : memref<!tpu.dma_semaphore, #tpu.memory_space<semaphore_mem>>)
        %add3A_180 = arith.constant 6 : i32
        %add3A_181 = arith.addi %mul3A_84, %add3A_180 : i32
        %dma_start3A_182 = arith.constant 6 : i32
        %dma_start3A_183 = arith.constant 6 : i32
        %dma_start3A_184 = arith.constant 0 : i32
        %dma_start3A_185 = arith.constant 0 : i32
        %dma_start3A_186 = tpu.memref_slice %arg14[%dma_start3A_182, %dma_start3A_184, %dma_start3A_185] : memref<16x128x16xf32, #tpu.memory_space<vmem>> -> memref<1x128x16xf32, #tpu.memory_space<vmem>>
        %dma_start3A_187 = tpu.memref_squeeze %dma_start3A_186 : memref<1x128x16xf32, #tpu.memory_space<vmem>> -> memref<128x16xf32, #tpu.memory_space<vmem>>
        %dma_start3A_188 = arith.constant 0 : i32
        %dma_start3A_189 = tpu.memref_slice %arg8[%add3A_181, %dma_start3A_188] : memref<160x128xi32, #tpu.memory_space<vmem>> -> memref<1x128xi32, #tpu.memory_space<vmem>>
        %dma_start3A_190 = tpu.memref_squeeze %dma_start3A_189 : memref<1x128xi32, #tpu.memory_space<vmem>> -> memref<128xi32, #tpu.memory_space<vmem>>
        %dma_start3A_191 = arith.constant 0 : i32
        %dma_start3A_192 = arith.constant 0 : i32
        %dma_start3A_193 = tpu.memref_slice %arg6[%dma_start3A_191, %dma_start3A_192] : memref<10240x16xf32, #tpu.memory_space<hbm>> -> memref<10240x16xf32, #tpu.memory_space<hbm>>
        %dma_start3A_194 = tpu.memref_slice %arg17[%dma_start3A_183] : memref<16x!tpu.dma_semaphore, #tpu.memory_space<semaphore_mem>> -> memref<1x!tpu.dma_semaphore, #tpu.memory_space<semaphore_mem>>
        %dma_start3A_195 = tpu.memref_squeeze %dma_start3A_194 : memref<1x!tpu.dma_semaphore, #tpu.memory_space<semaphore_mem>> -> memref<!tpu.dma_semaphore, #tpu.memory_space<semaphore_mem>>
        tpu.enqueue_indirect_dma source(%dma_start3A_193 : memref<10240x16xf32, #tpu.memory_space<hbm>>) target(%dma_start3A_187 : memref<128x16xf32, #tpu.memory_space<vmem>>) offsets(%dma_start3A_190 : memref<128xi32, #tpu.memory_space<vmem>>) semaphore(%dma_start3A_195 : memref<!tpu.dma_semaphore, #tpu.memory_space<semaphore_mem>>)
        %add3A_196 = arith.constant 7 : i32
        %add3A_197 = arith.addi %mul3A_84, %add3A_196 : i32
        %dma_start3A_198 = arith.constant 7 : i32
        %dma_start3A_199 = arith.constant 7 : i32
        %dma_start3A_200 = arith.constant 0 : i32
        %dma_start3A_201 = arith.constant 0 : i32
        %dma_start3A_202 = tpu.memref_slice %arg14[%dma_start3A_198, %dma_start3A_200, %dma_start3A_201] : memref<16x128x16xf32, #tpu.memory_space<vmem>> -> memref<1x128x16xf32, #tpu.memory_space<vmem>>
        %dma_start3A_203 = tpu.memref_squeeze %dma_start3A_202 : memref<1x128x16xf32, #tpu.memory_space<vmem>> -> memref<128x16xf32, #tpu.memory_space<vmem>>
        %dma_start3A_204 = arith.constant 0 : i32
        %dma_start3A_205 = tpu.memref_slice %arg8[%add3A_197, %dma_start3A_204] : memref<160x128xi32, #tpu.memory_space<vmem>> -> memref<1x128xi32, #tpu.memory_space<vmem>>
        %dma_start3A_206 = tpu.memref_squeeze %dma_start3A_205 : memref<1x128xi32, #tpu.memory_space<vmem>> -> memref<128xi32, #tpu.memory_space<vmem>>
        %dma_start3A_207 = arith.constant 0 : i32
        %dma_start3A_208 = arith.constant 0 : i32
        %dma_start3A_209 = tpu.memref_slice %arg6[%dma_start3A_207, %dma_start3A_208] : memref<10240x16xf32, #tpu.memory_space<hbm>> -> memref<10240x16xf32, #tpu.memory_space<hbm>>
        %dma_start3A_210 = tpu.memref_slice %arg17[%dma_start3A_199] : memref<16x!tpu.dma_semaphore, #tpu.memory_space<semaphore_mem>> -> memref<1x!tpu.dma_semaphore, #tpu.memory_space<semaphore_mem>>
        %dma_start3A_211 = tpu.memref_squeeze %dma_start3A_210 : memref<1x!tpu.dma_semaphore, #tpu.memory_space<semaphore_mem>> -> memref<!tpu.dma_semaphore, #tpu.memory_space<semaphore_mem>>
        tpu.enqueue_indirect_dma source(%dma_start3A_209 : memref<10240x16xf32, #tpu.memory_space<hbm>>) target(%dma_start3A_203 : memref<128x16xf32, #tpu.memory_space<vmem>>) offsets(%dma_start3A_206 : memref<128xi32, #tpu.memory_space<vmem>>) semaphore(%dma_start3A_211 : memref<!tpu.dma_semaphore, #tpu.memory_space<semaphore_mem>>)
        %add3A_212 = arith.constant 8 : i32
        %add3A_213 = arith.addi %mul3A_84, %add3A_212 : i32
        %dma_start3A_214 = arith.constant 8 : i32
        %dma_start3A_215 = arith.constant 8 : i32
        %dma_start3A_216 = arith.constant 0 : i32
        %dma_start3A_217 = arith.constant 0 : i32
        %dma_start3A_218 = tpu.memref_slice %arg14[%dma_start3A_214, %dma_start3A_216, %dma_start3A_217] : memref<16x128x16xf32, #tpu.memory_space<vmem>> -> memref<1x128x16xf32, #tpu.memory_space<vmem>>
        %dma_start3A_219 = tpu.memref_squeeze %dma_start3A_218 : memref<1x128x16xf32, #tpu.memory_space<vmem>> -> memref<128x16xf32, #tpu.memory_space<vmem>>
        %dma_start3A_220 = arith.constant 0 : i32
        %dma_start3A_221 = tpu.memref_slice %arg8[%add3A_213, %dma_start3A_220] : memref<160x128xi32, #tpu.memory_space<vmem>> -> memref<1x128xi32, #tpu.memory_space<vmem>>
        %dma_start3A_222 = tpu.memref_squeeze %dma_start3A_221 : memref<1x128xi32, #tpu.memory_space<vmem>> -> memref<128xi32, #tpu.memory_space<vmem>>
        %dma_start3A_223 = arith.constant 0 : i32
        %dma_start3A_224 = arith.constant 0 : i32
        %dma_start3A_225 = tpu.memref_slice %arg6[%dma_start3A_223, %dma_start3A_224] : memref<10240x16xf32, #tpu.memory_space<hbm>> -> memref<10240x16xf32, #tpu.memory_space<hbm>>
        %dma_start3A_226 = tpu.memref_slice %arg17[%dma_start3A_215] : memref<16x!tpu.dma_semaphore, #tpu.memory_space<semaphore_mem>> -> memref<1x!tpu.dma_semaphore, #tpu.memory_space<semaphore_mem>>
        %dma_start3A_227 = tpu.memref_squeeze %dma_start3A_226 : memref<1x!tpu.dma_semaphore, #tpu.memory_space<semaphore_mem>> -> memref<!tpu.dma_semaphore, #tpu.memory_space<semaphore_mem>>
        tpu.enqueue_indirect_dma source(%dma_start3A_225 : memref<10240x16xf32, #tpu.memory_space<hbm>>) target(%dma_start3A_219 : memref<128x16xf32, #tpu.memory_space<vmem>>) offsets(%dma_start3A_222 : memref<128xi32, #tpu.memory_space<vmem>>) semaphore(%dma_start3A_227 : memref<!tpu.dma_semaphore, #tpu.memory_space<semaphore_mem>>)
        %add3A_228 = arith.constant 9 : i32
        %add3A_229 = arith.addi %mul3A_84, %add3A_228 : i32
        %dma_start3A_230 = arith.constant 9 : i32
        %dma_start3A_231 = arith.constant 9 : i32
        %dma_start3A_232 = arith.constant 0 : i32
        %dma_start3A_233 = arith.constant 0 : i32
        %dma_start3A_234 = tpu.memref_slice %arg14[%dma_start3A_230, %dma_start3A_232, %dma_start3A_233] : memref<16x128x16xf32, #tpu.memory_space<vmem>> -> memref<1x128x16xf32, #tpu.memory_space<vmem>>
        %dma_start3A_235 = tpu.memref_squeeze %dma_start3A_234 : memref<1x128x16xf32, #tpu.memory_space<vmem>> -> memref<128x16xf32, #tpu.memory_space<vmem>>
        %dma_start3A_236 = arith.constant 0 : i32
        %dma_start3A_237 = tpu.memref_slice %arg8[%add3A_229, %dma_start3A_236] : memref<160x128xi32, #tpu.memory_space<vmem>> -> memref<1x128xi32, #tpu.memory_space<vmem>>
        %dma_start3A_238 = tpu.memref_squeeze %dma_start3A_237 : memref<1x128xi32, #tpu.memory_space<vmem>> -> memref<128xi32, #tpu.memory_space<vmem>>
        %dma_start3A_239 = arith.constant 0 : i32
        %dma_start3A_240 = arith.constant 0 : i32
        %dma_start3A_241 = tpu.memref_slice %arg6[%dma_start3A_239, %dma_start3A_240] : memref<10240x16xf32, #tpu.memory_space<hbm>> -> memref<10240x16xf32, #tpu.memory_space<hbm>>
        %dma_start3A_242 = tpu.memref_slice %arg17[%dma_start3A_231] : memref<16x!tpu.dma_semaphore, #tpu.memory_space<semaphore_mem>> -> memref<1x!tpu.dma_semaphore, #tpu.memory_space<semaphore_mem>>
        %dma_start3A_243 = tpu.memref_squeeze %dma_start3A_242 : memref<1x!tpu.dma_semaphore, #tpu.memory_space<semaphore_mem>> -> memref<!tpu.dma_semaphore, #tpu.memory_space<semaphore_mem>>
        tpu.enqueue_indirect_dma source(%dma_start3A_241 : memref<10240x16xf32, #tpu.memory_space<hbm>>) target(%dma_start3A_235 : memref<128x16xf32, #tpu.memory_space<vmem>>) offsets(%dma_start3A_238 : memref<128xi32, #tpu.memory_space<vmem>>) semaphore(%dma_start3A_243 : memref<!tpu.dma_semaphore, #tpu.memory_space<semaphore_mem>>)
        %add3A_244 = arith.constant 10 : i32
        %add3A_245 = arith.addi %mul3A_84, %add3A_244 : i32
        %dma_start3A_246 = arith.constant 10 : i32
        %dma_start3A_247 = arith.constant 10 : i32
        %dma_start3A_248 = arith.constant 0 : i32
        %dma_start3A_249 = arith.constant 0 : i32
        %dma_start3A_250 = tpu.memref_slice %arg14[%dma_start3A_246, %dma_start3A_248, %dma_start3A_249] : memref<16x128x16xf32, #tpu.memory_space<vmem>> -> memref<1x128x16xf32, #tpu.memory_space<vmem>>
        %dma_start3A_251 = tpu.memref_squeeze %dma_start3A_250 : memref<1x128x16xf32, #tpu.memory_space<vmem>> -> memref<128x16xf32, #tpu.memory_space<vmem>>
        %dma_start3A_252 = arith.constant 0 : i32
        %dma_start3A_253 = tpu.memref_slice %arg8[%add3A_245, %dma_start3A_252] : memref<160x128xi32, #tpu.memory_space<vmem>> -> memref<1x128xi32, #tpu.memory_space<vmem>>
        %dma_start3A_254 = tpu.memref_squeeze %dma_start3A_253 : memref<1x128xi32, #tpu.memory_space<vmem>> -> memref<128xi32, #tpu.memory_space<vmem>>
        %dma_start3A_255 = arith.constant 0 : i32
        %dma_start3A_256 = arith.constant 0 : i32
        %dma_start3A_257 = tpu.memref_slice %arg6[%dma_start3A_255, %dma_start3A_256] : memref<10240x16xf32, #tpu.memory_space<hbm>> -> memref<10240x16xf32, #tpu.memory_space<hbm>>
        %dma_start3A_258 = tpu.memref_slice %arg17[%dma_start3A_247] : memref<16x!tpu.dma_semaphore, #tpu.memory_space<semaphore_mem>> -> memref<1x!tpu.dma_semaphore, #tpu.memory_space<semaphore_mem>>
        %dma_start3A_259 = tpu.memref_squeeze %dma_start3A_258 : memref<1x!tpu.dma_semaphore, #tpu.memory_space<semaphore_mem>> -> memref<!tpu.dma_semaphore, #tpu.memory_space<semaphore_mem>>
        tpu.enqueue_indirect_dma source(%dma_start3A_257 : memref<10240x16xf32, #tpu.memory_space<hbm>>) target(%dma_start3A_251 : memref<128x16xf32, #tpu.memory_space<vmem>>) offsets(%dma_start3A_254 : memref<128xi32, #tpu.memory_space<vmem>>) semaphore(%dma_start3A_259 : memref<!tpu.dma_semaphore, #tpu.memory_space<semaphore_mem>>)
        %add3A_260 = arith.constant 11 : i32
        %add3A_261 = arith.addi %mul3A_84, %add3A_260 : i32
        %dma_start3A_262 = arith.constant 11 : i32
        %dma_start3A_263 = arith.constant 11 : i32
        %dma_start3A_264 = arith.constant 0 : i32
        %dma_start3A_265 = arith.constant 0 : i32
        %dma_start3A_266 = tpu.memref_slice %arg14[%dma_start3A_262, %dma_start3A_264, %dma_start3A_265] : memref<16x128x16xf32, #tpu.memory_space<vmem>> -> memref<1x128x16xf32, #tpu.memory_space<vmem>>
        %dma_start3A_267 = tpu.memref_squeeze %dma_start3A_266 : memref<1x128x16xf32, #tpu.memory_space<vmem>> -> memref<128x16xf32, #tpu.memory_space<vmem>>
        %dma_start3A_268 = arith.constant 0 : i32
        %dma_start3A_269 = tpu.memref_slice %arg8[%add3A_261, %dma_start3A_268] : memref<160x128xi32, #tpu.memory_space<vmem>> -> memref<1x128xi32, #tpu.memory_space<vmem>>
        %dma_start3A_270 = tpu.memref_squeeze %dma_start3A_269 : memref<1x128xi32, #tpu.memory_space<vmem>> -> memref<128xi32, #tpu.memory_space<vmem>>
        %dma_start3A_271 = arith.constant 0 : i32
        %dma_start3A_272 = arith.constant 0 : i32
        %dma_start3A_273 = tpu.memref_slice %arg6[%dma_start3A_271, %dma_start3A_272] : memref<10240x16xf32, #tpu.memory_space<hbm>> -> memref<10240x16xf32, #tpu.memory_space<hbm>>
        %dma_start3A_274 = tpu.memref_slice %arg17[%dma_start3A_263] : memref<16x!tpu.dma_semaphore, #tpu.memory_space<semaphore_mem>> -> memref<1x!tpu.dma_semaphore, #tpu.memory_space<semaphore_mem>>
        %dma_start3A_275 = tpu.memref_squeeze %dma_start3A_274 : memref<1x!tpu.dma_semaphore, #tpu.memory_space<semaphore_mem>> -> memref<!tpu.dma_semaphore, #tpu.memory_space<semaphore_mem>>
        tpu.enqueue_indirect_dma source(%dma_start3A_273 : memref<10240x16xf32, #tpu.memory_space<hbm>>) target(%dma_start3A_267 : memref<128x16xf32, #tpu.memory_space<vmem>>) offsets(%dma_start3A_270 : memref<128xi32, #tpu.memory_space<vmem>>) semaphore(%dma_start3A_275 : memref<!tpu.dma_semaphore, #tpu.memory_space<semaphore_mem>>)
        %add3A_276 = arith.constant 12 : i32
        %add3A_277 = arith.addi %mul3A_84, %add3A_276 : i32
        %dma_start3A_278 = arith.constant 12 : i32
        %dma_start3A_279 = arith.constant 12 : i32
        %dma_start3A_280 = arith.constant 0 : i32
        %dma_start3A_281 = arith.constant 0 : i32
        %dma_start3A_282 = tpu.memref_slice %arg14[%dma_start3A_278, %dma_start3A_280, %dma_start3A_281] : memref<16x128x16xf32, #tpu.memory_space<vmem>> -> memref<1x128x16xf32, #tpu.memory_space<vmem>>
        %dma_start3A_283 = tpu.memref_squeeze %dma_start3A_282 : memref<1x128x16xf32, #tpu.memory_space<vmem>> -> memref<128x16xf32, #tpu.memory_space<vmem>>
        %dma_start3A_284 = arith.constant 0 : i32
        %dma_start3A_285 = tpu.memref_slice %arg8[%add3A_277, %dma_start3A_284] : memref<160x128xi32, #tpu.memory_space<vmem>> -> memref<1x128xi32, #tpu.memory_space<vmem>>
        %dma_start3A_286 = tpu.memref_squeeze %dma_start3A_285 : memref<1x128xi32, #tpu.memory_space<vmem>> -> memref<128xi32, #tpu.memory_space<vmem>>
        %dma_start3A_287 = arith.constant 0 : i32
        %dma_start3A_288 = arith.constant 0 : i32
        %dma_start3A_289 = tpu.memref_slice %arg6[%dma_start3A_287, %dma_start3A_288] : memref<10240x16xf32, #tpu.memory_space<hbm>> -> memref<10240x16xf32, #tpu.memory_space<hbm>>
        %dma_start3A_290 = tpu.memref_slice %arg17[%dma_start3A_279] : memref<16x!tpu.dma_semaphore, #tpu.memory_space<semaphore_mem>> -> memref<1x!tpu.dma_semaphore, #tpu.memory_space<semaphore_mem>>
        %dma_start3A_291 = tpu.memref_squeeze %dma_start3A_290 : memref<1x!tpu.dma_semaphore, #tpu.memory_space<semaphore_mem>> -> memref<!tpu.dma_semaphore, #tpu.memory_space<semaphore_mem>>
        tpu.enqueue_indirect_dma source(%dma_start3A_289 : memref<10240x16xf32, #tpu.memory_space<hbm>>) target(%dma_start3A_283 : memref<128x16xf32, #tpu.memory_space<vmem>>) offsets(%dma_start3A_286 : memref<128xi32, #tpu.memory_space<vmem>>) semaphore(%dma_start3A_291 : memref<!tpu.dma_semaphore, #tpu.memory_space<semaphore_mem>>)
        %add3A_292 = arith.constant 13 : i32
        %add3A_293 = arith.addi %mul3A_84, %add3A_292 : i32
        %dma_start3A_294 = arith.constant 13 : i32
        %dma_start3A_295 = arith.constant 13 : i32
        %dma_start3A_296 = arith.constant 0 : i32
        %dma_start3A_297 = arith.constant 0 : i32
        %dma_start3A_298 = tpu.memref_slice %arg14[%dma_start3A_294, %dma_start3A_296, %dma_start3A_297] : memref<16x128x16xf32, #tpu.memory_space<vmem>> -> memref<1x128x16xf32, #tpu.memory_space<vmem>>
        %dma_start3A_299 = tpu.memref_squeeze %dma_start3A_298 : memref<1x128x16xf32, #tpu.memory_space<vmem>> -> memref<128x16xf32, #tpu.memory_space<vmem>>
        %dma_start3A_300 = arith.constant 0 : i32
        %dma_start3A_301 = tpu.memref_slice %arg8[%add3A_293, %dma_start3A_300] : memref<160x128xi32, #tpu.memory_space<vmem>> -> memref<1x128xi32, #tpu.memory_space<vmem>>
        %dma_start3A_302 = tpu.memref_squeeze %dma_start3A_301 : memref<1x128xi32, #tpu.memory_space<vmem>> -> memref<128xi32, #tpu.memory_space<vmem>>
        %dma_start3A_303 = arith.constant 0 : i32
        %dma_start3A_304 = arith.constant 0 : i32
        %dma_start3A_305 = tpu.memref_slice %arg6[%dma_start3A_303, %dma_start3A_304] : memref<10240x16xf32, #tpu.memory_space<hbm>> -> memref<10240x16xf32, #tpu.memory_space<hbm>>
        %dma_start3A_306 = tpu.memref_slice %arg17[%dma_start3A_295] : memref<16x!tpu.dma_semaphore, #tpu.memory_space<semaphore_mem>> -> memref<1x!tpu.dma_semaphore, #tpu.memory_space<semaphore_mem>>
        %dma_start3A_307 = tpu.memref_squeeze %dma_start3A_306 : memref<1x!tpu.dma_semaphore, #tpu.memory_space<semaphore_mem>> -> memref<!tpu.dma_semaphore, #tpu.memory_space<semaphore_mem>>
        tpu.enqueue_indirect_dma source(%dma_start3A_305 : memref<10240x16xf32, #tpu.memory_space<hbm>>) target(%dma_start3A_299 : memref<128x16xf32, #tpu.memory_space<vmem>>) offsets(%dma_start3A_302 : memref<128xi32, #tpu.memory_space<vmem>>) semaphore(%dma_start3A_307 : memref<!tpu.dma_semaphore, #tpu.memory_space<semaphore_mem>>)
        %add3A_308 = arith.constant 14 : i32
        %add3A_309 = arith.addi %mul3A_84, %add3A_308 : i32
        %dma_start3A_310 = arith.constant 14 : i32
        %dma_start3A_311 = arith.constant 14 : i32
        %dma_start3A_312 = arith.constant 0 : i32
        %dma_start3A_313 = arith.constant 0 : i32
        %dma_start3A_314 = tpu.memref_slice %arg14[%dma_start3A_310, %dma_start3A_312, %dma_start3A_313] : memref<16x128x16xf32, #tpu.memory_space<vmem>> -> memref<1x128x16xf32, #tpu.memory_space<vmem>>
        %dma_start3A_315 = tpu.memref_squeeze %dma_start3A_314 : memref<1x128x16xf32, #tpu.memory_space<vmem>> -> memref<128x16xf32, #tpu.memory_space<vmem>>
        %dma_start3A_316 = arith.constant 0 : i32
        %dma_start3A_317 = tpu.memref_slice %arg8[%add3A_309, %dma_start3A_316] : memref<160x128xi32, #tpu.memory_space<vmem>> -> memref<1x128xi32, #tpu.memory_space<vmem>>
        %dma_start3A_318 = tpu.memref_squeeze %dma_start3A_317 : memref<1x128xi32, #tpu.memory_space<vmem>> -> memref<128xi32, #tpu.memory_space<vmem>>
        %dma_start3A_319 = arith.constant 0 : i32
        %dma_start3A_320 = arith.constant 0 : i32
        %dma_start3A_321 = tpu.memref_slice %arg6[%dma_start3A_319, %dma_start3A_320] : memref<10240x16xf32, #tpu.memory_space<hbm>> -> memref<10240x16xf32, #tpu.memory_space<hbm>>
        %dma_start3A_322 = tpu.memref_slice %arg17[%dma_start3A_311] : memref<16x!tpu.dma_semaphore, #tpu.memory_space<semaphore_mem>> -> memref<1x!tpu.dma_semaphore, #tpu.memory_space<semaphore_mem>>
        %dma_start3A_323 = tpu.memref_squeeze %dma_start3A_322 : memref<1x!tpu.dma_semaphore, #tpu.memory_space<semaphore_mem>> -> memref<!tpu.dma_semaphore, #tpu.memory_space<semaphore_mem>>
        tpu.enqueue_indirect_dma source(%dma_start3A_321 : memref<10240x16xf32, #tpu.memory_space<hbm>>) target(%dma_start3A_315 : memref<128x16xf32, #tpu.memory_space<vmem>>) offsets(%dma_start3A_318 : memref<128xi32, #tpu.memory_space<vmem>>) semaphore(%dma_start3A_323 : memref<!tpu.dma_semaphore, #tpu.memory_space<semaphore_mem>>)
        %add3A_324 = arith.constant 15 : i32
        %add3A_325 = arith.addi %mul3A_84, %add3A_324 : i32
        %dma_start3A_326 = arith.constant 15 : i32
        %dma_start3A_327 = arith.constant 15 : i32
        %dma_start3A_328 = arith.constant 0 : i32
        %dma_start3A_329 = arith.constant 0 : i32
        %dma_start3A_330 = tpu.memref_slice %arg14[%dma_start3A_326, %dma_start3A_328, %dma_start3A_329] : memref<16x128x16xf32, #tpu.memory_space<vmem>> -> memref<1x128x16xf32, #tpu.memory_space<vmem>>
        %dma_start3A_331 = tpu.memref_squeeze %dma_start3A_330 : memref<1x128x16xf32, #tpu.memory_space<vmem>> -> memref<128x16xf32, #tpu.memory_space<vmem>>
        %dma_start3A_332 = arith.constant 0 : i32
        %dma_start3A_333 = tpu.memref_slice %arg8[%add3A_325, %dma_start3A_332] : memref<160x128xi32, #tpu.memory_space<vmem>> -> memref<1x128xi32, #tpu.memory_space<vmem>>
        %dma_start3A_334 = tpu.memref_squeeze %dma_start3A_333 : memref<1x128xi32, #tpu.memory_space<vmem>> -> memref<128xi32, #tpu.memory_space<vmem>>
        %dma_start3A_335 = arith.constant 0 : i32
        %dma_start3A_336 = arith.constant 0 : i32
        %dma_start3A_337 = tpu.memref_slice %arg6[%dma_start3A_335, %dma_start3A_336] : memref<10240x16xf32, #tpu.memory_space<hbm>> -> memref<10240x16xf32, #tpu.memory_space<hbm>>
        %dma_start3A_338 = tpu.memref_slice %arg17[%dma_start3A_327] : memref<16x!tpu.dma_semaphore, #tpu.memory_space<semaphore_mem>> -> memref<1x!tpu.dma_semaphore, #tpu.memory_space<semaphore_mem>>
        %dma_start3A_339 = tpu.memref_squeeze %dma_start3A_338 : memref<1x!tpu.dma_semaphore, #tpu.memory_space<semaphore_mem>> -> memref<!tpu.dma_semaphore, #tpu.memory_space<semaphore_mem>>
        tpu.enqueue_indirect_dma source(%dma_start3A_337 : memref<10240x16xf32, #tpu.memory_space<hbm>>) target(%dma_start3A_331 : memref<128x16xf32, #tpu.memory_space<vmem>>) offsets(%dma_start3A_334 : memref<128xi32, #tpu.memory_space<vmem>>) semaphore(%dma_start3A_339 : memref<!tpu.dma_semaphore, #tpu.memory_space<semaphore_mem>>)
        %dma_wait3A = arith.constant 0 : i32
        %dma_wait3A_340 = arith.constant 0 : i32
        %dma_wait3A_341 = arith.constant 0 : i32
        %dma_wait3A_342 = arith.constant 0 : i32
        %dma_wait3A_343 = tpu.memref_slice %arg14[%dma_wait3A, %dma_wait3A_341, %dma_wait3A_342] : memref<16x128x16xf32, #tpu.memory_space<vmem>> -> memref<1x128x16xf32, #tpu.memory_space<vmem>>
        %dma_wait3A_344 = tpu.memref_squeeze %dma_wait3A_343 : memref<1x128x16xf32, #tpu.memory_space<vmem>> -> memref<128x16xf32, #tpu.memory_space<vmem>>
        %dma_wait3A_345 = arith.constant 0 : i32
        %dma_wait3A_346 = tpu.memref_slice %arg8[%add3A_86, %dma_wait3A_345] : memref<160x128xi32, #tpu.memory_space<vmem>> -> memref<1x128xi32, #tpu.memory_space<vmem>>
        %dma_wait3A_347 = tpu.memref_squeeze %dma_wait3A_346 : memref<1x128xi32, #tpu.memory_space<vmem>> -> memref<128xi32, #tpu.memory_space<vmem>>
        %dma_wait3A_348 = arith.constant 0 : i32
        %dma_wait3A_349 = arith.constant 0 : i32
        %dma_wait3A_350 = tpu.memref_slice %arg6[%dma_wait3A_348, %dma_wait3A_349] : memref<10240x16xf32, #tpu.memory_space<hbm>> -> memref<10240x16xf32, #tpu.memory_space<hbm>>
        %dma_wait3A_351 = tpu.memref_slice %arg17[%dma_wait3A_340] : memref<16x!tpu.dma_semaphore, #tpu.memory_space<semaphore_mem>> -> memref<1x!tpu.dma_semaphore, #tpu.memory_space<semaphore_mem>>
        %dma_wait3A_352 = tpu.memref_squeeze %dma_wait3A_351 : memref<1x!tpu.dma_semaphore, #tpu.memory_space<semaphore_mem>> -> memref<!tpu.dma_semaphore, #tpu.memory_space<semaphore_mem>>
        tpu.wait_indirect_dma semaphore(%dma_wait3A_352 : memref<!tpu.dma_semaphore, #tpu.memory_space<semaphore_mem>>) src(%dma_wait3A_350 : memref<10240x16xf32, #tpu.memory_space<hbm>>) dst(%dma_wait3A_344 : memref<128x16xf32, #tpu.memory_space<vmem>>)
        %add3A_353 = arith.constant 0 : i32
        %add3A_354 = arith.addi %mul3A_84, %add3A_353 : i32
        %dma_start3A_355 = arith.constant 0 : i32
        %dma_start3A_356 = arith.constant 0 : i32
        %dma_start3A_357 = arith.constant 0 : i32
        %dma_start3A_358 = tpu.memref_slice %arg14[%dma_start3A_355, %dma_start3A_356, %dma_start3A_357] : memref<16x128x16xf32, #tpu.memory_space<vmem>> -> memref<1x128x16xf32, #tpu.memory_space<vmem>>
        %dma_start3A_359 = tpu.memref_squeeze %dma_start3A_358 : memref<1x128x16xf32, #tpu.memory_space<vmem>> -> memref<128x16xf32, #tpu.memory_space<vmem>>
        %dma_start3A_360 = arith.constant 0 : i32
        %dma_start3A_361 = tpu.memref_slice %arg9[%add3A_354, %dma_start3A_360] : memref<160x128xi32, #tpu.memory_space<vmem>> -> memref<1x128xi32, #tpu.memory_space<vmem>>
        %dma_start3A_362 = tpu.memref_squeeze %dma_start3A_361 : memref<1x128xi32, #tpu.memory_space<vmem>> -> memref<128xi32, #tpu.memory_space<vmem>>
        %dma_start3A_363 = arith.constant 0 : i32
        %dma_start3A_364 = arith.constant 0 : i32
        %dma_start3A_365 = tpu.memref_slice %arg7[%dma_start3A_363, %dma_start3A_364] : memref<10240x16xf32, #tpu.memory_space<vmem_shared>> -> memref<10240x16xf32, #tpu.memory_space<vmem_shared>>
        tpu.enqueue_indirect_dma source(%dma_start3A_359 : memref<128x16xf32, #tpu.memory_space<vmem>>) target(%dma_start3A_365 : memref<10240x16xf32, #tpu.memory_space<vmem_shared>>) offsets(%dma_start3A_362 : memref<128xi32, #tpu.memory_space<vmem>>) semaphore(%arg18 : memref<!tpu.dma_semaphore, #tpu.memory_space<semaphore_mem>>) {add = true}
        %dma_wait3A_366 = arith.constant 1 : i32
        %dma_wait3A_367 = arith.constant 1 : i32
        %dma_wait3A_368 = arith.constant 0 : i32
        %dma_wait3A_369 = arith.constant 0 : i32
        %dma_wait3A_370 = tpu.memref_slice %arg14[%dma_wait3A_366, %dma_wait3A_368, %dma_wait3A_369] : memref<16x128x16xf32, #tpu.memory_space<vmem>> -> memref<1x128x16xf32, #tpu.memory_space<vmem>>
        %dma_wait3A_371 = tpu.memref_squeeze %dma_wait3A_370 : memref<1x128x16xf32, #tpu.memory_space<vmem>> -> memref<128x16xf32, #tpu.memory_space<vmem>>
        %dma_wait3A_372 = arith.constant 0 : i32
        %dma_wait3A_373 = tpu.memref_slice %arg8[%add3A_101, %dma_wait3A_372] : memref<160x128xi32, #tpu.memory_space<vmem>> -> memref<1x128xi32, #tpu.memory_space<vmem>>
        %dma_wait3A_374 = tpu.memref_squeeze %dma_wait3A_373 : memref<1x128xi32, #tpu.memory_space<vmem>> -> memref<128xi32, #tpu.memory_space<vmem>>
        %dma_wait3A_375 = arith.constant 0 : i32
        %dma_wait3A_376 = arith.constant 0 : i32
        %dma_wait3A_377 = tpu.memref_slice %arg6[%dma_wait3A_375, %dma_wait3A_376] : memref<10240x16xf32, #tpu.memory_space<hbm>> -> memref<10240x16xf32, #tpu.memory_space<hbm>>
        %dma_wait3A_378 = tpu.memref_slice %arg17[%dma_wait3A_367] : memref<16x!tpu.dma_semaphore, #tpu.memory_space<semaphore_mem>> -> memref<1x!tpu.dma_semaphore, #tpu.memory_space<semaphore_mem>>
        %dma_wait3A_379 = tpu.memref_squeeze %dma_wait3A_378 : memref<1x!tpu.dma_semaphore, #tpu.memory_space<semaphore_mem>> -> memref<!tpu.dma_semaphore, #tpu.memory_space<semaphore_mem>>
        tpu.wait_indirect_dma semaphore(%dma_wait3A_379 : memref<!tpu.dma_semaphore, #tpu.memory_space<semaphore_mem>>) src(%dma_wait3A_377 : memref<10240x16xf32, #tpu.memory_space<hbm>>) dst(%dma_wait3A_371 : memref<128x16xf32, #tpu.memory_space<vmem>>)
        %add3A_380 = arith.constant 1 : i32
        %add3A_381 = arith.addi %mul3A_84, %add3A_380 : i32
        %dma_start3A_382 = arith.constant 1 : i32
        %dma_start3A_383 = arith.constant 0 : i32
        %dma_start3A_384 = arith.constant 0 : i32
        %dma_start3A_385 = tpu.memref_slice %arg14[%dma_start3A_382, %dma_start3A_383, %dma_start3A_384] : memref<16x128x16xf32, #tpu.memory_space<vmem>> -> memref<1x128x16xf32, #tpu.memory_space<vmem>>
        %dma_start3A_386 = tpu.memref_squeeze %dma_start3A_385 : memref<1x128x16xf32, #tpu.memory_space<vmem>> -> memref<128x16xf32, #tpu.memory_space<vmem>>
        %dma_start3A_387 = arith.constant 0 : i32
        %dma_start3A_388 = tpu.memref_slice %arg9[%add3A_381, %dma_start3A_387] : memref<160x128xi32, #tpu.memory_space<vmem>> -> memref<1x128xi32, #tpu.memory_space<vmem>>
        %dma_start3A_389 = tpu.memref_squeeze %dma_start3A_388 : memref<1x128xi32, #tpu.memory_space<vmem>> -> memref<128xi32, #tpu.memory_space<vmem>>
        %dma_start3A_390 = arith.constant 0 : i32
        %dma_start3A_391 = arith.constant 0 : i32
        %dma_start3A_392 = tpu.memref_slice %arg7[%dma_start3A_390, %dma_start3A_391] : memref<10240x16xf32, #tpu.memory_space<vmem_shared>> -> memref<10240x16xf32, #tpu.memory_space<vmem_shared>>
        tpu.enqueue_indirect_dma source(%dma_start3A_386 : memref<128x16xf32, #tpu.memory_space<vmem>>) target(%dma_start3A_392 : memref<10240x16xf32, #tpu.memory_space<vmem_shared>>) offsets(%dma_start3A_389 : memref<128xi32, #tpu.memory_space<vmem>>) semaphore(%arg18 : memref<!tpu.dma_semaphore, #tpu.memory_space<semaphore_mem>>) {add = true}
        %dma_wait3A_393 = arith.constant 2 : i32
        %dma_wait3A_394 = arith.constant 2 : i32
        %dma_wait3A_395 = arith.constant 0 : i32
        %dma_wait3A_396 = arith.constant 0 : i32
        %dma_wait3A_397 = tpu.memref_slice %arg14[%dma_wait3A_393, %dma_wait3A_395, %dma_wait3A_396] : memref<16x128x16xf32, #tpu.memory_space<vmem>> -> memref<1x128x16xf32, #tpu.memory_space<vmem>>
        %dma_wait3A_398 = tpu.memref_squeeze %dma_wait3A_397 : memref<1x128x16xf32, #tpu.memory_space<vmem>> -> memref<128x16xf32, #tpu.memory_space<vmem>>
        %dma_wait3A_399 = arith.constant 0 : i32
        %dma_wait3A_400 = tpu.memref_slice %arg8[%add3A_117, %dma_wait3A_399] : memref<160x128xi32, #tpu.memory_space<vmem>> -> memref<1x128xi32, #tpu.memory_space<vmem>>
        %dma_wait3A_401 = tpu.memref_squeeze %dma_wait3A_400 : memref<1x128xi32, #tpu.memory_space<vmem>> -> memref<128xi32, #tpu.memory_space<vmem>>
        %dma_wait3A_402 = arith.constant 0 : i32
        %dma_wait3A_403 = arith.constant 0 : i32
        %dma_wait3A_404 = tpu.memref_slice %arg6[%dma_wait3A_402, %dma_wait3A_403] : memref<10240x16xf32, #tpu.memory_space<hbm>> -> memref<10240x16xf32, #tpu.memory_space<hbm>>
        %dma_wait3A_405 = tpu.memref_slice %arg17[%dma_wait3A_394] : memref<16x!tpu.dma_semaphore, #tpu.memory_space<semaphore_mem>> -> memref<1x!tpu.dma_semaphore, #tpu.memory_space<semaphore_mem>>
        %dma_wait3A_406 = tpu.memref_squeeze %dma_wait3A_405 : memref<1x!tpu.dma_semaphore, #tpu.memory_space<semaphore_mem>> -> memref<!tpu.dma_semaphore, #tpu.memory_space<semaphore_mem>>
        tpu.wait_indirect_dma semaphore(%dma_wait3A_406 : memref<!tpu.dma_semaphore, #tpu.memory_space<semaphore_mem>>) src(%dma_wait3A_404 : memref<10240x16xf32, #tpu.memory_space<hbm>>) dst(%dma_wait3A_398 : memref<128x16xf32, #tpu.memory_space<vmem>>)
        %add3A_407 = arith.constant 2 : i32
        %add3A_408 = arith.addi %mul3A_84, %add3A_407 : i32
        %dma_start3A_409 = arith.constant 2 : i32
        %dma_start3A_410 = arith.constant 0 : i32
        %dma_start3A_411 = arith.constant 0 : i32
        %dma_start3A_412 = tpu.memref_slice %arg14[%dma_start3A_409, %dma_start3A_410, %dma_start3A_411] : memref<16x128x16xf32, #tpu.memory_space<vmem>> -> memref<1x128x16xf32, #tpu.memory_space<vmem>>
        %dma_start3A_413 = tpu.memref_squeeze %dma_start3A_412 : memref<1x128x16xf32, #tpu.memory_space<vmem>> -> memref<128x16xf32, #tpu.memory_space<vmem>>
        %dma_start3A_414 = arith.constant 0 : i32
        %dma_start3A_415 = tpu.memref_slice %arg9[%add3A_408, %dma_start3A_414] : memref<160x128xi32, #tpu.memory_space<vmem>> -> memref<1x128xi32, #tpu.memory_space<vmem>>
        %dma_start3A_416 = tpu.memref_squeeze %dma_start3A_415 : memref<1x128xi32, #tpu.memory_space<vmem>> -> memref<128xi32, #tpu.memory_space<vmem>>
        %dma_start3A_417 = arith.constant 0 : i32
        %dma_start3A_418 = arith.constant 0 : i32
        %dma_start3A_419 = tpu.memref_slice %arg7[%dma_start3A_417, %dma_start3A_418] : memref<10240x16xf32, #tpu.memory_space<vmem_shared>> -> memref<10240x16xf32, #tpu.memory_space<vmem_shared>>
        tpu.enqueue_indirect_dma source(%dma_start3A_413 : memref<128x16xf32, #tpu.memory_space<vmem>>) target(%dma_start3A_419 : memref<10240x16xf32, #tpu.memory_space<vmem_shared>>) offsets(%dma_start3A_416 : memref<128xi32, #tpu.memory_space<vmem>>) semaphore(%arg18 : memref<!tpu.dma_semaphore, #tpu.memory_space<semaphore_mem>>) {add = true}
        %dma_wait3A_420 = arith.constant 3 : i32
        %dma_wait3A_421 = arith.constant 3 : i32
        %dma_wait3A_422 = arith.constant 0 : i32
        %dma_wait3A_423 = arith.constant 0 : i32
        %dma_wait3A_424 = tpu.memref_slice %arg14[%dma_wait3A_420, %dma_wait3A_422, %dma_wait3A_423] : memref<16x128x16xf32, #tpu.memory_space<vmem>> -> memref<1x128x16xf32, #tpu.memory_space<vmem>>
        %dma_wait3A_425 = tpu.memref_squeeze %dma_wait3A_424 : memref<1x128x16xf32, #tpu.memory_space<vmem>> -> memref<128x16xf32, #tpu.memory_space<vmem>>
        %dma_wait3A_426 = arith.constant 0 : i32
        %dma_wait3A_427 = tpu.memref_slice %arg8[%add3A_133, %dma_wait3A_426] : memref<160x128xi32, #tpu.memory_space<vmem>> -> memref<1x128xi32, #tpu.memory_space<vmem>>
        %dma_wait3A_428 = tpu.memref_squeeze %dma_wait3A_427 : memref<1x128xi32, #tpu.memory_space<vmem>> -> memref<128xi32, #tpu.memory_space<vmem>>
        %dma_wait3A_429 = arith.constant 0 : i32
        %dma_wait3A_430 = arith.constant 0 : i32
        %dma_wait3A_431 = tpu.memref_slice %arg6[%dma_wait3A_429, %dma_wait3A_430] : memref<10240x16xf32, #tpu.memory_space<hbm>> -> memref<10240x16xf32, #tpu.memory_space<hbm>>
        %dma_wait3A_432 = tpu.memref_slice %arg17[%dma_wait3A_421] : memref<16x!tpu.dma_semaphore, #tpu.memory_space<semaphore_mem>> -> memref<1x!tpu.dma_semaphore, #tpu.memory_space<semaphore_mem>>
        %dma_wait3A_433 = tpu.memref_squeeze %dma_wait3A_432 : memref<1x!tpu.dma_semaphore, #tpu.memory_space<semaphore_mem>> -> memref<!tpu.dma_semaphore, #tpu.memory_space<semaphore_mem>>
        tpu.wait_indirect_dma semaphore(%dma_wait3A_433 : memref<!tpu.dma_semaphore, #tpu.memory_space<semaphore_mem>>) src(%dma_wait3A_431 : memref<10240x16xf32, #tpu.memory_space<hbm>>) dst(%dma_wait3A_425 : memref<128x16xf32, #tpu.memory_space<vmem>>)
        %add3A_434 = arith.constant 3 : i32
        %add3A_435 = arith.addi %mul3A_84, %add3A_434 : i32
        %dma_start3A_436 = arith.constant 3 : i32
        %dma_start3A_437 = arith.constant 0 : i32
        %dma_start3A_438 = arith.constant 0 : i32
        %dma_start3A_439 = tpu.memref_slice %arg14[%dma_start3A_436, %dma_start3A_437, %dma_start3A_438] : memref<16x128x16xf32, #tpu.memory_space<vmem>> -> memref<1x128x16xf32, #tpu.memory_space<vmem>>
        %dma_start3A_440 = tpu.memref_squeeze %dma_start3A_439 : memref<1x128x16xf32, #tpu.memory_space<vmem>> -> memref<128x16xf32, #tpu.memory_space<vmem>>
        %dma_start3A_441 = arith.constant 0 : i32
        %dma_start3A_442 = tpu.memref_slice %arg9[%add3A_435, %dma_start3A_441] : memref<160x128xi32, #tpu.memory_space<vmem>> -> memref<1x128xi32, #tpu.memory_space<vmem>>
        %dma_start3A_443 = tpu.memref_squeeze %dma_start3A_442 : memref<1x128xi32, #tpu.memory_space<vmem>> -> memref<128xi32, #tpu.memory_space<vmem>>
        %dma_start3A_444 = arith.constant 0 : i32
        %dma_start3A_445 = arith.constant 0 : i32
        %dma_start3A_446 = tpu.memref_slice %arg7[%dma_start3A_444, %dma_start3A_445] : memref<10240x16xf32, #tpu.memory_space<vmem_shared>> -> memref<10240x16xf32, #tpu.memory_space<vmem_shared>>
        tpu.enqueue_indirect_dma source(%dma_start3A_440 : memref<128x16xf32, #tpu.memory_space<vmem>>) target(%dma_start3A_446 : memref<10240x16xf32, #tpu.memory_space<vmem_shared>>) offsets(%dma_start3A_443 : memref<128xi32, #tpu.memory_space<vmem>>) semaphore(%arg18 : memref<!tpu.dma_semaphore, #tpu.memory_space<semaphore_mem>>) {add = true}
        %dma_wait3A_447 = arith.constant 4 : i32
        %dma_wait3A_448 = arith.constant 4 : i32
        %dma_wait3A_449 = arith.constant 0 : i32
        %dma_wait3A_450 = arith.constant 0 : i32
        %dma_wait3A_451 = tpu.memref_slice %arg14[%dma_wait3A_447, %dma_wait3A_449, %dma_wait3A_450] : memref<16x128x16xf32, #tpu.memory_space<vmem>> -> memref<1x128x16xf32, #tpu.memory_space<vmem>>
        %dma_wait3A_452 = tpu.memref_squeeze %dma_wait3A_451 : memref<1x128x16xf32, #tpu.memory_space<vmem>> -> memref<128x16xf32, #tpu.memory_space<vmem>>
        %dma_wait3A_453 = arith.constant 0 : i32
        %dma_wait3A_454 = tpu.memref_slice %arg8[%add3A_149, %dma_wait3A_453] : memref<160x128xi32, #tpu.memory_space<vmem>> -> memref<1x128xi32, #tpu.memory_space<vmem>>
        %dma_wait3A_455 = tpu.memref_squeeze %dma_wait3A_454 : memref<1x128xi32, #tpu.memory_space<vmem>> -> memref<128xi32, #tpu.memory_space<vmem>>
        %dma_wait3A_456 = arith.constant 0 : i32
        %dma_wait3A_457 = arith.constant 0 : i32
        %dma_wait3A_458 = tpu.memref_slice %arg6[%dma_wait3A_456, %dma_wait3A_457] : memref<10240x16xf32, #tpu.memory_space<hbm>> -> memref<10240x16xf32, #tpu.memory_space<hbm>>
        %dma_wait3A_459 = tpu.memref_slice %arg17[%dma_wait3A_448] : memref<16x!tpu.dma_semaphore, #tpu.memory_space<semaphore_mem>> -> memref<1x!tpu.dma_semaphore, #tpu.memory_space<semaphore_mem>>
        %dma_wait3A_460 = tpu.memref_squeeze %dma_wait3A_459 : memref<1x!tpu.dma_semaphore, #tpu.memory_space<semaphore_mem>> -> memref<!tpu.dma_semaphore, #tpu.memory_space<semaphore_mem>>
        tpu.wait_indirect_dma semaphore(%dma_wait3A_460 : memref<!tpu.dma_semaphore, #tpu.memory_space<semaphore_mem>>) src(%dma_wait3A_458 : memref<10240x16xf32, #tpu.memory_space<hbm>>) dst(%dma_wait3A_452 : memref<128x16xf32, #tpu.memory_space<vmem>>)
        %add3A_461 = arith.constant 4 : i32
        %add3A_462 = arith.addi %mul3A_84, %add3A_461 : i32
        %dma_start3A_463 = arith.constant 4 : i32
        %dma_start3A_464 = arith.constant 0 : i32
        %dma_start3A_465 = arith.constant 0 : i32
        %dma_start3A_466 = tpu.memref_slice %arg14[%dma_start3A_463, %dma_start3A_464, %dma_start3A_465] : memref<16x128x16xf32, #tpu.memory_space<vmem>> -> memref<1x128x16xf32, #tpu.memory_space<vmem>>
        %dma_start3A_467 = tpu.memref_squeeze %dma_start3A_466 : memref<1x128x16xf32, #tpu.memory_space<vmem>> -> memref<128x16xf32, #tpu.memory_space<vmem>>
        %dma_start3A_468 = arith.constant 0 : i32
        %dma_start3A_469 = tpu.memref_slice %arg9[%add3A_462, %dma_start3A_468] : memref<160x128xi32, #tpu.memory_space<vmem>> -> memref<1x128xi32, #tpu.memory_space<vmem>>
        %dma_start3A_470 = tpu.memref_squeeze %dma_start3A_469 : memref<1x128xi32, #tpu.memory_space<vmem>> -> memref<128xi32, #tpu.memory_space<vmem>>
        %dma_start3A_471 = arith.constant 0 : i32
        %dma_start3A_472 = arith.constant 0 : i32
        %dma_start3A_473 = tpu.memref_slice %arg7[%dma_start3A_471, %dma_start3A_472] : memref<10240x16xf32, #tpu.memory_space<vmem_shared>> -> memref<10240x16xf32, #tpu.memory_space<vmem_shared>>
        tpu.enqueue_indirect_dma source(%dma_start3A_467 : memref<128x16xf32, #tpu.memory_space<vmem>>) target(%dma_start3A_473 : memref<10240x16xf32, #tpu.memory_space<vmem_shared>>) offsets(%dma_start3A_470 : memref<128xi32, #tpu.memory_space<vmem>>) semaphore(%arg18 : memref<!tpu.dma_semaphore, #tpu.memory_space<semaphore_mem>>) {add = true}
        %dma_wait3A_474 = arith.constant 5 : i32
        %dma_wait3A_475 = arith.constant 5 : i32
        %dma_wait3A_476 = arith.constant 0 : i32
        %dma_wait3A_477 = arith.constant 0 : i32
        %dma_wait3A_478 = tpu.memref_slice %arg14[%dma_wait3A_474, %dma_wait3A_476, %dma_wait3A_477] : memref<16x128x16xf32, #tpu.memory_space<vmem>> -> memref<1x128x16xf32, #tpu.memory_space<vmem>>
        %dma_wait3A_479 = tpu.memref_squeeze %dma_wait3A_478 : memref<1x128x16xf32, #tpu.memory_space<vmem>> -> memref<128x16xf32, #tpu.memory_space<vmem>>
        %dma_wait3A_480 = arith.constant 0 : i32
        %dma_wait3A_481 = tpu.memref_slice %arg8[%add3A_165, %dma_wait3A_480] : memref<160x128xi32, #tpu.memory_space<vmem>> -> memref<1x128xi32, #tpu.memory_space<vmem>>
        %dma_wait3A_482 = tpu.memref_squeeze %dma_wait3A_481 : memref<1x128xi32, #tpu.memory_space<vmem>> -> memref<128xi32, #tpu.memory_space<vmem>>
        %dma_wait3A_483 = arith.constant 0 : i32
        %dma_wait3A_484 = arith.constant 0 : i32
        %dma_wait3A_485 = tpu.memref_slice %arg6[%dma_wait3A_483, %dma_wait3A_484] : memref<10240x16xf32, #tpu.memory_space<hbm>> -> memref<10240x16xf32, #tpu.memory_space<hbm>>
        %dma_wait3A_486 = tpu.memref_slice %arg17[%dma_wait3A_475] : memref<16x!tpu.dma_semaphore, #tpu.memory_space<semaphore_mem>> -> memref<1x!tpu.dma_semaphore, #tpu.memory_space<semaphore_mem>>
        %dma_wait3A_487 = tpu.memref_squeeze %dma_wait3A_486 : memref<1x!tpu.dma_semaphore, #tpu.memory_space<semaphore_mem>> -> memref<!tpu.dma_semaphore, #tpu.memory_space<semaphore_mem>>
        tpu.wait_indirect_dma semaphore(%dma_wait3A_487 : memref<!tpu.dma_semaphore, #tpu.memory_space<semaphore_mem>>) src(%dma_wait3A_485 : memref<10240x16xf32, #tpu.memory_space<hbm>>) dst(%dma_wait3A_479 : memref<128x16xf32, #tpu.memory_space<vmem>>)
        %add3A_488 = arith.constant 5 : i32
        %add3A_489 = arith.addi %mul3A_84, %add3A_488 : i32
        %dma_start3A_490 = arith.constant 5 : i32
        %dma_start3A_491 = arith.constant 0 : i32
        %dma_start3A_492 = arith.constant 0 : i32
        %dma_start3A_493 = tpu.memref_slice %arg14[%dma_start3A_490, %dma_start3A_491, %dma_start3A_492] : memref<16x128x16xf32, #tpu.memory_space<vmem>> -> memref<1x128x16xf32, #tpu.memory_space<vmem>>
        %dma_start3A_494 = tpu.memref_squeeze %dma_start3A_493 : memref<1x128x16xf32, #tpu.memory_space<vmem>> -> memref<128x16xf32, #tpu.memory_space<vmem>>
        %dma_start3A_495 = arith.constant 0 : i32
        %dma_start3A_496 = tpu.memref_slice %arg9[%add3A_489, %dma_start3A_495] : memref<160x128xi32, #tpu.memory_space<vmem>> -> memref<1x128xi32, #tpu.memory_space<vmem>>
        %dma_start3A_497 = tpu.memref_squeeze %dma_start3A_496 : memref<1x128xi32, #tpu.memory_space<vmem>> -> memref<128xi32, #tpu.memory_space<vmem>>
        %dma_start3A_498 = arith.constant 0 : i32
        %dma_start3A_499 = arith.constant 0 : i32
        %dma_start3A_500 = tpu.memref_slice %arg7[%dma_start3A_498, %dma_start3A_499] : memref<10240x16xf32, #tpu.memory_space<vmem_shared>> -> memref<10240x16xf32, #tpu.memory_space<vmem_shared>>
        tpu.enqueue_indirect_dma source(%dma_start3A_494 : memref<128x16xf32, #tpu.memory_space<vmem>>) target(%dma_start3A_500 : memref<10240x16xf32, #tpu.memory_space<vmem_shared>>) offsets(%dma_start3A_497 : memref<128xi32, #tpu.memory_space<vmem>>) semaphore(%arg18 : memref<!tpu.dma_semaphore, #tpu.memory_space<semaphore_mem>>) {add = true}
        %dma_wait3A_501 = arith.constant 6 : i32
        %dma_wait3A_502 = arith.constant 6 : i32
        %dma_wait3A_503 = arith.constant 0 : i32
        %dma_wait3A_504 = arith.constant 0 : i32
        %dma_wait3A_505 = tpu.memref_slice %arg14[%dma_wait3A_501, %dma_wait3A_503, %dma_wait3A_504] : memref<16x128x16xf32, #tpu.memory_space<vmem>> -> memref<1x128x16xf32, #tpu.memory_space<vmem>>
        %dma_wait3A_506 = tpu.memref_squeeze %dma_wait3A_505 : memref<1x128x16xf32, #tpu.memory_space<vmem>> -> memref<128x16xf32, #tpu.memory_space<vmem>>
        %dma_wait3A_507 = arith.constant 0 : i32
        %dma_wait3A_508 = tpu.memref_slice %arg8[%add3A_181, %dma_wait3A_507] : memref<160x128xi32, #tpu.memory_space<vmem>> -> memref<1x128xi32, #tpu.memory_space<vmem>>
        %dma_wait3A_509 = tpu.memref_squeeze %dma_wait3A_508 : memref<1x128xi32, #tpu.memory_space<vmem>> -> memref<128xi32, #tpu.memory_space<vmem>>
        %dma_wait3A_510 = arith.constant 0 : i32
        %dma_wait3A_511 = arith.constant 0 : i32
        %dma_wait3A_512 = tpu.memref_slice %arg6[%dma_wait3A_510, %dma_wait3A_511] : memref<10240x16xf32, #tpu.memory_space<hbm>> -> memref<10240x16xf32, #tpu.memory_space<hbm>>
        %dma_wait3A_513 = tpu.memref_slice %arg17[%dma_wait3A_502] : memref<16x!tpu.dma_semaphore, #tpu.memory_space<semaphore_mem>> -> memref<1x!tpu.dma_semaphore, #tpu.memory_space<semaphore_mem>>
        %dma_wait3A_514 = tpu.memref_squeeze %dma_wait3A_513 : memref<1x!tpu.dma_semaphore, #tpu.memory_space<semaphore_mem>> -> memref<!tpu.dma_semaphore, #tpu.memory_space<semaphore_mem>>
        tpu.wait_indirect_dma semaphore(%dma_wait3A_514 : memref<!tpu.dma_semaphore, #tpu.memory_space<semaphore_mem>>) src(%dma_wait3A_512 : memref<10240x16xf32, #tpu.memory_space<hbm>>) dst(%dma_wait3A_506 : memref<128x16xf32, #tpu.memory_space<vmem>>)
        %add3A_515 = arith.constant 6 : i32
        %add3A_516 = arith.addi %mul3A_84, %add3A_515 : i32
        %dma_start3A_517 = arith.constant 6 : i32
        %dma_start3A_518 = arith.constant 0 : i32
        %dma_start3A_519 = arith.constant 0 : i32
        %dma_start3A_520 = tpu.memref_slice %arg14[%dma_start3A_517, %dma_start3A_518, %dma_start3A_519] : memref<16x128x16xf32, #tpu.memory_space<vmem>> -> memref<1x128x16xf32, #tpu.memory_space<vmem>>
        %dma_start3A_521 = tpu.memref_squeeze %dma_start3A_520 : memref<1x128x16xf32, #tpu.memory_space<vmem>> -> memref<128x16xf32, #tpu.memory_space<vmem>>
        %dma_start3A_522 = arith.constant 0 : i32
        %dma_start3A_523 = tpu.memref_slice %arg9[%add3A_516, %dma_start3A_522] : memref<160x128xi32, #tpu.memory_space<vmem>> -> memref<1x128xi32, #tpu.memory_space<vmem>>
        %dma_start3A_524 = tpu.memref_squeeze %dma_start3A_523 : memref<1x128xi32, #tpu.memory_space<vmem>> -> memref<128xi32, #tpu.memory_space<vmem>>
        %dma_start3A_525 = arith.constant 0 : i32
        %dma_start3A_526 = arith.constant 0 : i32
        %dma_start3A_527 = tpu.memref_slice %arg7[%dma_start3A_525, %dma_start3A_526] : memref<10240x16xf32, #tpu.memory_space<vmem_shared>> -> memref<10240x16xf32, #tpu.memory_space<vmem_shared>>
        tpu.enqueue_indirect_dma source(%dma_start3A_521 : memref<128x16xf32, #tpu.memory_space<vmem>>) target(%dma_start3A_527 : memref<10240x16xf32, #tpu.memory_space<vmem_shared>>) offsets(%dma_start3A_524 : memref<128xi32, #tpu.memory_space<vmem>>) semaphore(%arg18 : memref<!tpu.dma_semaphore, #tpu.memory_space<semaphore_mem>>) {add = true}
        %dma_wait3A_528 = arith.constant 7 : i32
        %dma_wait3A_529 = arith.constant 7 : i32
        %dma_wait3A_530 = arith.constant 0 : i32
        %dma_wait3A_531 = arith.constant 0 : i32
        %dma_wait3A_532 = tpu.memref_slice %arg14[%dma_wait3A_528, %dma_wait3A_530, %dma_wait3A_531] : memref<16x128x16xf32, #tpu.memory_space<vmem>> -> memref<1x128x16xf32, #tpu.memory_space<vmem>>
        %dma_wait3A_533 = tpu.memref_squeeze %dma_wait3A_532 : memref<1x128x16xf32, #tpu.memory_space<vmem>> -> memref<128x16xf32, #tpu.memory_space<vmem>>
        %dma_wait3A_534 = arith.constant 0 : i32
        %dma_wait3A_535 = tpu.memref_slice %arg8[%add3A_197, %dma_wait3A_534] : memref<160x128xi32, #tpu.memory_space<vmem>> -> memref<1x128xi32, #tpu.memory_space<vmem>>
        %dma_wait3A_536 = tpu.memref_squeeze %dma_wait3A_535 : memref<1x128xi32, #tpu.memory_space<vmem>> -> memref<128xi32, #tpu.memory_space<vmem>>
        %dma_wait3A_537 = arith.constant 0 : i32
        %dma_wait3A_538 = arith.constant 0 : i32
        %dma_wait3A_539 = tpu.memref_slice %arg6[%dma_wait3A_537, %dma_wait3A_538] : memref<10240x16xf32, #tpu.memory_space<hbm>> -> memref<10240x16xf32, #tpu.memory_space<hbm>>
        %dma_wait3A_540 = tpu.memref_slice %arg17[%dma_wait3A_529] : memref<16x!tpu.dma_semaphore, #tpu.memory_space<semaphore_mem>> -> memref<1x!tpu.dma_semaphore, #tpu.memory_space<semaphore_mem>>
        %dma_wait3A_541 = tpu.memref_squeeze %dma_wait3A_540 : memref<1x!tpu.dma_semaphore, #tpu.memory_space<semaphore_mem>> -> memref<!tpu.dma_semaphore, #tpu.memory_space<semaphore_mem>>
        tpu.wait_indirect_dma semaphore(%dma_wait3A_541 : memref<!tpu.dma_semaphore, #tpu.memory_space<semaphore_mem>>) src(%dma_wait3A_539 : memref<10240x16xf32, #tpu.memory_space<hbm>>) dst(%dma_wait3A_533 : memref<128x16xf32, #tpu.memory_space<vmem>>)
        %add3A_542 = arith.constant 7 : i32
        %add3A_543 = arith.addi %mul3A_84, %add3A_542 : i32
        %dma_start3A_544 = arith.constant 7 : i32
        %dma_start3A_545 = arith.constant 0 : i32
        %dma_start3A_546 = arith.constant 0 : i32
        %dma_start3A_547 = tpu.memref_slice %arg14[%dma_start3A_544, %dma_start3A_545, %dma_start3A_546] : memref<16x128x16xf32, #tpu.memory_space<vmem>> -> memref<1x128x16xf32, #tpu.memory_space<vmem>>
        %dma_start3A_548 = tpu.memref_squeeze %dma_start3A_547 : memref<1x128x16xf32, #tpu.memory_space<vmem>> -> memref<128x16xf32, #tpu.memory_space<vmem>>
        %dma_start3A_549 = arith.constant 0 : i32
        %dma_start3A_550 = tpu.memref_slice %arg9[%add3A_543, %dma_start3A_549] : memref<160x128xi32, #tpu.memory_space<vmem>> -> memref<1x128xi32, #tpu.memory_space<vmem>>
        %dma_start3A_551 = tpu.memref_squeeze %dma_start3A_550 : memref<1x128xi32, #tpu.memory_space<vmem>> -> memref<128xi32, #tpu.memory_space<vmem>>
        %dma_start3A_552 = arith.constant 0 : i32
        %dma_start3A_553 = arith.constant 0 : i32
        %dma_start3A_554 = tpu.memref_slice %arg7[%dma_start3A_552, %dma_start3A_553] : memref<10240x16xf32, #tpu.memory_space<vmem_shared>> -> memref<10240x16xf32, #tpu.memory_space<vmem_shared>>
        tpu.enqueue_indirect_dma source(%dma_start3A_548 : memref<128x16xf32, #tpu.memory_space<vmem>>) target(%dma_start3A_554 : memref<10240x16xf32, #tpu.memory_space<vmem_shared>>) offsets(%dma_start3A_551 : memref<128xi32, #tpu.memory_space<vmem>>) semaphore(%arg18 : memref<!tpu.dma_semaphore, #tpu.memory_space<semaphore_mem>>) {add = true}
        %dma_wait3A_555 = arith.constant 8 : i32
        %dma_wait3A_556 = arith.constant 8 : i32
        %dma_wait3A_557 = arith.constant 0 : i32
        %dma_wait3A_558 = arith.constant 0 : i32
        %dma_wait3A_559 = tpu.memref_slice %arg14[%dma_wait3A_555, %dma_wait3A_557, %dma_wait3A_558] : memref<16x128x16xf32, #tpu.memory_space<vmem>> -> memref<1x128x16xf32, #tpu.memory_space<vmem>>
        %dma_wait3A_560 = tpu.memref_squeeze %dma_wait3A_559 : memref<1x128x16xf32, #tpu.memory_space<vmem>> -> memref<128x16xf32, #tpu.memory_space<vmem>>
        %dma_wait3A_561 = arith.constant 0 : i32
        %dma_wait3A_562 = tpu.memref_slice %arg8[%add3A_213, %dma_wait3A_561] : memref<160x128xi32, #tpu.memory_space<vmem>> -> memref<1x128xi32, #tpu.memory_space<vmem>>
        %dma_wait3A_563 = tpu.memref_squeeze %dma_wait3A_562 : memref<1x128xi32, #tpu.memory_space<vmem>> -> memref<128xi32, #tpu.memory_space<vmem>>
        %dma_wait3A_564 = arith.constant 0 : i32
        %dma_wait3A_565 = arith.constant 0 : i32
        %dma_wait3A_566 = tpu.memref_slice %arg6[%dma_wait3A_564, %dma_wait3A_565] : memref<10240x16xf32, #tpu.memory_space<hbm>> -> memref<10240x16xf32, #tpu.memory_space<hbm>>
        %dma_wait3A_567 = tpu.memref_slice %arg17[%dma_wait3A_556] : memref<16x!tpu.dma_semaphore, #tpu.memory_space<semaphore_mem>> -> memref<1x!tpu.dma_semaphore, #tpu.memory_space<semaphore_mem>>
        %dma_wait3A_568 = tpu.memref_squeeze %dma_wait3A_567 : memref<1x!tpu.dma_semaphore, #tpu.memory_space<semaphore_mem>> -> memref<!tpu.dma_semaphore, #tpu.memory_space<semaphore_mem>>
        tpu.wait_indirect_dma semaphore(%dma_wait3A_568 : memref<!tpu.dma_semaphore, #tpu.memory_space<semaphore_mem>>) src(%dma_wait3A_566 : memref<10240x16xf32, #tpu.memory_space<hbm>>) dst(%dma_wait3A_560 : memref<128x16xf32, #tpu.memory_space<vmem>>)
        %add3A_569 = arith.constant 8 : i32
        %add3A_570 = arith.addi %mul3A_84, %add3A_569 : i32
        %dma_start3A_571 = arith.constant 8 : i32
        %dma_start3A_572 = arith.constant 0 : i32
        %dma_start3A_573 = arith.constant 0 : i32
        %dma_start3A_574 = tpu.memref_slice %arg14[%dma_start3A_571, %dma_start3A_572, %dma_start3A_573] : memref<16x128x16xf32, #tpu.memory_space<vmem>> -> memref<1x128x16xf32, #tpu.memory_space<vmem>>
        %dma_start3A_575 = tpu.memref_squeeze %dma_start3A_574 : memref<1x128x16xf32, #tpu.memory_space<vmem>> -> memref<128x16xf32, #tpu.memory_space<vmem>>
        %dma_start3A_576 = arith.constant 0 : i32
        %dma_start3A_577 = tpu.memref_slice %arg9[%add3A_570, %dma_start3A_576] : memref<160x128xi32, #tpu.memory_space<vmem>> -> memref<1x128xi32, #tpu.memory_space<vmem>>
        %dma_start3A_578 = tpu.memref_squeeze %dma_start3A_577 : memref<1x128xi32, #tpu.memory_space<vmem>> -> memref<128xi32, #tpu.memory_space<vmem>>
        %dma_start3A_579 = arith.constant 0 : i32
        %dma_start3A_580 = arith.constant 0 : i32
        %dma_start3A_581 = tpu.memref_slice %arg7[%dma_start3A_579, %dma_start3A_580] : memref<10240x16xf32, #tpu.memory_space<vmem_shared>> -> memref<10240x16xf32, #tpu.memory_space<vmem_shared>>
        tpu.enqueue_indirect_dma source(%dma_start3A_575 : memref<128x16xf32, #tpu.memory_space<vmem>>) target(%dma_start3A_581 : memref<10240x16xf32, #tpu.memory_space<vmem_shared>>) offsets(%dma_start3A_578 : memref<128xi32, #tpu.memory_space<vmem>>) semaphore(%arg18 : memref<!tpu.dma_semaphore, #tpu.memory_space<semaphore_mem>>) {add = true}
        %dma_wait3A_582 = arith.constant 9 : i32
        %dma_wait3A_583 = arith.constant 9 : i32
        %dma_wait3A_584 = arith.constant 0 : i32
        %dma_wait3A_585 = arith.constant 0 : i32
        %dma_wait3A_586 = tpu.memref_slice %arg14[%dma_wait3A_582, %dma_wait3A_584, %dma_wait3A_585] : memref<16x128x16xf32, #tpu.memory_space<vmem>> -> memref<1x128x16xf32, #tpu.memory_space<vmem>>
        %dma_wait3A_587 = tpu.memref_squeeze %dma_wait3A_586 : memref<1x128x16xf32, #tpu.memory_space<vmem>> -> memref<128x16xf32, #tpu.memory_space<vmem>>
        %dma_wait3A_588 = arith.constant 0 : i32
        %dma_wait3A_589 = tpu.memref_slice %arg8[%add3A_229, %dma_wait3A_588] : memref<160x128xi32, #tpu.memory_space<vmem>> -> memref<1x128xi32, #tpu.memory_space<vmem>>
        %dma_wait3A_590 = tpu.memref_squeeze %dma_wait3A_589 : memref<1x128xi32, #tpu.memory_space<vmem>> -> memref<128xi32, #tpu.memory_space<vmem>>
        %dma_wait3A_591 = arith.constant 0 : i32
        %dma_wait3A_592 = arith.constant 0 : i32
        %dma_wait3A_593 = tpu.memref_slice %arg6[%dma_wait3A_591, %dma_wait3A_592] : memref<10240x16xf32, #tpu.memory_space<hbm>> -> memref<10240x16xf32, #tpu.memory_space<hbm>>
        %dma_wait3A_594 = tpu.memref_slice %arg17[%dma_wait3A_583] : memref<16x!tpu.dma_semaphore, #tpu.memory_space<semaphore_mem>> -> memref<1x!tpu.dma_semaphore, #tpu.memory_space<semaphore_mem>>
        %dma_wait3A_595 = tpu.memref_squeeze %dma_wait3A_594 : memref<1x!tpu.dma_semaphore, #tpu.memory_space<semaphore_mem>> -> memref<!tpu.dma_semaphore, #tpu.memory_space<semaphore_mem>>
        tpu.wait_indirect_dma semaphore(%dma_wait3A_595 : memref<!tpu.dma_semaphore, #tpu.memory_space<semaphore_mem>>) src(%dma_wait3A_593 : memref<10240x16xf32, #tpu.memory_space<hbm>>) dst(%dma_wait3A_587 : memref<128x16xf32, #tpu.memory_space<vmem>>)
        %add3A_596 = arith.constant 9 : i32
        %add3A_597 = arith.addi %mul3A_84, %add3A_596 : i32
        %dma_start3A_598 = arith.constant 9 : i32
        %dma_start3A_599 = arith.constant 0 : i32
        %dma_start3A_600 = arith.constant 0 : i32
        %dma_start3A_601 = tpu.memref_slice %arg14[%dma_start3A_598, %dma_start3A_599, %dma_start3A_600] : memref<16x128x16xf32, #tpu.memory_space<vmem>> -> memref<1x128x16xf32, #tpu.memory_space<vmem>>
        %dma_start3A_602 = tpu.memref_squeeze %dma_start3A_601 : memref<1x128x16xf32, #tpu.memory_space<vmem>> -> memref<128x16xf32, #tpu.memory_space<vmem>>
        %dma_start3A_603 = arith.constant 0 : i32
        %dma_start3A_604 = tpu.memref_slice %arg9[%add3A_597, %dma_start3A_603] : memref<160x128xi32, #tpu.memory_space<vmem>> -> memref<1x128xi32, #tpu.memory_space<vmem>>
        %dma_start3A_605 = tpu.memref_squeeze %dma_start3A_604 : memref<1x128xi32, #tpu.memory_space<vmem>> -> memref<128xi32, #tpu.memory_space<vmem>>
        %dma_start3A_606 = arith.constant 0 : i32
        %dma_start3A_607 = arith.constant 0 : i32
        %dma_start3A_608 = tpu.memref_slice %arg7[%dma_start3A_606, %dma_start3A_607] : memref<10240x16xf32, #tpu.memory_space<vmem_shared>> -> memref<10240x16xf32, #tpu.memory_space<vmem_shared>>
        tpu.enqueue_indirect_dma source(%dma_start3A_602 : memref<128x16xf32, #tpu.memory_space<vmem>>) target(%dma_start3A_608 : memref<10240x16xf32, #tpu.memory_space<vmem_shared>>) offsets(%dma_start3A_605 : memref<128xi32, #tpu.memory_space<vmem>>) semaphore(%arg18 : memref<!tpu.dma_semaphore, #tpu.memory_space<semaphore_mem>>) {add = true}
        %dma_wait3A_609 = arith.constant 10 : i32
        %dma_wait3A_610 = arith.constant 10 : i32
        %dma_wait3A_611 = arith.constant 0 : i32
        %dma_wait3A_612 = arith.constant 0 : i32
        %dma_wait3A_613 = tpu.memref_slice %arg14[%dma_wait3A_609, %dma_wait3A_611, %dma_wait3A_612] : memref<16x128x16xf32, #tpu.memory_space<vmem>> -> memref<1x128x16xf32, #tpu.memory_space<vmem>>
        %dma_wait3A_614 = tpu.memref_squeeze %dma_wait3A_613 : memref<1x128x16xf32, #tpu.memory_space<vmem>> -> memref<128x16xf32, #tpu.memory_space<vmem>>
        %dma_wait3A_615 = arith.constant 0 : i32
        %dma_wait3A_616 = tpu.memref_slice %arg8[%add3A_245, %dma_wait3A_615] : memref<160x128xi32, #tpu.memory_space<vmem>> -> memref<1x128xi32, #tpu.memory_space<vmem>>
        %dma_wait3A_617 = tpu.memref_squeeze %dma_wait3A_616 : memref<1x128xi32, #tpu.memory_space<vmem>> -> memref<128xi32, #tpu.memory_space<vmem>>
        %dma_wait3A_618 = arith.constant 0 : i32
        %dma_wait3A_619 = arith.constant 0 : i32
        %dma_wait3A_620 = tpu.memref_slice %arg6[%dma_wait3A_618, %dma_wait3A_619] : memref<10240x16xf32, #tpu.memory_space<hbm>> -> memref<10240x16xf32, #tpu.memory_space<hbm>>
        %dma_wait3A_621 = tpu.memref_slice %arg17[%dma_wait3A_610] : memref<16x!tpu.dma_semaphore, #tpu.memory_space<semaphore_mem>> -> memref<1x!tpu.dma_semaphore, #tpu.memory_space<semaphore_mem>>
        %dma_wait3A_622 = tpu.memref_squeeze %dma_wait3A_621 : memref<1x!tpu.dma_semaphore, #tpu.memory_space<semaphore_mem>> -> memref<!tpu.dma_semaphore, #tpu.memory_space<semaphore_mem>>
        tpu.wait_indirect_dma semaphore(%dma_wait3A_622 : memref<!tpu.dma_semaphore, #tpu.memory_space<semaphore_mem>>) src(%dma_wait3A_620 : memref<10240x16xf32, #tpu.memory_space<hbm>>) dst(%dma_wait3A_614 : memref<128x16xf32, #tpu.memory_space<vmem>>)
        %add3A_623 = arith.constant 10 : i32
        %add3A_624 = arith.addi %mul3A_84, %add3A_623 : i32
        %dma_start3A_625 = arith.constant 10 : i32
        %dma_start3A_626 = arith.constant 0 : i32
        %dma_start3A_627 = arith.constant 0 : i32
        %dma_start3A_628 = tpu.memref_slice %arg14[%dma_start3A_625, %dma_start3A_626, %dma_start3A_627] : memref<16x128x16xf32, #tpu.memory_space<vmem>> -> memref<1x128x16xf32, #tpu.memory_space<vmem>>
        %dma_start3A_629 = tpu.memref_squeeze %dma_start3A_628 : memref<1x128x16xf32, #tpu.memory_space<vmem>> -> memref<128x16xf32, #tpu.memory_space<vmem>>
        %dma_start3A_630 = arith.constant 0 : i32
        %dma_start3A_631 = tpu.memref_slice %arg9[%add3A_624, %dma_start3A_630] : memref<160x128xi32, #tpu.memory_space<vmem>> -> memref<1x128xi32, #tpu.memory_space<vmem>>
        %dma_start3A_632 = tpu.memref_squeeze %dma_start3A_631 : memref<1x128xi32, #tpu.memory_space<vmem>> -> memref<128xi32, #tpu.memory_space<vmem>>
        %dma_start3A_633 = arith.constant 0 : i32
        %dma_start3A_634 = arith.constant 0 : i32
        %dma_start3A_635 = tpu.memref_slice %arg7[%dma_start3A_633, %dma_start3A_634] : memref<10240x16xf32, #tpu.memory_space<vmem_shared>> -> memref<10240x16xf32, #tpu.memory_space<vmem_shared>>
        tpu.enqueue_indirect_dma source(%dma_start3A_629 : memref<128x16xf32, #tpu.memory_space<vmem>>) target(%dma_start3A_635 : memref<10240x16xf32, #tpu.memory_space<vmem_shared>>) offsets(%dma_start3A_632 : memref<128xi32, #tpu.memory_space<vmem>>) semaphore(%arg18 : memref<!tpu.dma_semaphore, #tpu.memory_space<semaphore_mem>>) {add = true}
        %dma_wait3A_636 = arith.constant 11 : i32
        %dma_wait3A_637 = arith.constant 11 : i32
        %dma_wait3A_638 = arith.constant 0 : i32
        %dma_wait3A_639 = arith.constant 0 : i32
        %dma_wait3A_640 = tpu.memref_slice %arg14[%dma_wait3A_636, %dma_wait3A_638, %dma_wait3A_639] : memref<16x128x16xf32, #tpu.memory_space<vmem>> -> memref<1x128x16xf32, #tpu.memory_space<vmem>>
        %dma_wait3A_641 = tpu.memref_squeeze %dma_wait3A_640 : memref<1x128x16xf32, #tpu.memory_space<vmem>> -> memref<128x16xf32, #tpu.memory_space<vmem>>
        %dma_wait3A_642 = arith.constant 0 : i32
        %dma_wait3A_643 = tpu.memref_slice %arg8[%add3A_261, %dma_wait3A_642] : memref<160x128xi32, #tpu.memory_space<vmem>> -> memref<1x128xi32, #tpu.memory_space<vmem>>
        %dma_wait3A_644 = tpu.memref_squeeze %dma_wait3A_643 : memref<1x128xi32, #tpu.memory_space<vmem>> -> memref<128xi32, #tpu.memory_space<vmem>>
        %dma_wait3A_645 = arith.constant 0 : i32
        %dma_wait3A_646 = arith.constant 0 : i32
        %dma_wait3A_647 = tpu.memref_slice %arg6[%dma_wait3A_645, %dma_wait3A_646] : memref<10240x16xf32, #tpu.memory_space<hbm>> -> memref<10240x16xf32, #tpu.memory_space<hbm>>
        %dma_wait3A_648 = tpu.memref_slice %arg17[%dma_wait3A_637] : memref<16x!tpu.dma_semaphore, #tpu.memory_space<semaphore_mem>> -> memref<1x!tpu.dma_semaphore, #tpu.memory_space<semaphore_mem>>
        %dma_wait3A_649 = tpu.memref_squeeze %dma_wait3A_648 : memref<1x!tpu.dma_semaphore, #tpu.memory_space<semaphore_mem>> -> memref<!tpu.dma_semaphore, #tpu.memory_space<semaphore_mem>>
        tpu.wait_indirect_dma semaphore(%dma_wait3A_649 : memref<!tpu.dma_semaphore, #tpu.memory_space<semaphore_mem>>) src(%dma_wait3A_647 : memref<10240x16xf32, #tpu.memory_space<hbm>>) dst(%dma_wait3A_641 : memref<128x16xf32, #tpu.memory_space<vmem>>)
        %add3A_650 = arith.constant 11 : i32
        %add3A_651 = arith.addi %mul3A_84, %add3A_650 : i32
        %dma_start3A_652 = arith.constant 11 : i32
        %dma_start3A_653 = arith.constant 0 : i32
        %dma_start3A_654 = arith.constant 0 : i32
        %dma_start3A_655 = tpu.memref_slice %arg14[%dma_start3A_652, %dma_start3A_653, %dma_start3A_654] : memref<16x128x16xf32, #tpu.memory_space<vmem>> -> memref<1x128x16xf32, #tpu.memory_space<vmem>>
        %dma_start3A_656 = tpu.memref_squeeze %dma_start3A_655 : memref<1x128x16xf32, #tpu.memory_space<vmem>> -> memref<128x16xf32, #tpu.memory_space<vmem>>
        %dma_start3A_657 = arith.constant 0 : i32
        %dma_start3A_658 = tpu.memref_slice %arg9[%add3A_651, %dma_start3A_657] : memref<160x128xi32, #tpu.memory_space<vmem>> -> memref<1x128xi32, #tpu.memory_space<vmem>>
        %dma_start3A_659 = tpu.memref_squeeze %dma_start3A_658 : memref<1x128xi32, #tpu.memory_space<vmem>> -> memref<128xi32, #tpu.memory_space<vmem>>
        %dma_start3A_660 = arith.constant 0 : i32
        %dma_start3A_661 = arith.constant 0 : i32
        %dma_start3A_662 = tpu.memref_slice %arg7[%dma_start3A_660, %dma_start3A_661] : memref<10240x16xf32, #tpu.memory_space<vmem_shared>> -> memref<10240x16xf32, #tpu.memory_space<vmem_shared>>
        tpu.enqueue_indirect_dma source(%dma_start3A_656 : memref<128x16xf32, #tpu.memory_space<vmem>>) target(%dma_start3A_662 : memref<10240x16xf32, #tpu.memory_space<vmem_shared>>) offsets(%dma_start3A_659 : memref<128xi32, #tpu.memory_space<vmem>>) semaphore(%arg18 : memref<!tpu.dma_semaphore, #tpu.memory_space<semaphore_mem>>) {add = true}
        %dma_wait3A_663 = arith.constant 12 : i32
        %dma_wait3A_664 = arith.constant 12 : i32
        %dma_wait3A_665 = arith.constant 0 : i32
        %dma_wait3A_666 = arith.constant 0 : i32
        %dma_wait3A_667 = tpu.memref_slice %arg14[%dma_wait3A_663, %dma_wait3A_665, %dma_wait3A_666] : memref<16x128x16xf32, #tpu.memory_space<vmem>> -> memref<1x128x16xf32, #tpu.memory_space<vmem>>
        %dma_wait3A_668 = tpu.memref_squeeze %dma_wait3A_667 : memref<1x128x16xf32, #tpu.memory_space<vmem>> -> memref<128x16xf32, #tpu.memory_space<vmem>>
        %dma_wait3A_669 = arith.constant 0 : i32
        %dma_wait3A_670 = tpu.memref_slice %arg8[%add3A_277, %dma_wait3A_669] : memref<160x128xi32, #tpu.memory_space<vmem>> -> memref<1x128xi32, #tpu.memory_space<vmem>>
        %dma_wait3A_671 = tpu.memref_squeeze %dma_wait3A_670 : memref<1x128xi32, #tpu.memory_space<vmem>> -> memref<128xi32, #tpu.memory_space<vmem>>
        %dma_wait3A_672 = arith.constant 0 : i32
        %dma_wait3A_673 = arith.constant 0 : i32
        %dma_wait3A_674 = tpu.memref_slice %arg6[%dma_wait3A_672, %dma_wait3A_673] : memref<10240x16xf32, #tpu.memory_space<hbm>> -> memref<10240x16xf32, #tpu.memory_space<hbm>>
        %dma_wait3A_675 = tpu.memref_slice %arg17[%dma_wait3A_664] : memref<16x!tpu.dma_semaphore, #tpu.memory_space<semaphore_mem>> -> memref<1x!tpu.dma_semaphore, #tpu.memory_space<semaphore_mem>>
        %dma_wait3A_676 = tpu.memref_squeeze %dma_wait3A_675 : memref<1x!tpu.dma_semaphore, #tpu.memory_space<semaphore_mem>> -> memref<!tpu.dma_semaphore, #tpu.memory_space<semaphore_mem>>
        tpu.wait_indirect_dma semaphore(%dma_wait3A_676 : memref<!tpu.dma_semaphore, #tpu.memory_space<semaphore_mem>>) src(%dma_wait3A_674 : memref<10240x16xf32, #tpu.memory_space<hbm>>) dst(%dma_wait3A_668 : memref<128x16xf32, #tpu.memory_space<vmem>>)
        %add3A_677 = arith.constant 12 : i32
        %add3A_678 = arith.addi %mul3A_84, %add3A_677 : i32
        %dma_start3A_679 = arith.constant 12 : i32
        %dma_start3A_680 = arith.constant 0 : i32
        %dma_start3A_681 = arith.constant 0 : i32
        %dma_start3A_682 = tpu.memref_slice %arg14[%dma_start3A_679, %dma_start3A_680, %dma_start3A_681] : memref<16x128x16xf32, #tpu.memory_space<vmem>> -> memref<1x128x16xf32, #tpu.memory_space<vmem>>
        %dma_start3A_683 = tpu.memref_squeeze %dma_start3A_682 : memref<1x128x16xf32, #tpu.memory_space<vmem>> -> memref<128x16xf32, #tpu.memory_space<vmem>>
        %dma_start3A_684 = arith.constant 0 : i32
        %dma_start3A_685 = tpu.memref_slice %arg9[%add3A_678, %dma_start3A_684] : memref<160x128xi32, #tpu.memory_space<vmem>> -> memref<1x128xi32, #tpu.memory_space<vmem>>
        %dma_start3A_686 = tpu.memref_squeeze %dma_start3A_685 : memref<1x128xi32, #tpu.memory_space<vmem>> -> memref<128xi32, #tpu.memory_space<vmem>>
        %dma_start3A_687 = arith.constant 0 : i32
        %dma_start3A_688 = arith.constant 0 : i32
        %dma_start3A_689 = tpu.memref_slice %arg7[%dma_start3A_687, %dma_start3A_688] : memref<10240x16xf32, #tpu.memory_space<vmem_shared>> -> memref<10240x16xf32, #tpu.memory_space<vmem_shared>>
        tpu.enqueue_indirect_dma source(%dma_start3A_683 : memref<128x16xf32, #tpu.memory_space<vmem>>) target(%dma_start3A_689 : memref<10240x16xf32, #tpu.memory_space<vmem_shared>>) offsets(%dma_start3A_686 : memref<128xi32, #tpu.memory_space<vmem>>) semaphore(%arg18 : memref<!tpu.dma_semaphore, #tpu.memory_space<semaphore_mem>>) {add = true}
        %dma_wait3A_690 = arith.constant 13 : i32
        %dma_wait3A_691 = arith.constant 13 : i32
        %dma_wait3A_692 = arith.constant 0 : i32
        %dma_wait3A_693 = arith.constant 0 : i32
        %dma_wait3A_694 = tpu.memref_slice %arg14[%dma_wait3A_690, %dma_wait3A_692, %dma_wait3A_693] : memref<16x128x16xf32, #tpu.memory_space<vmem>> -> memref<1x128x16xf32, #tpu.memory_space<vmem>>
        %dma_wait3A_695 = tpu.memref_squeeze %dma_wait3A_694 : memref<1x128x16xf32, #tpu.memory_space<vmem>> -> memref<128x16xf32, #tpu.memory_space<vmem>>
        %dma_wait3A_696 = arith.constant 0 : i32
        %dma_wait3A_697 = tpu.memref_slice %arg8[%add3A_293, %dma_wait3A_696] : memref<160x128xi32, #tpu.memory_space<vmem>> -> memref<1x128xi32, #tpu.memory_space<vmem>>
        %dma_wait3A_698 = tpu.memref_squeeze %dma_wait3A_697 : memref<1x128xi32, #tpu.memory_space<vmem>> -> memref<128xi32, #tpu.memory_space<vmem>>
        %dma_wait3A_699 = arith.constant 0 : i32
        %dma_wait3A_700 = arith.constant 0 : i32
        %dma_wait3A_701 = tpu.memref_slice %arg6[%dma_wait3A_699, %dma_wait3A_700] : memref<10240x16xf32, #tpu.memory_space<hbm>> -> memref<10240x16xf32, #tpu.memory_space<hbm>>
        %dma_wait3A_702 = tpu.memref_slice %arg17[%dma_wait3A_691] : memref<16x!tpu.dma_semaphore, #tpu.memory_space<semaphore_mem>> -> memref<1x!tpu.dma_semaphore, #tpu.memory_space<semaphore_mem>>
        %dma_wait3A_703 = tpu.memref_squeeze %dma_wait3A_702 : memref<1x!tpu.dma_semaphore, #tpu.memory_space<semaphore_mem>> -> memref<!tpu.dma_semaphore, #tpu.memory_space<semaphore_mem>>
        tpu.wait_indirect_dma semaphore(%dma_wait3A_703 : memref<!tpu.dma_semaphore, #tpu.memory_space<semaphore_mem>>) src(%dma_wait3A_701 : memref<10240x16xf32, #tpu.memory_space<hbm>>) dst(%dma_wait3A_695 : memref<128x16xf32, #tpu.memory_space<vmem>>)
        %add3A_704 = arith.constant 13 : i32
        %add3A_705 = arith.addi %mul3A_84, %add3A_704 : i32
        %dma_start3A_706 = arith.constant 13 : i32
        %dma_start3A_707 = arith.constant 0 : i32
        %dma_start3A_708 = arith.constant 0 : i32
        %dma_start3A_709 = tpu.memref_slice %arg14[%dma_start3A_706, %dma_start3A_707, %dma_start3A_708] : memref<16x128x16xf32, #tpu.memory_space<vmem>> -> memref<1x128x16xf32, #tpu.memory_space<vmem>>
        %dma_start3A_710 = tpu.memref_squeeze %dma_start3A_709 : memref<1x128x16xf32, #tpu.memory_space<vmem>> -> memref<128x16xf32, #tpu.memory_space<vmem>>
        %dma_start3A_711 = arith.constant 0 : i32
        %dma_start3A_712 = tpu.memref_slice %arg9[%add3A_705, %dma_start3A_711] : memref<160x128xi32, #tpu.memory_space<vmem>> -> memref<1x128xi32, #tpu.memory_space<vmem>>
        %dma_start3A_713 = tpu.memref_squeeze %dma_start3A_712 : memref<1x128xi32, #tpu.memory_space<vmem>> -> memref<128xi32, #tpu.memory_space<vmem>>
        %dma_start3A_714 = arith.constant 0 : i32
        %dma_start3A_715 = arith.constant 0 : i32
        %dma_start3A_716 = tpu.memref_slice %arg7[%dma_start3A_714, %dma_start3A_715] : memref<10240x16xf32, #tpu.memory_space<vmem_shared>> -> memref<10240x16xf32, #tpu.memory_space<vmem_shared>>
        tpu.enqueue_indirect_dma source(%dma_start3A_710 : memref<128x16xf32, #tpu.memory_space<vmem>>) target(%dma_start3A_716 : memref<10240x16xf32, #tpu.memory_space<vmem_shared>>) offsets(%dma_start3A_713 : memref<128xi32, #tpu.memory_space<vmem>>) semaphore(%arg18 : memref<!tpu.dma_semaphore, #tpu.memory_space<semaphore_mem>>) {add = true}
        %dma_wait3A_717 = arith.constant 14 : i32
        %dma_wait3A_718 = arith.constant 14 : i32
        %dma_wait3A_719 = arith.constant 0 : i32
        %dma_wait3A_720 = arith.constant 0 : i32
        %dma_wait3A_721 = tpu.memref_slice %arg14[%dma_wait3A_717, %dma_wait3A_719, %dma_wait3A_720] : memref<16x128x16xf32, #tpu.memory_space<vmem>> -> memref<1x128x16xf32, #tpu.memory_space<vmem>>
        %dma_wait3A_722 = tpu.memref_squeeze %dma_wait3A_721 : memref<1x128x16xf32, #tpu.memory_space<vmem>> -> memref<128x16xf32, #tpu.memory_space<vmem>>
        %dma_wait3A_723 = arith.constant 0 : i32
        %dma_wait3A_724 = tpu.memref_slice %arg8[%add3A_309, %dma_wait3A_723] : memref<160x128xi32, #tpu.memory_space<vmem>> -> memref<1x128xi32, #tpu.memory_space<vmem>>
        %dma_wait3A_725 = tpu.memref_squeeze %dma_wait3A_724 : memref<1x128xi32, #tpu.memory_space<vmem>> -> memref<128xi32, #tpu.memory_space<vmem>>
        %dma_wait3A_726 = arith.constant 0 : i32
        %dma_wait3A_727 = arith.constant 0 : i32
        %dma_wait3A_728 = tpu.memref_slice %arg6[%dma_wait3A_726, %dma_wait3A_727] : memref<10240x16xf32, #tpu.memory_space<hbm>> -> memref<10240x16xf32, #tpu.memory_space<hbm>>
        %dma_wait3A_729 = tpu.memref_slice %arg17[%dma_wait3A_718] : memref<16x!tpu.dma_semaphore, #tpu.memory_space<semaphore_mem>> -> memref<1x!tpu.dma_semaphore, #tpu.memory_space<semaphore_mem>>
        %dma_wait3A_730 = tpu.memref_squeeze %dma_wait3A_729 : memref<1x!tpu.dma_semaphore, #tpu.memory_space<semaphore_mem>> -> memref<!tpu.dma_semaphore, #tpu.memory_space<semaphore_mem>>
        tpu.wait_indirect_dma semaphore(%dma_wait3A_730 : memref<!tpu.dma_semaphore, #tpu.memory_space<semaphore_mem>>) src(%dma_wait3A_728 : memref<10240x16xf32, #tpu.memory_space<hbm>>) dst(%dma_wait3A_722 : memref<128x16xf32, #tpu.memory_space<vmem>>)
        %add3A_731 = arith.constant 14 : i32
        %add3A_732 = arith.addi %mul3A_84, %add3A_731 : i32
        %dma_start3A_733 = arith.constant 14 : i32
        %dma_start3A_734 = arith.constant 0 : i32
        %dma_start3A_735 = arith.constant 0 : i32
        %dma_start3A_736 = tpu.memref_slice %arg14[%dma_start3A_733, %dma_start3A_734, %dma_start3A_735] : memref<16x128x16xf32, #tpu.memory_space<vmem>> -> memref<1x128x16xf32, #tpu.memory_space<vmem>>
        %dma_start3A_737 = tpu.memref_squeeze %dma_start3A_736 : memref<1x128x16xf32, #tpu.memory_space<vmem>> -> memref<128x16xf32, #tpu.memory_space<vmem>>
        %dma_start3A_738 = arith.constant 0 : i32
        %dma_start3A_739 = tpu.memref_slice %arg9[%add3A_732, %dma_start3A_738] : memref<160x128xi32, #tpu.memory_space<vmem>> -> memref<1x128xi32, #tpu.memory_space<vmem>>
        %dma_start3A_740 = tpu.memref_squeeze %dma_start3A_739 : memref<1x128xi32, #tpu.memory_space<vmem>> -> memref<128xi32, #tpu.memory_space<vmem>>
        %dma_start3A_741 = arith.constant 0 : i32
        %dma_start3A_742 = arith.constant 0 : i32
        %dma_start3A_743 = tpu.memref_slice %arg7[%dma_start3A_741, %dma_start3A_742] : memref<10240x16xf32, #tpu.memory_space<vmem_shared>> -> memref<10240x16xf32, #tpu.memory_space<vmem_shared>>
        tpu.enqueue_indirect_dma source(%dma_start3A_737 : memref<128x16xf32, #tpu.memory_space<vmem>>) target(%dma_start3A_743 : memref<10240x16xf32, #tpu.memory_space<vmem_shared>>) offsets(%dma_start3A_740 : memref<128xi32, #tpu.memory_space<vmem>>) semaphore(%arg18 : memref<!tpu.dma_semaphore, #tpu.memory_space<semaphore_mem>>) {add = true}
        %dma_wait3A_744 = arith.constant 15 : i32
        %dma_wait3A_745 = arith.constant 15 : i32
        %dma_wait3A_746 = arith.constant 0 : i32
        %dma_wait3A_747 = arith.constant 0 : i32
        %dma_wait3A_748 = tpu.memref_slice %arg14[%dma_wait3A_744, %dma_wait3A_746, %dma_wait3A_747] : memref<16x128x16xf32, #tpu.memory_space<vmem>> -> memref<1x128x16xf32, #tpu.memory_space<vmem>>
        %dma_wait3A_749 = tpu.memref_squeeze %dma_wait3A_748 : memref<1x128x16xf32, #tpu.memory_space<vmem>> -> memref<128x16xf32, #tpu.memory_space<vmem>>
        %dma_wait3A_750 = arith.constant 0 : i32
        %dma_wait3A_751 = tpu.memref_slice %arg8[%add3A_325, %dma_wait3A_750] : memref<160x128xi32, #tpu.memory_space<vmem>> -> memref<1x128xi32, #tpu.memory_space<vmem>>
        %dma_wait3A_752 = tpu.memref_squeeze %dma_wait3A_751 : memref<1x128xi32, #tpu.memory_space<vmem>> -> memref<128xi32, #tpu.memory_space<vmem>>
        %dma_wait3A_753 = arith.constant 0 : i32
        %dma_wait3A_754 = arith.constant 0 : i32
        %dma_wait3A_755 = tpu.memref_slice %arg6[%dma_wait3A_753, %dma_wait3A_754] : memref<10240x16xf32, #tpu.memory_space<hbm>> -> memref<10240x16xf32, #tpu.memory_space<hbm>>
        %dma_wait3A_756 = tpu.memref_slice %arg17[%dma_wait3A_745] : memref<16x!tpu.dma_semaphore, #tpu.memory_space<semaphore_mem>> -> memref<1x!tpu.dma_semaphore, #tpu.memory_space<semaphore_mem>>
        %dma_wait3A_757 = tpu.memref_squeeze %dma_wait3A_756 : memref<1x!tpu.dma_semaphore, #tpu.memory_space<semaphore_mem>> -> memref<!tpu.dma_semaphore, #tpu.memory_space<semaphore_mem>>
        tpu.wait_indirect_dma semaphore(%dma_wait3A_757 : memref<!tpu.dma_semaphore, #tpu.memory_space<semaphore_mem>>) src(%dma_wait3A_755 : memref<10240x16xf32, #tpu.memory_space<hbm>>) dst(%dma_wait3A_749 : memref<128x16xf32, #tpu.memory_space<vmem>>)
        %add3A_758 = arith.constant 15 : i32
        %add3A_759 = arith.addi %mul3A_84, %add3A_758 : i32
        %dma_start3A_760 = arith.constant 15 : i32
        %dma_start3A_761 = arith.constant 0 : i32
        %dma_start3A_762 = arith.constant 0 : i32
        %dma_start3A_763 = tpu.memref_slice %arg14[%dma_start3A_760, %dma_start3A_761, %dma_start3A_762] : memref<16x128x16xf32, #tpu.memory_space<vmem>> -> memref<1x128x16xf32, #tpu.memory_space<vmem>>
        %dma_start3A_764 = tpu.memref_squeeze %dma_start3A_763 : memref<1x128x16xf32, #tpu.memory_space<vmem>> -> memref<128x16xf32, #tpu.memory_space<vmem>>
        %dma_start3A_765 = arith.constant 0 : i32
        %dma_start3A_766 = tpu.memref_slice %arg9[%add3A_759, %dma_start3A_765] : memref<160x128xi32, #tpu.memory_space<vmem>> -> memref<1x128xi32, #tpu.memory_space<vmem>>
        %dma_start3A_767 = tpu.memref_squeeze %dma_start3A_766 : memref<1x128xi32, #tpu.memory_space<vmem>> -> memref<128xi32, #tpu.memory_space<vmem>>
        %dma_start3A_768 = arith.constant 0 : i32
        %dma_start3A_769 = arith.constant 0 : i32
        %dma_start3A_770 = tpu.memref_slice %arg7[%dma_start3A_768, %dma_start3A_769] : memref<10240x16xf32, #tpu.memory_space<vmem_shared>> -> memref<10240x16xf32, #tpu.memory_space<vmem_shared>>
        tpu.enqueue_indirect_dma source(%dma_start3A_764 : memref<128x16xf32, #tpu.memory_space<vmem>>) target(%dma_start3A_770 : memref<10240x16xf32, #tpu.memory_space<vmem_shared>>) offsets(%dma_start3A_767 : memref<128xi32, #tpu.memory_space<vmem>>) semaphore(%arg18 : memref<!tpu.dma_semaphore, #tpu.memory_space<semaphore_mem>>) {add = true}
        %dma_wait3A_771 = arith.constant 0 : i32
        %dma_wait3A_772 = arith.constant 0 : i32
        %dma_wait3A_773 = arith.constant 0 : i32
        %dma_wait3A_774 = tpu.memref_slice %arg14[%dma_wait3A_771, %dma_wait3A_772, %dma_wait3A_773] : memref<16x128x16xf32, #tpu.memory_space<vmem>> -> memref<1x128x16xf32, #tpu.memory_space<vmem>>
        %dma_wait3A_775 = tpu.memref_squeeze %dma_wait3A_774 : memref<1x128x16xf32, #tpu.memory_space<vmem>> -> memref<128x16xf32, #tpu.memory_space<vmem>>
        %dma_wait3A_776 = arith.constant 0 : i32
        %dma_wait3A_777 = tpu.memref_slice %arg9[%add3A_354, %dma_wait3A_776] : memref<160x128xi32, #tpu.memory_space<vmem>> -> memref<1x128xi32, #tpu.memory_space<vmem>>
        %dma_wait3A_778 = tpu.memref_squeeze %dma_wait3A_777 : memref<1x128xi32, #tpu.memory_space<vmem>> -> memref<128xi32, #tpu.memory_space<vmem>>
        %dma_wait3A_779 = arith.constant 0 : i32
        %dma_wait3A_780 = arith.constant 0 : i32
        %dma_wait3A_781 = tpu.memref_slice %arg7[%dma_wait3A_779, %dma_wait3A_780] : memref<10240x16xf32, #tpu.memory_space<vmem_shared>> -> memref<10240x16xf32, #tpu.memory_space<vmem_shared>>
        tpu.wait_indirect_dma semaphore(%arg18 : memref<!tpu.dma_semaphore, #tpu.memory_space<semaphore_mem>>) src(%dma_wait3A_775 : memref<128x16xf32, #tpu.memory_space<vmem>>) dst(%dma_wait3A_781 : memref<10240x16xf32, #tpu.memory_space<vmem_shared>>)
        %dma_wait3A_782 = arith.constant 1 : i32
        %dma_wait3A_783 = arith.constant 0 : i32
        %dma_wait3A_784 = arith.constant 0 : i32
        %dma_wait3A_785 = tpu.memref_slice %arg14[%dma_wait3A_782, %dma_wait3A_783, %dma_wait3A_784] : memref<16x128x16xf32, #tpu.memory_space<vmem>> -> memref<1x128x16xf32, #tpu.memory_space<vmem>>
        %dma_wait3A_786 = tpu.memref_squeeze %dma_wait3A_785 : memref<1x128x16xf32, #tpu.memory_space<vmem>> -> memref<128x16xf32, #tpu.memory_space<vmem>>
        %dma_wait3A_787 = arith.constant 0 : i32
        %dma_wait3A_788 = tpu.memref_slice %arg9[%add3A_381, %dma_wait3A_787] : memref<160x128xi32, #tpu.memory_space<vmem>> -> memref<1x128xi32, #tpu.memory_space<vmem>>
        %dma_wait3A_789 = tpu.memref_squeeze %dma_wait3A_788 : memref<1x128xi32, #tpu.memory_space<vmem>> -> memref<128xi32, #tpu.memory_space<vmem>>
        %dma_wait3A_790 = arith.constant 0 : i32
        %dma_wait3A_791 = arith.constant 0 : i32
        %dma_wait3A_792 = tpu.memref_slice %arg7[%dma_wait3A_790, %dma_wait3A_791] : memref<10240x16xf32, #tpu.memory_space<vmem_shared>> -> memref<10240x16xf32, #tpu.memory_space<vmem_shared>>
        tpu.wait_indirect_dma semaphore(%arg18 : memref<!tpu.dma_semaphore, #tpu.memory_space<semaphore_mem>>) src(%dma_wait3A_786 : memref<128x16xf32, #tpu.memory_space<vmem>>) dst(%dma_wait3A_792 : memref<10240x16xf32, #tpu.memory_space<vmem_shared>>)
        %dma_wait3A_793 = arith.constant 2 : i32
        %dma_wait3A_794 = arith.constant 0 : i32
        %dma_wait3A_795 = arith.constant 0 : i32
        %dma_wait3A_796 = tpu.memref_slice %arg14[%dma_wait3A_793, %dma_wait3A_794, %dma_wait3A_795] : memref<16x128x16xf32, #tpu.memory_space<vmem>> -> memref<1x128x16xf32, #tpu.memory_space<vmem>>
        %dma_wait3A_797 = tpu.memref_squeeze %dma_wait3A_796 : memref<1x128x16xf32, #tpu.memory_space<vmem>> -> memref<128x16xf32, #tpu.memory_space<vmem>>
        %dma_wait3A_798 = arith.constant 0 : i32
        %dma_wait3A_799 = tpu.memref_slice %arg9[%add3A_408, %dma_wait3A_798] : memref<160x128xi32, #tpu.memory_space<vmem>> -> memref<1x128xi32, #tpu.memory_space<vmem>>
        %dma_wait3A_800 = tpu.memref_squeeze %dma_wait3A_799 : memref<1x128xi32, #tpu.memory_space<vmem>> -> memref<128xi32, #tpu.memory_space<vmem>>
        %dma_wait3A_801 = arith.constant 0 : i32
        %dma_wait3A_802 = arith.constant 0 : i32
        %dma_wait3A_803 = tpu.memref_slice %arg7[%dma_wait3A_801, %dma_wait3A_802] : memref<10240x16xf32, #tpu.memory_space<vmem_shared>> -> memref<10240x16xf32, #tpu.memory_space<vmem_shared>>
        tpu.wait_indirect_dma semaphore(%arg18 : memref<!tpu.dma_semaphore, #tpu.memory_space<semaphore_mem>>) src(%dma_wait3A_797 : memref<128x16xf32, #tpu.memory_space<vmem>>) dst(%dma_wait3A_803 : memref<10240x16xf32, #tpu.memory_space<vmem_shared>>)
        %dma_wait3A_804 = arith.constant 3 : i32
        %dma_wait3A_805 = arith.constant 0 : i32
        %dma_wait3A_806 = arith.constant 0 : i32
        %dma_wait3A_807 = tpu.memref_slice %arg14[%dma_wait3A_804, %dma_wait3A_805, %dma_wait3A_806] : memref<16x128x16xf32, #tpu.memory_space<vmem>> -> memref<1x128x16xf32, #tpu.memory_space<vmem>>
        %dma_wait3A_808 = tpu.memref_squeeze %dma_wait3A_807 : memref<1x128x16xf32, #tpu.memory_space<vmem>> -> memref<128x16xf32, #tpu.memory_space<vmem>>
        %dma_wait3A_809 = arith.constant 0 : i32
        %dma_wait3A_810 = tpu.memref_slice %arg9[%add3A_435, %dma_wait3A_809] : memref<160x128xi32, #tpu.memory_space<vmem>> -> memref<1x128xi32, #tpu.memory_space<vmem>>
        %dma_wait3A_811 = tpu.memref_squeeze %dma_wait3A_810 : memref<1x128xi32, #tpu.memory_space<vmem>> -> memref<128xi32, #tpu.memory_space<vmem>>
        %dma_wait3A_812 = arith.constant 0 : i32
        %dma_wait3A_813 = arith.constant 0 : i32
        %dma_wait3A_814 = tpu.memref_slice %arg7[%dma_wait3A_812, %dma_wait3A_813] : memref<10240x16xf32, #tpu.memory_space<vmem_shared>> -> memref<10240x16xf32, #tpu.memory_space<vmem_shared>>
        tpu.wait_indirect_dma semaphore(%arg18 : memref<!tpu.dma_semaphore, #tpu.memory_space<semaphore_mem>>) src(%dma_wait3A_808 : memref<128x16xf32, #tpu.memory_space<vmem>>) dst(%dma_wait3A_814 : memref<10240x16xf32, #tpu.memory_space<vmem_shared>>)
        %dma_wait3A_815 = arith.constant 4 : i32
        %dma_wait3A_816 = arith.constant 0 : i32
        %dma_wait3A_817 = arith.constant 0 : i32
        %dma_wait3A_818 = tpu.memref_slice %arg14[%dma_wait3A_815, %dma_wait3A_816, %dma_wait3A_817] : memref<16x128x16xf32, #tpu.memory_space<vmem>> -> memref<1x128x16xf32, #tpu.memory_space<vmem>>
        %dma_wait3A_819 = tpu.memref_squeeze %dma_wait3A_818 : memref<1x128x16xf32, #tpu.memory_space<vmem>> -> memref<128x16xf32, #tpu.memory_space<vmem>>
        %dma_wait3A_820 = arith.constant 0 : i32
        %dma_wait3A_821 = tpu.memref_slice %arg9[%add3A_462, %dma_wait3A_820] : memref<160x128xi32, #tpu.memory_space<vmem>> -> memref<1x128xi32, #tpu.memory_space<vmem>>
        %dma_wait3A_822 = tpu.memref_squeeze %dma_wait3A_821 : memref<1x128xi32, #tpu.memory_space<vmem>> -> memref<128xi32, #tpu.memory_space<vmem>>
        %dma_wait3A_823 = arith.constant 0 : i32
        %dma_wait3A_824 = arith.constant 0 : i32
        %dma_wait3A_825 = tpu.memref_slice %arg7[%dma_wait3A_823, %dma_wait3A_824] : memref<10240x16xf32, #tpu.memory_space<vmem_shared>> -> memref<10240x16xf32, #tpu.memory_space<vmem_shared>>
        tpu.wait_indirect_dma semaphore(%arg18 : memref<!tpu.dma_semaphore, #tpu.memory_space<semaphore_mem>>) src(%dma_wait3A_819 : memref<128x16xf32, #tpu.memory_space<vmem>>) dst(%dma_wait3A_825 : memref<10240x16xf32, #tpu.memory_space<vmem_shared>>)
        %dma_wait3A_826 = arith.constant 5 : i32
        %dma_wait3A_827 = arith.constant 0 : i32
        %dma_wait3A_828 = arith.constant 0 : i32
        %dma_wait3A_829 = tpu.memref_slice %arg14[%dma_wait3A_826, %dma_wait3A_827, %dma_wait3A_828] : memref<16x128x16xf32, #tpu.memory_space<vmem>> -> memref<1x128x16xf32, #tpu.memory_space<vmem>>
        %dma_wait3A_830 = tpu.memref_squeeze %dma_wait3A_829 : memref<1x128x16xf32, #tpu.memory_space<vmem>> -> memref<128x16xf32, #tpu.memory_space<vmem>>
        %dma_wait3A_831 = arith.constant 0 : i32
        %dma_wait3A_832 = tpu.memref_slice %arg9[%add3A_489, %dma_wait3A_831] : memref<160x128xi32, #tpu.memory_space<vmem>> -> memref<1x128xi32, #tpu.memory_space<vmem>>
        %dma_wait3A_833 = tpu.memref_squeeze %dma_wait3A_832 : memref<1x128xi32, #tpu.memory_space<vmem>> -> memref<128xi32, #tpu.memory_space<vmem>>
        %dma_wait3A_834 = arith.constant 0 : i32
        %dma_wait3A_835 = arith.constant 0 : i32
        %dma_wait3A_836 = tpu.memref_slice %arg7[%dma_wait3A_834, %dma_wait3A_835] : memref<10240x16xf32, #tpu.memory_space<vmem_shared>> -> memref<10240x16xf32, #tpu.memory_space<vmem_shared>>
        tpu.wait_indirect_dma semaphore(%arg18 : memref<!tpu.dma_semaphore, #tpu.memory_space<semaphore_mem>>) src(%dma_wait3A_830 : memref<128x16xf32, #tpu.memory_space<vmem>>) dst(%dma_wait3A_836 : memref<10240x16xf32, #tpu.memory_space<vmem_shared>>)
        %dma_wait3A_837 = arith.constant 6 : i32
        %dma_wait3A_838 = arith.constant 0 : i32
        %dma_wait3A_839 = arith.constant 0 : i32
        %dma_wait3A_840 = tpu.memref_slice %arg14[%dma_wait3A_837, %dma_wait3A_838, %dma_wait3A_839] : memref<16x128x16xf32, #tpu.memory_space<vmem>> -> memref<1x128x16xf32, #tpu.memory_space<vmem>>
        %dma_wait3A_841 = tpu.memref_squeeze %dma_wait3A_840 : memref<1x128x16xf32, #tpu.memory_space<vmem>> -> memref<128x16xf32, #tpu.memory_space<vmem>>
        %dma_wait3A_842 = arith.constant 0 : i32
        %dma_wait3A_843 = tpu.memref_slice %arg9[%add3A_516, %dma_wait3A_842] : memref<160x128xi32, #tpu.memory_space<vmem>> -> memref<1x128xi32, #tpu.memory_space<vmem>>
        %dma_wait3A_844 = tpu.memref_squeeze %dma_wait3A_843 : memref<1x128xi32, #tpu.memory_space<vmem>> -> memref<128xi32, #tpu.memory_space<vmem>>
        %dma_wait3A_845 = arith.constant 0 : i32
        %dma_wait3A_846 = arith.constant 0 : i32
        %dma_wait3A_847 = tpu.memref_slice %arg7[%dma_wait3A_845, %dma_wait3A_846] : memref<10240x16xf32, #tpu.memory_space<vmem_shared>> -> memref<10240x16xf32, #tpu.memory_space<vmem_shared>>
        tpu.wait_indirect_dma semaphore(%arg18 : memref<!tpu.dma_semaphore, #tpu.memory_space<semaphore_mem>>) src(%dma_wait3A_841 : memref<128x16xf32, #tpu.memory_space<vmem>>) dst(%dma_wait3A_847 : memref<10240x16xf32, #tpu.memory_space<vmem_shared>>)
        %dma_wait3A_848 = arith.constant 7 : i32
        %dma_wait3A_849 = arith.constant 0 : i32
        %dma_wait3A_850 = arith.constant 0 : i32
        %dma_wait3A_851 = tpu.memref_slice %arg14[%dma_wait3A_848, %dma_wait3A_849, %dma_wait3A_850] : memref<16x128x16xf32, #tpu.memory_space<vmem>> -> memref<1x128x16xf32, #tpu.memory_space<vmem>>
        %dma_wait3A_852 = tpu.memref_squeeze %dma_wait3A_851 : memref<1x128x16xf32, #tpu.memory_space<vmem>> -> memref<128x16xf32, #tpu.memory_space<vmem>>
        %dma_wait3A_853 = arith.constant 0 : i32
        %dma_wait3A_854 = tpu.memref_slice %arg9[%add3A_543, %dma_wait3A_853] : memref<160x128xi32, #tpu.memory_space<vmem>> -> memref<1x128xi32, #tpu.memory_space<vmem>>
        %dma_wait3A_855 = tpu.memref_squeeze %dma_wait3A_854 : memref<1x128xi32, #tpu.memory_space<vmem>> -> memref<128xi32, #tpu.memory_space<vmem>>
        %dma_wait3A_856 = arith.constant 0 : i32
        %dma_wait3A_857 = arith.constant 0 : i32
        %dma_wait3A_858 = tpu.memref_slice %arg7[%dma_wait3A_856, %dma_wait3A_857] : memref<10240x16xf32, #tpu.memory_space<vmem_shared>> -> memref<10240x16xf32, #tpu.memory_space<vmem_shared>>
        tpu.wait_indirect_dma semaphore(%arg18 : memref<!tpu.dma_semaphore, #tpu.memory_space<semaphore_mem>>) src(%dma_wait3A_852 : memref<128x16xf32, #tpu.memory_space<vmem>>) dst(%dma_wait3A_858 : memref<10240x16xf32, #tpu.memory_space<vmem_shared>>)
        %dma_wait3A_859 = arith.constant 8 : i32
        %dma_wait3A_860 = arith.constant 0 : i32
        %dma_wait3A_861 = arith.constant 0 : i32
        %dma_wait3A_862 = tpu.memref_slice %arg14[%dma_wait3A_859, %dma_wait3A_860, %dma_wait3A_861] : memref<16x128x16xf32, #tpu.memory_space<vmem>> -> memref<1x128x16xf32, #tpu.memory_space<vmem>>
        %dma_wait3A_863 = tpu.memref_squeeze %dma_wait3A_862 : memref<1x128x16xf32, #tpu.memory_space<vmem>> -> memref<128x16xf32, #tpu.memory_space<vmem>>
        %dma_wait3A_864 = arith.constant 0 : i32
        %dma_wait3A_865 = tpu.memref_slice %arg9[%add3A_570, %dma_wait3A_864] : memref<160x128xi32, #tpu.memory_space<vmem>> -> memref<1x128xi32, #tpu.memory_space<vmem>>
        %dma_wait3A_866 = tpu.memref_squeeze %dma_wait3A_865 : memref<1x128xi32, #tpu.memory_space<vmem>> -> memref<128xi32, #tpu.memory_space<vmem>>
        %dma_wait3A_867 = arith.constant 0 : i32
        %dma_wait3A_868 = arith.constant 0 : i32
        %dma_wait3A_869 = tpu.memref_slice %arg7[%dma_wait3A_867, %dma_wait3A_868] : memref<10240x16xf32, #tpu.memory_space<vmem_shared>> -> memref<10240x16xf32, #tpu.memory_space<vmem_shared>>
        tpu.wait_indirect_dma semaphore(%arg18 : memref<!tpu.dma_semaphore, #tpu.memory_space<semaphore_mem>>) src(%dma_wait3A_863 : memref<128x16xf32, #tpu.memory_space<vmem>>) dst(%dma_wait3A_869 : memref<10240x16xf32, #tpu.memory_space<vmem_shared>>)
        %dma_wait3A_870 = arith.constant 9 : i32
        %dma_wait3A_871 = arith.constant 0 : i32
        %dma_wait3A_872 = arith.constant 0 : i32
        %dma_wait3A_873 = tpu.memref_slice %arg14[%dma_wait3A_870, %dma_wait3A_871, %dma_wait3A_872] : memref<16x128x16xf32, #tpu.memory_space<vmem>> -> memref<1x128x16xf32, #tpu.memory_space<vmem>>
        %dma_wait3A_874 = tpu.memref_squeeze %dma_wait3A_873 : memref<1x128x16xf32, #tpu.memory_space<vmem>> -> memref<128x16xf32, #tpu.memory_space<vmem>>
        %dma_wait3A_875 = arith.constant 0 : i32
        %dma_wait3A_876 = tpu.memref_slice %arg9[%add3A_597, %dma_wait3A_875] : memref<160x128xi32, #tpu.memory_space<vmem>> -> memref<1x128xi32, #tpu.memory_space<vmem>>
        %dma_wait3A_877 = tpu.memref_squeeze %dma_wait3A_876 : memref<1x128xi32, #tpu.memory_space<vmem>> -> memref<128xi32, #tpu.memory_space<vmem>>
        %dma_wait3A_878 = arith.constant 0 : i32
        %dma_wait3A_879 = arith.constant 0 : i32
        %dma_wait3A_880 = tpu.memref_slice %arg7[%dma_wait3A_878, %dma_wait3A_879] : memref<10240x16xf32, #tpu.memory_space<vmem_shared>> -> memref<10240x16xf32, #tpu.memory_space<vmem_shared>>
        tpu.wait_indirect_dma semaphore(%arg18 : memref<!tpu.dma_semaphore, #tpu.memory_space<semaphore_mem>>) src(%dma_wait3A_874 : memref<128x16xf32, #tpu.memory_space<vmem>>) dst(%dma_wait3A_880 : memref<10240x16xf32, #tpu.memory_space<vmem_shared>>)
        %dma_wait3A_881 = arith.constant 10 : i32
        %dma_wait3A_882 = arith.constant 0 : i32
        %dma_wait3A_883 = arith.constant 0 : i32
        %dma_wait3A_884 = tpu.memref_slice %arg14[%dma_wait3A_881, %dma_wait3A_882, %dma_wait3A_883] : memref<16x128x16xf32, #tpu.memory_space<vmem>> -> memref<1x128x16xf32, #tpu.memory_space<vmem>>
        %dma_wait3A_885 = tpu.memref_squeeze %dma_wait3A_884 : memref<1x128x16xf32, #tpu.memory_space<vmem>> -> memref<128x16xf32, #tpu.memory_space<vmem>>
        %dma_wait3A_886 = arith.constant 0 : i32
        %dma_wait3A_887 = tpu.memref_slice %arg9[%add3A_624, %dma_wait3A_886] : memref<160x128xi32, #tpu.memory_space<vmem>> -> memref<1x128xi32, #tpu.memory_space<vmem>>
        %dma_wait3A_888 = tpu.memref_squeeze %dma_wait3A_887 : memref<1x128xi32, #tpu.memory_space<vmem>> -> memref<128xi32, #tpu.memory_space<vmem>>
        %dma_wait3A_889 = arith.constant 0 : i32
        %dma_wait3A_890 = arith.constant 0 : i32
        %dma_wait3A_891 = tpu.memref_slice %arg7[%dma_wait3A_889, %dma_wait3A_890] : memref<10240x16xf32, #tpu.memory_space<vmem_shared>> -> memref<10240x16xf32, #tpu.memory_space<vmem_shared>>
        tpu.wait_indirect_dma semaphore(%arg18 : memref<!tpu.dma_semaphore, #tpu.memory_space<semaphore_mem>>) src(%dma_wait3A_885 : memref<128x16xf32, #tpu.memory_space<vmem>>) dst(%dma_wait3A_891 : memref<10240x16xf32, #tpu.memory_space<vmem_shared>>)
        %dma_wait3A_892 = arith.constant 11 : i32
        %dma_wait3A_893 = arith.constant 0 : i32
        %dma_wait3A_894 = arith.constant 0 : i32
        %dma_wait3A_895 = tpu.memref_slice %arg14[%dma_wait3A_892, %dma_wait3A_893, %dma_wait3A_894] : memref<16x128x16xf32, #tpu.memory_space<vmem>> -> memref<1x128x16xf32, #tpu.memory_space<vmem>>
        %dma_wait3A_896 = tpu.memref_squeeze %dma_wait3A_895 : memref<1x128x16xf32, #tpu.memory_space<vmem>> -> memref<128x16xf32, #tpu.memory_space<vmem>>
        %dma_wait3A_897 = arith.constant 0 : i32
        %dma_wait3A_898 = tpu.memref_slice %arg9[%add3A_651, %dma_wait3A_897] : memref<160x128xi32, #tpu.memory_space<vmem>> -> memref<1x128xi32, #tpu.memory_space<vmem>>
        %dma_wait3A_899 = tpu.memref_squeeze %dma_wait3A_898 : memref<1x128xi32, #tpu.memory_space<vmem>> -> memref<128xi32, #tpu.memory_space<vmem>>
        %dma_wait3A_900 = arith.constant 0 : i32
        %dma_wait3A_901 = arith.constant 0 : i32
        %dma_wait3A_902 = tpu.memref_slice %arg7[%dma_wait3A_900, %dma_wait3A_901] : memref<10240x16xf32, #tpu.memory_space<vmem_shared>> -> memref<10240x16xf32, #tpu.memory_space<vmem_shared>>
        tpu.wait_indirect_dma semaphore(%arg18 : memref<!tpu.dma_semaphore, #tpu.memory_space<semaphore_mem>>) src(%dma_wait3A_896 : memref<128x16xf32, #tpu.memory_space<vmem>>) dst(%dma_wait3A_902 : memref<10240x16xf32, #tpu.memory_space<vmem_shared>>)
        %dma_wait3A_903 = arith.constant 12 : i32
        %dma_wait3A_904 = arith.constant 0 : i32
        %dma_wait3A_905 = arith.constant 0 : i32
        %dma_wait3A_906 = tpu.memref_slice %arg14[%dma_wait3A_903, %dma_wait3A_904, %dma_wait3A_905] : memref<16x128x16xf32, #tpu.memory_space<vmem>> -> memref<1x128x16xf32, #tpu.memory_space<vmem>>
        %dma_wait3A_907 = tpu.memref_squeeze %dma_wait3A_906 : memref<1x128x16xf32, #tpu.memory_space<vmem>> -> memref<128x16xf32, #tpu.memory_space<vmem>>
        %dma_wait3A_908 = arith.constant 0 : i32
        %dma_wait3A_909 = tpu.memref_slice %arg9[%add3A_678, %dma_wait3A_908] : memref<160x128xi32, #tpu.memory_space<vmem>> -> memref<1x128xi32, #tpu.memory_space<vmem>>
        %dma_wait3A_910 = tpu.memref_squeeze %dma_wait3A_909 : memref<1x128xi32, #tpu.memory_space<vmem>> -> memref<128xi32, #tpu.memory_space<vmem>>
        %dma_wait3A_911 = arith.constant 0 : i32
        %dma_wait3A_912 = arith.constant 0 : i32
        %dma_wait3A_913 = tpu.memref_slice %arg7[%dma_wait3A_911, %dma_wait3A_912] : memref<10240x16xf32, #tpu.memory_space<vmem_shared>> -> memref<10240x16xf32, #tpu.memory_space<vmem_shared>>
        tpu.wait_indirect_dma semaphore(%arg18 : memref<!tpu.dma_semaphore, #tpu.memory_space<semaphore_mem>>) src(%dma_wait3A_907 : memref<128x16xf32, #tpu.memory_space<vmem>>) dst(%dma_wait3A_913 : memref<10240x16xf32, #tpu.memory_space<vmem_shared>>)
        %dma_wait3A_914 = arith.constant 13 : i32
        %dma_wait3A_915 = arith.constant 0 : i32
        %dma_wait3A_916 = arith.constant 0 : i32
        %dma_wait3A_917 = tpu.memref_slice %arg14[%dma_wait3A_914, %dma_wait3A_915, %dma_wait3A_916] : memref<16x128x16xf32, #tpu.memory_space<vmem>> -> memref<1x128x16xf32, #tpu.memory_space<vmem>>
        %dma_wait3A_918 = tpu.memref_squeeze %dma_wait3A_917 : memref<1x128x16xf32, #tpu.memory_space<vmem>> -> memref<128x16xf32, #tpu.memory_space<vmem>>
        %dma_wait3A_919 = arith.constant 0 : i32
        %dma_wait3A_920 = tpu.memref_slice %arg9[%add3A_705, %dma_wait3A_919] : memref<160x128xi32, #tpu.memory_space<vmem>> -> memref<1x128xi32, #tpu.memory_space<vmem>>
        %dma_wait3A_921 = tpu.memref_squeeze %dma_wait3A_920 : memref<1x128xi32, #tpu.memory_space<vmem>> -> memref<128xi32, #tpu.memory_space<vmem>>
        %dma_wait3A_922 = arith.constant 0 : i32
        %dma_wait3A_923 = arith.constant 0 : i32
        %dma_wait3A_924 = tpu.memref_slice %arg7[%dma_wait3A_922, %dma_wait3A_923] : memref<10240x16xf32, #tpu.memory_space<vmem_shared>> -> memref<10240x16xf32, #tpu.memory_space<vmem_shared>>
        tpu.wait_indirect_dma semaphore(%arg18 : memref<!tpu.dma_semaphore, #tpu.memory_space<semaphore_mem>>) src(%dma_wait3A_918 : memref<128x16xf32, #tpu.memory_space<vmem>>) dst(%dma_wait3A_924 : memref<10240x16xf32, #tpu.memory_space<vmem_shared>>)
        %dma_wait3A_925 = arith.constant 14 : i32
        %dma_wait3A_926 = arith.constant 0 : i32
        %dma_wait3A_927 = arith.constant 0 : i32
        %dma_wait3A_928 = tpu.memref_slice %arg14[%dma_wait3A_925, %dma_wait3A_926, %dma_wait3A_927] : memref<16x128x16xf32, #tpu.memory_space<vmem>> -> memref<1x128x16xf32, #tpu.memory_space<vmem>>
        %dma_wait3A_929 = tpu.memref_squeeze %dma_wait3A_928 : memref<1x128x16xf32, #tpu.memory_space<vmem>> -> memref<128x16xf32, #tpu.memory_space<vmem>>
        %dma_wait3A_930 = arith.constant 0 : i32
        %dma_wait3A_931 = tpu.memref_slice %arg9[%add3A_732, %dma_wait3A_930] : memref<160x128xi32, #tpu.memory_space<vmem>> -> memref<1x128xi32, #tpu.memory_space<vmem>>
        %dma_wait3A_932 = tpu.memref_squeeze %dma_wait3A_931 : memref<1x128xi32, #tpu.memory_space<vmem>> -> memref<128xi32, #tpu.memory_space<vmem>>
        %dma_wait3A_933 = arith.constant 0 : i32
        %dma_wait3A_934 = arith.constant 0 : i32
        %dma_wait3A_935 = tpu.memref_slice %arg7[%dma_wait3A_933, %dma_wait3A_934] : memref<10240x16xf32, #tpu.memory_space<vmem_shared>> -> memref<10240x16xf32, #tpu.memory_space<vmem_shared>>
        tpu.wait_indirect_dma semaphore(%arg18 : memref<!tpu.dma_semaphore, #tpu.memory_space<semaphore_mem>>) src(%dma_wait3A_929 : memref<128x16xf32, #tpu.memory_space<vmem>>) dst(%dma_wait3A_935 : memref<10240x16xf32, #tpu.memory_space<vmem_shared>>)
        %dma_wait3A_936 = arith.constant 15 : i32
        %dma_wait3A_937 = arith.constant 0 : i32
        %dma_wait3A_938 = arith.constant 0 : i32
        %dma_wait3A_939 = tpu.memref_slice %arg14[%dma_wait3A_936, %dma_wait3A_937, %dma_wait3A_938] : memref<16x128x16xf32, #tpu.memory_space<vmem>> -> memref<1x128x16xf32, #tpu.memory_space<vmem>>
        %dma_wait3A_940 = tpu.memref_squeeze %dma_wait3A_939 : memref<1x128x16xf32, #tpu.memory_space<vmem>> -> memref<128x16xf32, #tpu.memory_space<vmem>>
        %dma_wait3A_941 = arith.constant 0 : i32
        %dma_wait3A_942 = tpu.memref_slice %arg9[%add3A_759, %dma_wait3A_941] : memref<160x128xi32, #tpu.memory_space<vmem>> -> memref<1x128xi32, #tpu.memory_space<vmem>>
        %dma_wait3A_943 = tpu.memref_squeeze %dma_wait3A_942 : memref<1x128xi32, #tpu.memory_space<vmem>> -> memref<128xi32, #tpu.memory_space<vmem>>
        %dma_wait3A_944 = arith.constant 0 : i32
        %dma_wait3A_945 = arith.constant 0 : i32
        %dma_wait3A_946 = tpu.memref_slice %arg7[%dma_wait3A_944, %dma_wait3A_945] : memref<10240x16xf32, #tpu.memory_space<vmem_shared>> -> memref<10240x16xf32, #tpu.memory_space<vmem_shared>>
        tpu.wait_indirect_dma semaphore(%arg18 : memref<!tpu.dma_semaphore, #tpu.memory_space<semaphore_mem>>) src(%dma_wait3A_940 : memref<128x16xf32, #tpu.memory_space<vmem>>) dst(%dma_wait3A_946 : memref<10240x16xf32, #tpu.memory_space<vmem_shared>>)
      }
      %scan3A_63 = arith.constant 10 : i32
      %barrier3A_64 = arith.constant 0 : index
      tpu.barrier barrier_id(%barrier3A_64)
      "tpu.region"() ({
        %run_scoped3A = tpu.sem_alloc : memref<!tpu.dma_semaphore, #tpu.memory_space<semaphore_mem>>
        %dma_start3A = arith.constant 0 : i32
        %dma_start3A_82 = tpu.memref_slice %arg7[%mul3A_0, %dma_start3A] : memref<10240x16xf32, #tpu.memory_space<vmem_shared>> -> memref<640x16xf32, #tpu.memory_space<vmem_shared>>
        %dma_start3A_83 = arith.constant 0 : i32
        %dma_start3A_84 = tpu.memref_slice %arg7[%mul3A_0, %dma_start3A_83] : memref<10240x16xf32, #tpu.memory_space<vmem_shared>> -> memref<640x16xf32, #tpu.memory_space<vmem_shared>>
        tpu.enqueue_dma source(%dma_start3A_84 : memref<640x16xf32, #tpu.memory_space<vmem_shared>>) target(%arg13 : memref<640x16xf32, #tpu.memory_space<vmem>>) target_semaphore(%run_scoped3A : memref<!tpu.dma_semaphore, #tpu.memory_space<semaphore_mem>>)
        %dma_wait3A = arith.constant 0 : i32
        %dma_wait3A_85 = tpu.memref_slice %arg7[%mul3A_0, %dma_wait3A] : memref<10240x16xf32, #tpu.memory_space<vmem_shared>> -> memref<640x16xf32, #tpu.memory_space<vmem_shared>>
        %dma_wait3A_86 = arith.constant 0 : i32
        %dma_wait3A_87 = tpu.memref_slice %arg7[%mul3A_0, %dma_wait3A_86] : memref<10240x16xf32, #tpu.memory_space<vmem_shared>> -> memref<640x16xf32, #tpu.memory_space<vmem_shared>>
        tpu.wait_dma2 semaphore(%run_scoped3A : memref<!tpu.dma_semaphore, #tpu.memory_space<semaphore_mem>>) src(%dma_wait3A_87 : memref<640x16xf32, #tpu.memory_space<vmem_shared>>) dst(%arg13 : memref<640x16xf32, #tpu.memory_space<vmem>>)
        tpu.yield
      }) : () -> ()
      %scan3A_65 = arith.constant 0 : i32
      %scan3A_66 = arith.constant 0 : i32
      %scan3A_67 = arith.constant 160 : i32
      %scan3A_68 = arith.addi %scan3A_66, %scan3A_67 : i32
      %scan3A_69 = arith.constant 1 : i32
      scf.for %scan3A_82 = %scan3A_66 to %scan3A_68 step %scan3A_69  : i32 {
        %mul3A_83 = arith.constant 4 : i32
        %mul3A_84 = arith.muli %mul3A_83, %scan3A_82 : i32
        %add3A_85 = arith.constant 0 : i32
        %add3A_86 = arith.addi %mul3A_84, %add3A_85 : i32
        %get3A = arith.index_cast %add3A_86 : i32 to index
        %get3A_87 = arith.constant 0 : index
        %get3A_88 = tpu.vector_load %arg10[%get3A, %get3A_87] {strides = array<i32>} : memref<640x16xf32, #tpu.memory_space<vmem>>, vector<1x16xf32>,
        %get3A_89 = vector.shape_cast %get3A_88 : vector<1x16xf32> to vector<16xf32>
        %mul3A_90 = arith.constant 0.899999976 : f32
        %mul3A_91 = vector.broadcast %mul3A_90 : f32 to vector<16xf32>
        %mul3A_92 = arith.mulf %mul3A_91, %get3A_89 : vector<16xf32>
        %get3A_93 = arith.index_cast %add3A_86 : i32 to index
        %get3A_94 = arith.constant 0 : index
        %get3A_95 = tpu.vector_load %arg13[%get3A_93, %get3A_94] {strides = array<i32>} : memref<640x16xf32, #tpu.memory_space<vmem>>, vector<1x16xf32>,
        %get3A_96 = vector.shape_cast %get3A_95 : vector<1x16xf32> to vector<16xf32>
        %get3A_97 = arith.index_cast %add3A_86 : i32 to index
        %get3A_98 = arith.constant 0 : index
        %get3A_99 = tpu.vector_load %arg12[%get3A_97, %get3A_98] {strides = array<i32>} : memref<640x16xf32, #tpu.memory_space<vmem>>, vector<1x16xf32>,
        %get3A_100 = vector.shape_cast %get3A_99 : vector<1x16xf32> to vector<16xf32>
        %add3A_101 = arith.addf %get3A_96, %get3A_100 : vector<16xf32>
        %mul3A_102 = arith.mulf %mul3A_92, %add3A_101 : vector<16xf32>
        %get3A_103 = arith.index_cast %add3A_86 : i32 to index
        %get3A_104 = arith.constant 0 : index
        %get3A_105 = tpu.vector_load %arg11[%get3A_103, %get3A_104] {strides = array<i32>} : memref<640x16xf32, #tpu.memory_space<vmem>>, vector<1x16xf32>,
        %get3A_106 = vector.shape_cast %get3A_105 : vector<1x16xf32> to vector<16xf32>
        %add3A_107 = arith.addf %mul3A_102, %get3A_106 : vector<16xf32>
        %mul3A_108 = arith.mulf %get3A_89, %add3A_107 : vector<16xf32>
        %swap3A = arith.index_cast %add3A_86 : i32 to index
        %swap3A_109 = arith.constant 0 : index
        %swap3A_110 = tpu.vector_load %arg12[%swap3A, %swap3A_109] {strides = array<i32>} : memref<640x16xf32, #tpu.memory_space<vmem>>, vector<1x16xf32>,
        %swap3A_111 = vector.shape_cast %swap3A_110 : vector<1x16xf32> to vector<16xf32>
        %swap3A_112 = vector.shape_cast %mul3A_108 : vector<16xf32> to vector<1x16xf32>
        tpu.vector_store %arg12[%swap3A, %swap3A_109], %swap3A_112 {strides = array<i32>} : memref<640x16xf32, #tpu.memory_space<vmem>>, vector<1x16xf32>,
        %mul3A_113 = arith.constant 4 : i32
        %mul3A_114 = arith.muli %mul3A_113, %scan3A_82 : i32
        %add3A_115 = arith.constant 1 : i32
        %add3A_116 = arith.addi %mul3A_114, %add3A_115 : i32
        %get3A_117 = arith.index_cast %add3A_116 : i32 to index
        %get3A_118 = arith.constant 0 : index
        %get3A_119 = tpu.vector_load %arg10[%get3A_117, %get3A_118] {strides = array<i32>} : memref<640x16xf32, #tpu.memory_space<vmem>>, vector<1x16xf32>,
        %get3A_120 = vector.shape_cast %get3A_119 : vector<1x16xf32> to vector<16xf32>
        %mul3A_121 = arith.constant 0.899999976 : f32
        %mul3A_122 = vector.broadcast %mul3A_121 : f32 to vector<16xf32>
        %mul3A_123 = arith.mulf %mul3A_122, %get3A_120 : vector<16xf32>
        %get3A_124 = arith.index_cast %add3A_116 : i32 to index
        %get3A_125 = arith.constant 0 : index
        %get3A_126 = tpu.vector_load %arg13[%get3A_124, %get3A_125] {strides = array<i32>} : memref<640x16xf32, #tpu.memory_space<vmem>>, vector<1x16xf32>,
        %get3A_127 = vector.shape_cast %get3A_126 : vector<1x16xf32> to vector<16xf32>
        %get3A_128 = arith.index_cast %add3A_116 : i32 to index
        %get3A_129 = arith.constant 0 : index
        %get3A_130 = tpu.vector_load %arg12[%get3A_128, %get3A_129] {strides = array<i32>} : memref<640x16xf32, #tpu.memory_space<vmem>>, vector<1x16xf32>,
        %get3A_131 = vector.shape_cast %get3A_130 : vector<1x16xf32> to vector<16xf32>
        %add3A_132 = arith.addf %get3A_127, %get3A_131 : vector<16xf32>
        %mul3A_133 = arith.mulf %mul3A_123, %add3A_132 : vector<16xf32>
        %get3A_134 = arith.index_cast %add3A_116 : i32 to index
        %get3A_135 = arith.constant 0 : index
        %get3A_136 = tpu.vector_load %arg11[%get3A_134, %get3A_135] {strides = array<i32>} : memref<640x16xf32, #tpu.memory_space<vmem>>, vector<1x16xf32>,
        %get3A_137 = vector.shape_cast %get3A_136 : vector<1x16xf32> to vector<16xf32>
        %add3A_138 = arith.addf %mul3A_133, %get3A_137 : vector<16xf32>
        %mul3A_139 = arith.mulf %get3A_120, %add3A_138 : vector<16xf32>
        %swap3A_140 = arith.index_cast %add3A_116 : i32 to index
        %swap3A_141 = arith.constant 0 : index
        %swap3A_142 = tpu.vector_load %arg12[%swap3A_140, %swap3A_141] {strides = array<i32>} : memref<640x16xf32, #tpu.memory_space<vmem>>, vector<1x16xf32>,
        %swap3A_143 = vector.shape_cast %swap3A_142 : vector<1x16xf32> to vector<16xf32>
        %swap3A_144 = vector.shape_cast %mul3A_139 : vector<16xf32> to vector<1x16xf32>
        tpu.vector_store %arg12[%swap3A_140, %swap3A_141], %swap3A_144 {strides = array<i32>} : memref<640x16xf32, #tpu.memory_space<vmem>>, vector<1x16xf32>,
        %mul3A_145 = arith.constant 4 : i32
        %mul3A_146 = arith.muli %mul3A_145, %scan3A_82 : i32
        %add3A_147 = arith.constant 2 : i32
        %add3A_148 = arith.addi %mul3A_146, %add3A_147 : i32
        %get3A_149 = arith.index_cast %add3A_148 : i32 to index
        %get3A_150 = arith.constant 0 : index
        %get3A_151 = tpu.vector_load %arg10[%get3A_149, %get3A_150] {strides = array<i32>} : memref<640x16xf32, #tpu.memory_space<vmem>>, vector<1x16xf32>,
        %get3A_152 = vector.shape_cast %get3A_151 : vector<1x16xf32> to vector<16xf32>
        %mul3A_153 = arith.constant 0.899999976 : f32
        %mul3A_154 = vector.broadcast %mul3A_153 : f32 to vector<16xf32>
        %mul3A_155 = arith.mulf %mul3A_154, %get3A_152 : vector<16xf32>
        %get3A_156 = arith.index_cast %add3A_148 : i32 to index
        %get3A_157 = arith.constant 0 : index
        %get3A_158 = tpu.vector_load %arg13[%get3A_156, %get3A_157] {strides = array<i32>} : memref<640x16xf32, #tpu.memory_space<vmem>>, vector<1x16xf32>,
        %get3A_159 = vector.shape_cast %get3A_158 : vector<1x16xf32> to vector<16xf32>
        %get3A_160 = arith.index_cast %add3A_148 : i32 to index
        %get3A_161 = arith.constant 0 : index
        %get3A_162 = tpu.vector_load %arg12[%get3A_160, %get3A_161] {strides = array<i32>} : memref<640x16xf32, #tpu.memory_space<vmem>>, vector<1x16xf32>,
        %get3A_163 = vector.shape_cast %get3A_162 : vector<1x16xf32> to vector<16xf32>
        %add3A_164 = arith.addf %get3A_159, %get3A_163 : vector<16xf32>
        %mul3A_165 = arith.mulf %mul3A_155, %add3A_164 : vector<16xf32>
        %get3A_166 = arith.index_cast %add3A_148 : i32 to index
        %get3A_167 = arith.constant 0 : index
        %get3A_168 = tpu.vector_load %arg11[%get3A_166, %get3A_167] {strides = array<i32>} : memref<640x16xf32, #tpu.memory_space<vmem>>, vector<1x16xf32>,
        %get3A_169 = vector.shape_cast %get3A_168 : vector<1x16xf32> to vector<16xf32>
        %add3A_170 = arith.addf %mul3A_165, %get3A_169 : vector<16xf32>
        %mul3A_171 = arith.mulf %get3A_152, %add3A_170 : vector<16xf32>
        %swap3A_172 = arith.index_cast %add3A_148 : i32 to index
        %swap3A_173 = arith.constant 0 : index
        %swap3A_174 = tpu.vector_load %arg12[%swap3A_172, %swap3A_173] {strides = array<i32>} : memref<640x16xf32, #tpu.memory_space<vmem>>, vector<1x16xf32>,
        %swap3A_175 = vector.shape_cast %swap3A_174 : vector<1x16xf32> to vector<16xf32>
        %swap3A_176 = vector.shape_cast %mul3A_171 : vector<16xf32> to vector<1x16xf32>
        tpu.vector_store %arg12[%swap3A_172, %swap3A_173], %swap3A_176 {strides = array<i32>} : memref<640x16xf32, #tpu.memory_space<vmem>>, vector<1x16xf32>,
        %mul3A_177 = arith.constant 4 : i32
        %mul3A_178 = arith.muli %mul3A_177, %scan3A_82 : i32
        %add3A_179 = arith.constant 3 : i32
        %add3A_180 = arith.addi %mul3A_178, %add3A_179 : i32
        %get3A_181 = arith.index_cast %add3A_180 : i32 to index
        %get3A_182 = arith.constant 0 : index
        %get3A_183 = tpu.vector_load %arg10[%get3A_181, %get3A_182] {strides = array<i32>} : memref<640x16xf32, #tpu.memory_space<vmem>>, vector<1x16xf32>,
        %get3A_184 = vector.shape_cast %get3A_183 : vector<1x16xf32> to vector<16xf32>
        %mul3A_185 = arith.constant 0.899999976 : f32
        %mul3A_186 = vector.broadcast %mul3A_185 : f32 to vector<16xf32>
        %mul3A_187 = arith.mulf %mul3A_186, %get3A_184 : vector<16xf32>
        %get3A_188 = arith.index_cast %add3A_180 : i32 to index
        %get3A_189 = arith.constant 0 : index
        %get3A_190 = tpu.vector_load %arg13[%get3A_188, %get3A_189] {strides = array<i32>} : memref<640x16xf32, #tpu.memory_space<vmem>>, vector<1x16xf32>,
        %get3A_191 = vector.shape_cast %get3A_190 : vector<1x16xf32> to vector<16xf32>
        %get3A_192 = arith.index_cast %add3A_180 : i32 to index
        %get3A_193 = arith.constant 0 : index
        %get3A_194 = tpu.vector_load %arg12[%get3A_192, %get3A_193] {strides = array<i32>} : memref<640x16xf32, #tpu.memory_space<vmem>>, vector<1x16xf32>,
        %get3A_195 = vector.shape_cast %get3A_194 : vector<1x16xf32> to vector<16xf32>
        %add3A_196 = arith.addf %get3A_191, %get3A_195 : vector<16xf32>
        %mul3A_197 = arith.mulf %mul3A_187, %add3A_196 : vector<16xf32>
        %get3A_198 = arith.index_cast %add3A_180 : i32 to index
        %get3A_199 = arith.constant 0 : index
        %get3A_200 = tpu.vector_load %arg11[%get3A_198, %get3A_199] {strides = array<i32>} : memref<640x16xf32, #tpu.memory_space<vmem>>, vector<1x16xf32>,
        %get3A_201 = vector.shape_cast %get3A_200 : vector<1x16xf32> to vector<16xf32>
        %add3A_202 = arith.addf %mul3A_197, %get3A_201 : vector<16xf32>
        %mul3A_203 = arith.mulf %get3A_184, %add3A_202 : vector<16xf32>
        %swap3A_204 = arith.index_cast %add3A_180 : i32 to index
        %swap3A_205 = arith.constant 0 : index
        %swap3A_206 = tpu.vector_load %arg12[%swap3A_204, %swap3A_205] {strides = array<i32>} : memref<640x16xf32, #tpu.memory_space<vmem>>, vector<1x16xf32>,
        %swap3A_207 = vector.shape_cast %swap3A_206 : vector<1x16xf32> to vector<16xf32>
        %swap3A_208 = vector.shape_cast %mul3A_203 : vector<16xf32> to vector<1x16xf32>
        tpu.vector_store %arg12[%swap3A_204, %swap3A_205], %swap3A_208 {strides = array<i32>} : memref<640x16xf32, #tpu.memory_space<vmem>>, vector<1x16xf32>,
      }
      %scan3A_70 = arith.constant 160 : i32
      "tpu.region"() ({
        %run_scoped3A = tpu.sem_alloc : memref<!tpu.dma_semaphore, #tpu.memory_space<semaphore_mem>>
        %dma_start3A = arith.constant 0 : i32
        %dma_start3A_82 = tpu.memref_slice %arg6[%mul3A_0, %dma_start3A] : memref<10240x16xf32, #tpu.memory_space<hbm>> -> memref<640x16xf32, #tpu.memory_space<hbm>>
        %dma_start3A_83 = arith.constant 0 : i32
        %dma_start3A_84 = tpu.memref_slice %arg6[%mul3A_0, %dma_start3A_83] : memref<10240x16xf32, #tpu.memory_space<hbm>> -> memref<640x16xf32, #tpu.memory_space<hbm>>
        tpu.enqueue_dma source(%arg12 : memref<640x16xf32, #tpu.memory_space<vmem>>) target(%dma_start3A_84 : memref<640x16xf32, #tpu.memory_space<hbm>>) target_semaphore(%run_scoped3A : memref<!tpu.dma_semaphore, #tpu.memory_space<semaphore_mem>>)
        %dma_wait3A = arith.constant 0 : i32
        %dma_wait3A_85 = tpu.memref_slice %arg6[%mul3A_0, %dma_wait3A] : memref<10240x16xf32, #tpu.memory_space<hbm>> -> memref<640x16xf32, #tpu.memory_space<hbm>>
        %dma_wait3A_86 = arith.constant 0 : i32
        %dma_wait3A_87 = tpu.memref_slice %arg6[%mul3A_0, %dma_wait3A_86] : memref<10240x16xf32, #tpu.memory_space<hbm>> -> memref<640x16xf32, #tpu.memory_space<hbm>>
        tpu.wait_dma2 semaphore(%run_scoped3A : memref<!tpu.dma_semaphore, #tpu.memory_space<semaphore_mem>>) src(%arg12 : memref<640x16xf32, #tpu.memory_space<vmem>>) dst(%dma_wait3A_87 : memref<640x16xf32, #tpu.memory_space<hbm>>)
        tpu.yield
      }) : () -> ()
      %add3A_71 = arith.constant 0 : i32
      %add3A_72 = arith.addi %mul3A_0, %add3A_71 : i32
      "tpu.region"() ({
        %run_scoped3A = tpu.sem_alloc : memref<!tpu.dma_semaphore, #tpu.memory_space<semaphore_mem>>
        %dma_start3A = arith.constant 0 : i32
        %dma_start3A_82 = tpu.memref_slice %arg7[%add3A_72, %dma_start3A] : memref<10240x16xf32, #tpu.memory_space<vmem_shared>> -> memref<128x16xf32, #tpu.memory_space<vmem_shared>>
        %dma_start3A_83 = arith.constant 0 : i32
        %dma_start3A_84 = tpu.memref_slice %arg7[%add3A_72, %dma_start3A_83] : memref<10240x16xf32, #tpu.memory_space<vmem_shared>> -> memref<128x16xf32, #tpu.memory_space<vmem_shared>>
        tpu.enqueue_dma source(%arg16 : memref<128x16xf32, #tpu.memory_space<vmem>>) target(%dma_start3A_84 : memref<128x16xf32, #tpu.memory_space<vmem_shared>>) target_semaphore(%run_scoped3A : memref<!tpu.dma_semaphore, #tpu.memory_space<semaphore_mem>>)
        %dma_wait3A = arith.constant 0 : i32
        %dma_wait3A_85 = tpu.memref_slice %arg7[%add3A_72, %dma_wait3A] : memref<10240x16xf32, #tpu.memory_space<vmem_shared>> -> memref<128x16xf32, #tpu.memory_space<vmem_shared>>
        %dma_wait3A_86 = arith.constant 0 : i32
        %dma_wait3A_87 = tpu.memref_slice %arg7[%add3A_72, %dma_wait3A_86] : memref<10240x16xf32, #tpu.memory_space<vmem_shared>> -> memref<128x16xf32, #tpu.memory_space<vmem_shared>>
        tpu.wait_dma2 semaphore(%run_scoped3A : memref<!tpu.dma_semaphore, #tpu.memory_space<semaphore_mem>>) src(%arg16 : memref<128x16xf32, #tpu.memory_space<vmem>>) dst(%dma_wait3A_87 : memref<128x16xf32, #tpu.memory_space<vmem_shared>>)
        tpu.yield
      }) : () -> ()
      %add3A_73 = arith.constant 128 : i32
      %add3A_74 = arith.addi %mul3A_0, %add3A_73 : i32
      "tpu.region"() ({
        %run_scoped3A = tpu.sem_alloc : memref<!tpu.dma_semaphore, #tpu.memory_space<semaphore_mem>>
        %dma_start3A = arith.constant 0 : i32
        %dma_start3A_82 = tpu.memref_slice %arg7[%add3A_74, %dma_start3A] : memref<10240x16xf32, #tpu.memory_space<vmem_shared>> -> memref<128x16xf32, #tpu.memory_space<vmem_shared>>
        %dma_start3A_83 = arith.constant 0 : i32
        %dma_start3A_84 = tpu.memref_slice %arg7[%add3A_74, %dma_start3A_83] : memref<10240x16xf32, #tpu.memory_space<vmem_shared>> -> memref<128x16xf32, #tpu.memory_space<vmem_shared>>
        tpu.enqueue_dma source(%arg16 : memref<128x16xf32, #tpu.memory_space<vmem>>) target(%dma_start3A_84 : memref<128x16xf32, #tpu.memory_space<vmem_shared>>) target_semaphore(%run_scoped3A : memref<!tpu.dma_semaphore, #tpu.memory_space<semaphore_mem>>)
        %dma_wait3A = arith.constant 0 : i32
        %dma_wait3A_85 = tpu.memref_slice %arg7[%add3A_74, %dma_wait3A] : memref<10240x16xf32, #tpu.memory_space<vmem_shared>> -> memref<128x16xf32, #tpu.memory_space<vmem_shared>>
        %dma_wait3A_86 = arith.constant 0 : i32
        %dma_wait3A_87 = tpu.memref_slice %arg7[%add3A_74, %dma_wait3A_86] : memref<10240x16xf32, #tpu.memory_space<vmem_shared>> -> memref<128x16xf32, #tpu.memory_space<vmem_shared>>
        tpu.wait_dma2 semaphore(%run_scoped3A : memref<!tpu.dma_semaphore, #tpu.memory_space<semaphore_mem>>) src(%arg16 : memref<128x16xf32, #tpu.memory_space<vmem>>) dst(%dma_wait3A_87 : memref<128x16xf32, #tpu.memory_space<vmem_shared>>)
        tpu.yield
      }) : () -> ()
      %add3A_75 = arith.constant 256 : i32
      %add3A_76 = arith.addi %mul3A_0, %add3A_75 : i32
      "tpu.region"() ({
        %run_scoped3A = tpu.sem_alloc : memref<!tpu.dma_semaphore, #tpu.memory_space<semaphore_mem>>
        %dma_start3A = arith.constant 0 : i32
        %dma_start3A_82 = tpu.memref_slice %arg7[%add3A_76, %dma_start3A] : memref<10240x16xf32, #tpu.memory_space<vmem_shared>> -> memref<128x16xf32, #tpu.memory_space<vmem_shared>>
        %dma_start3A_83 = arith.constant 0 : i32
        %dma_start3A_84 = tpu.memref_slice %arg7[%add3A_76, %dma_start3A_83] : memref<10240x16xf32, #tpu.memory_space<vmem_shared>> -> memref<128x16xf32, #tpu.memory_space<vmem_shared>>
        tpu.enqueue_dma source(%arg16 : memref<128x16xf32, #tpu.memory_space<vmem>>) target(%dma_start3A_84 : memref<128x16xf32, #tpu.memory_space<vmem_shared>>) target_semaphore(%run_scoped3A : memref<!tpu.dma_semaphore, #tpu.memory_space<semaphore_mem>>)
        %dma_wait3A = arith.constant 0 : i32
        %dma_wait3A_85 = tpu.memref_slice %arg7[%add3A_76, %dma_wait3A] : memref<10240x16xf32, #tpu.memory_space<vmem_shared>> -> memref<128x16xf32, #tpu.memory_space<vmem_shared>>
        %dma_wait3A_86 = arith.constant 0 : i32
        %dma_wait3A_87 = tpu.memref_slice %arg7[%add3A_76, %dma_wait3A_86] : memref<10240x16xf32, #tpu.memory_space<vmem_shared>> -> memref<128x16xf32, #tpu.memory_space<vmem_shared>>
        tpu.wait_dma2 semaphore(%run_scoped3A : memref<!tpu.dma_semaphore, #tpu.memory_space<semaphore_mem>>) src(%arg16 : memref<128x16xf32, #tpu.memory_space<vmem>>) dst(%dma_wait3A_87 : memref<128x16xf32, #tpu.memory_space<vmem_shared>>)
        tpu.yield
      }) : () -> ()
      %add3A_77 = arith.constant 384 : i32
      %add3A_78 = arith.addi %mul3A_0, %add3A_77 : i32
      "tpu.region"() ({
        %run_scoped3A = tpu.sem_alloc : memref<!tpu.dma_semaphore, #tpu.memory_space<semaphore_mem>>
        %dma_start3A = arith.constant 0 : i32
        %dma_start3A_82 = tpu.memref_slice %arg7[%add3A_78, %dma_start3A] : memref<10240x16xf32, #tpu.memory_space<vmem_shared>> -> memref<128x16xf32, #tpu.memory_space<vmem_shared>>
        %dma_start3A_83 = arith.constant 0 : i32
        %dma_start3A_84 = tpu.memref_slice %arg7[%add3A_78, %dma_start3A_83] : memref<10240x16xf32, #tpu.memory_space<vmem_shared>> -> memref<128x16xf32, #tpu.memory_space<vmem_shared>>
        tpu.enqueue_dma source(%arg16 : memref<128x16xf32, #tpu.memory_space<vmem>>) target(%dma_start3A_84 : memref<128x16xf32, #tpu.memory_space<vmem_shared>>) target_semaphore(%run_scoped3A : memref<!tpu.dma_semaphore, #tpu.memory_space<semaphore_mem>>)
        %dma_wait3A = arith.constant 0 : i32
        %dma_wait3A_85 = tpu.memref_slice %arg7[%add3A_78, %dma_wait3A] : memref<10240x16xf32, #tpu.memory_space<vmem_shared>> -> memref<128x16xf32, #tpu.memory_space<vmem_shared>>
        %dma_wait3A_86 = arith.constant 0 : i32
        %dma_wait3A_87 = tpu.memref_slice %arg7[%add3A_78, %dma_wait3A_86] : memref<10240x16xf32, #tpu.memory_space<vmem_shared>> -> memref<128x16xf32, #tpu.memory_space<vmem_shared>>
        tpu.wait_dma2 semaphore(%run_scoped3A : memref<!tpu.dma_semaphore, #tpu.memory_space<semaphore_mem>>) src(%arg16 : memref<128x16xf32, #tpu.memory_space<vmem>>) dst(%dma_wait3A_87 : memref<128x16xf32, #tpu.memory_space<vmem_shared>>)
        tpu.yield
      }) : () -> ()
      %add3A_79 = arith.constant 512 : i32
      %add3A_80 = arith.addi %mul3A_0, %add3A_79 : i32
      "tpu.region"() ({
        %run_scoped3A = tpu.sem_alloc : memref<!tpu.dma_semaphore, #tpu.memory_space<semaphore_mem>>
        %dma_start3A = arith.constant 0 : i32
        %dma_start3A_82 = tpu.memref_slice %arg7[%add3A_80, %dma_start3A] : memref<10240x16xf32, #tpu.memory_space<vmem_shared>> -> memref<128x16xf32, #tpu.memory_space<vmem_shared>>
        %dma_start3A_83 = arith.constant 0 : i32
        %dma_start3A_84 = tpu.memref_slice %arg7[%add3A_80, %dma_start3A_83] : memref<10240x16xf32, #tpu.memory_space<vmem_shared>> -> memref<128x16xf32, #tpu.memory_space<vmem_shared>>
        tpu.enqueue_dma source(%arg16 : memref<128x16xf32, #tpu.memory_space<vmem>>) target(%dma_start3A_84 : memref<128x16xf32, #tpu.memory_space<vmem_shared>>) target_semaphore(%run_scoped3A : memref<!tpu.dma_semaphore, #tpu.memory_space<semaphore_mem>>)
        %dma_wait3A = arith.constant 0 : i32
        %dma_wait3A_85 = tpu.memref_slice %arg7[%add3A_80, %dma_wait3A] : memref<10240x16xf32, #tpu.memory_space<vmem_shared>> -> memref<128x16xf32, #tpu.memory_space<vmem_shared>>
        %dma_wait3A_86 = arith.constant 0 : i32
        %dma_wait3A_87 = tpu.memref_slice %arg7[%add3A_80, %dma_wait3A_86] : memref<10240x16xf32, #tpu.memory_space<vmem_shared>> -> memref<128x16xf32, #tpu.memory_space<vmem_shared>>
        tpu.wait_dma2 semaphore(%run_scoped3A : memref<!tpu.dma_semaphore, #tpu.memory_space<semaphore_mem>>) src(%arg16 : memref<128x16xf32, #tpu.memory_space<vmem>>) dst(%dma_wait3A_87 : memref<128x16xf32, #tpu.memory_space<vmem_shared>>)
        tpu.yield
      }) : () -> ()
      %barrier3A_81 = arith.constant 0 : index
      tpu.barrier barrier_id(%barrier3A_81)
    }
    %scan3A_50 = arith.constant 10 : i32
    %scan3A_51 = arith.constant 0 : i32
    %scan3A_52 = arith.constant 0 : i32
    %scan3A_53 = arith.constant 640 : i32
    %scan3A_54 = arith.addi %scan3A_52, %scan3A_53 : i32
    %scan3A_55 = arith.constant 1 : i32
    scf.for %scan3A_57 = %scan3A_52 to %scan3A_54 step %scan3A_55  : i32 {
      %get3A = arith.index_cast %scan3A_57 : i32 to index
      %get3A_58 = arith.constant 0 : index
      %get3A_59 = tpu.vector_load %arg12[%get3A, %get3A_58] {strides = array<i32>} : memref<640x16xf32, #tpu.memory_space<vmem>>, vector<1x16xf32>,
      %get3A_60 = vector.shape_cast %get3A_59 : vector<1x16xf32> to vector<16xf32>
      %get3A_61 = arith.index_cast %scan3A_57 : i32 to index
      %get3A_62 = arith.constant 0 : index
      %get3A_63 = tpu.vector_load %arg10[%get3A_61, %get3A_62] {strides = array<i32>} : memref<640x16xf32, #tpu.memory_space<vmem>>, vector<1x16xf32>,
      %get3A_64 = vector.shape_cast %get3A_63 : vector<1x16xf32> to vector<16xf32>
      %div3A = arith.divf %get3A_60, %get3A_64 : vector<16xf32>
      %swap3A = arith.index_cast %scan3A_57 : i32 to index
      %swap3A_65 = arith.constant 0 : index
      %swap3A_66 = tpu.vector_load %arg13[%swap3A, %swap3A_65] {strides = array<i32>} : memref<640x16xf32, #tpu.memory_space<vmem>>, vector<1x16xf32>,
      %swap3A_67 = vector.shape_cast %swap3A_66 : vector<1x16xf32> to vector<16xf32>
      %swap3A_68 = vector.shape_cast %div3A : vector<16xf32> to vector<1x16xf32>
      tpu.vector_store %arg13[%swap3A, %swap3A_65], %swap3A_68 {strides = array<i32>} : memref<640x16xf32, #tpu.memory_space<vmem>>, vector<1x16xf32>,
    }
    %scan3A_56 = arith.constant 640 : i32
    "tpu.region"() ({
      %run_scoped3A = tpu.sem_alloc : memref<!tpu.dma_semaphore, #tpu.memory_space<semaphore_mem>>
      %dma_start3A = arith.constant 0 : i32
      %dma_start3A_57 = tpu.memref_slice %arg5[%mul3A_0, %dma_start3A] : memref<10240x16xf32, #tpu.memory_space<hbm>> -> memref<640x16xf32, #tpu.memory_space<hbm>>
      %dma_start3A_58 = arith.constant 0 : i32
      %dma_start3A_59 = tpu.memref_slice %arg5[%mul3A_0, %dma_start3A_58] : memref<10240x16xf32, #tpu.memory_space<hbm>> -> memref<640x16xf32, #tpu.memory_space<hbm>>
      tpu.enqueue_dma source(%arg13 : memref<640x16xf32, #tpu.memory_space<vmem>>) target(%dma_start3A_59 : memref<640x16xf32, #tpu.memory_space<hbm>>) target_semaphore(%run_scoped3A : memref<!tpu.dma_semaphore, #tpu.memory_space<semaphore_mem>>)
      %dma_wait3A = arith.constant 0 : i32
      %dma_wait3A_60 = tpu.memref_slice %arg5[%mul3A_0, %dma_wait3A] : memref<10240x16xf32, #tpu.memory_space<hbm>> -> memref<640x16xf32, #tpu.memory_space<hbm>>
      %dma_wait3A_61 = arith.constant 0 : i32
      %dma_wait3A_62 = tpu.memref_slice %arg5[%mul3A_0, %dma_wait3A_61] : memref<10240x16xf32, #tpu.memory_space<hbm>> -> memref<640x16xf32, #tpu.memory_space<hbm>>
      tpu.wait_dma2 semaphore(%run_scoped3A : memref<!tpu.dma_semaphore, #tpu.memory_space<semaphore_mem>>) src(%arg13 : memref<640x16xf32, #tpu.memory_space<vmem>>) dst(%dma_wait3A_62 : memref<640x16xf32, #tpu.memory_space<hbm>>)
      tpu.yield
    }) : () -> ()
    return
  }
}

module attributes {stable_mosaic.version = 14 : i64} {
  func.func @_mlp_body(%arg0: i32, %arg1: memref<2000x128xf32, #tpu.memory_space<vmem>>, %arg2: memref<128x64xf32, #tpu.memory_space<vmem>>, %arg3: memref<1x64xf32, #tpu.memory_space<vmem>>, %arg4: memref<64x16xf32, #tpu.memory_space<vmem>>, %arg5: memref<1x16xf32, #tpu.memory_space<vmem>>, %arg6: memref<2000x16xf32, #tpu.memory_space<vmem>>) attributes {dimension_semantics = [#tpu.dimension_semantics<arbitrary>], iteration_bounds = array<i64: 5>, scalar_prefetch = 0 : i64, scratch_operands = 0 : i64, tpu.core_type = #tpu.core_type<tc>, window_params = [{transform_indices = @transform_0, window_bounds = array<i64: 2000, 128>}, {pipeline_mode = #tpu.pipeline_mode<synchronous>, transform_indices = @transform_1, window_bounds = array<i64: 128, 64>}, {pipeline_mode = #tpu.pipeline_mode<synchronous>, transform_indices = @transform_2, window_bounds = array<i64: 1, 64>}, {pipeline_mode = #tpu.pipeline_mode<synchronous>, transform_indices = @transform_3, window_bounds = array<i64: 64, 16>}, {pipeline_mode = #tpu.pipeline_mode<synchronous>, transform_indices = @transform_4, window_bounds = array<i64: 1, 16>}, {transform_indices = @transform_5, window_bounds = array<i64: 2000, 16>}]} {
    %get3A = arith.constant 0 : index
    %get3A_0 = arith.constant 0 : index
    %get3A_1 = vector.load %arg1[%get3A, %get3A_0] : memref<2000x128xf32, #tpu.memory_space<vmem>>, vector<2000x128xf32>
    %get3A_2 = arith.constant 0 : index
    %get3A_3 = arith.constant 0 : index
    %get3A_4 = vector.load %arg2[%get3A_2, %get3A_3] : memref<128x64xf32, #tpu.memory_space<vmem>>, vector<128x64xf32>
    %dot_general3A = arith.constant dense<0.000000e+00> : vector<2000x64xf32>
    %dot_general3A_5 = tpu.matmul %get3A_1, %get3A_4, %dot_general3A {dimension_numbers = #tpu.dot_dimension_numbers<[1], [0], [0], [1], [0, 0, 1, 1], [], []>, transpose_lhs_hint = false} : vector<2000x128xf32>, vector<128x64xf32>, vector<2000x64xf32> -> vector<2000x64xf32>
    %get3A_6 = arith.constant 0 : index
    %get3A_7 = arith.constant 0 : index
    %get3A_8 = vector.load %arg3[%get3A_6, %get3A_7] : memref<1x64xf32, #tpu.memory_space<vmem>>, vector<1x64xf32>
    %add3A = vector.broadcast %get3A_8 : vector<1x64xf32> to vector<2000x64xf32>
    %add3A_9 = arith.addf %dot_general3A_5, %add3A : vector<2000x64xf32>
    %max3A = arith.constant 0.000000e+00 : f32
    %max3A_10 = vector.broadcast %max3A : f32 to vector<2000x64xf32>
    %max3A_11 = arith.maximumf %add3A_9, %max3A_10 : vector<2000x64xf32>
    %get3A_12 = arith.constant 0 : index
    %get3A_13 = arith.constant 0 : index
    %get3A_14 = vector.load %arg4[%get3A_12, %get3A_13] : memref<64x16xf32, #tpu.memory_space<vmem>>, vector<64x16xf32>
    %dot_general3A_15 = arith.constant dense<0.000000e+00> : vector<2000x16xf32>
    %dot_general3A_16 = tpu.matmul %max3A_11, %get3A_14, %dot_general3A_15 {dimension_numbers = #tpu.dot_dimension_numbers<[1], [0], [0], [1], [0, 0, 1, 1], [], []>, transpose_lhs_hint = false} : vector<2000x64xf32>, vector<64x16xf32>, vector<2000x16xf32> -> vector<2000x16xf32>
    %get3A_17 = arith.constant 0 : index
    %get3A_18 = arith.constant 0 : index
    %get3A_19 = vector.load %arg5[%get3A_17, %get3A_18] : memref<1x16xf32, #tpu.memory_space<vmem>>, vector<1x16xf32>
    %add3A_20 = vector.broadcast %get3A_19 : vector<1x16xf32> to vector<2000x16xf32>
    %add3A_21 = arith.addf %dot_general3A_16, %add3A_20 : vector<2000x16xf32>
    %swap3A = arith.constant 0 : index
    %swap3A_22 = arith.constant 0 : index
    %swap3A_23 = vector.load %arg6[%swap3A, %swap3A_22] : memref<2000x16xf32, #tpu.memory_space<vmem>>, vector<2000x16xf32>
    tpu.vector_store %arg6[%swap3A, %swap3A_22], %add3A_21 {strides = array<i32>} : memref<2000x16xf32, #tpu.memory_space<vmem>>, vector<2000x16xf32>,
    return
  }
  func.func @transform_0(%arg0: i32) -> (i32, i32) {
    %c0_i32 = arith.constant 0 : i32
    %c0_i32_0 = arith.constant 0 : i32
    return %arg0, %c0_i32 : i32, i32
  }
  func.func @transform_1(%arg0: i32) -> (i32, i32) {
    %c0_i32 = arith.constant 0 : i32
    %c0_i32_0 = arith.constant 0 : i32
    %c0_i32_1 = arith.constant 0 : i32
    return %c0_i32, %c0_i32_0 : i32, i32
  }
  func.func @transform_2(%arg0: i32) -> (i32, i32) {
    %c0_i32 = arith.constant 0 : i32
    %c0_i32_0 = arith.constant 0 : i32
    %c0_i32_1 = arith.constant 0 : i32
    return %c0_i32, %c0_i32_0 : i32, i32
  }
  func.func @transform_3(%arg0: i32) -> (i32, i32) {
    %c0_i32 = arith.constant 0 : i32
    %c0_i32_0 = arith.constant 0 : i32
    %c0_i32_1 = arith.constant 0 : i32
    return %c0_i32, %c0_i32_0 : i32, i32
  }
  func.func @transform_4(%arg0: i32) -> (i32, i32) {
    %c0_i32 = arith.constant 0 : i32
    %c0_i32_0 = arith.constant 0 : i32
    %c0_i32_1 = arith.constant 0 : i32
    return %c0_i32, %c0_i32_0 : i32, i32
  }
  func.func @transform_5(%arg0: i32) -> (i32, i32) {
    %c0_i32 = arith.constant 0 : i32
    %c0_i32_0 = arith.constant 0 : i32
    return %arg0, %c0_i32 : i32, i32
  }
}

module attributes {stable_mosaic.version = 14 : i64} {
  func.func @_lsm_body(%arg0: i32, %arg1: memref<2000x16xf32, #tpu.memory_space<vmem>>, %arg2: memref<2000x16xf32, #tpu.memory_space<vmem>>) attributes {dimension_semantics = [#tpu.dimension_semantics<arbitrary>], iteration_bounds = array<i64: 5>, scalar_prefetch = 0 : i64, scratch_operands = 0 : i64, tpu.core_type = #tpu.core_type<tc>, window_params = [{transform_indices = @transform_0, window_bounds = array<i64: 2000, 16>}, {transform_indices = @transform_1, window_bounds = array<i64: 2000, 16>}]} {
    %get3A = arith.constant 0 : index
    %get3A_0 = arith.constant 0 : index
    %get3A_1 = vector.load %arg1[%get3A, %get3A_0] : memref<2000x16xf32, #tpu.memory_space<vmem>>, vector<2000x16xf32>
    %reduce_max3A = arith.constant dense<0xFF800000> : vector<2000xf32>
    %reduce_max3A_2 = vector.multi_reduction <maximumf>, %get3A_1, %reduce_max3A [1] : vector<2000x16xf32> to vector<2000xf32>
    %broadcast_in_dim3A = vector.shape_cast %reduce_max3A_2 : vector<2000xf32> to vector<2000x1xf32>
    %sub3A = vector.broadcast %broadcast_in_dim3A : vector<2000x1xf32> to vector<2000x16xf32>
    %sub3A_3 = arith.subf %get3A_1, %sub3A : vector<2000x16xf32>
    %exp3A = math.exp %sub3A_3 : vector<2000x16xf32>
    %reduce_sum3A = arith.constant dense<0.000000e+00> : vector<2000xf32>
    %reduce_sum3A_4 = vector.multi_reduction <add>, %exp3A, %reduce_sum3A [1] : vector<2000x16xf32> to vector<2000xf32>
    %broadcast_in_dim3A_5 = vector.shape_cast %reduce_sum3A_4 : vector<2000xf32> to vector<2000x1xf32>
    %sub3A_6 = vector.broadcast %broadcast_in_dim3A : vector<2000x1xf32> to vector<2000x16xf32>
    %sub3A_7 = arith.subf %get3A_1, %sub3A_6 : vector<2000x16xf32>
    %log3A = math.log %broadcast_in_dim3A_5 : vector<2000x1xf32>
    %sub3A_8 = vector.broadcast %log3A : vector<2000x1xf32> to vector<2000x16xf32>
    %sub3A_9 = arith.subf %sub3A_7, %sub3A_8 : vector<2000x16xf32>
    %swap3A = arith.constant 0 : index
    %swap3A_10 = arith.constant 0 : index
    %swap3A_11 = vector.load %arg2[%swap3A, %swap3A_10] : memref<2000x16xf32, #tpu.memory_space<vmem>>, vector<2000x16xf32>
    tpu.vector_store %arg2[%swap3A, %swap3A_10], %sub3A_9 {strides = array<i32>} : memref<2000x16xf32, #tpu.memory_space<vmem>>, vector<2000x16xf32>,
    return
  }
  func.func @transform_0(%arg0: i32) -> (i32, i32) {
    %c0_i32 = arith.constant 0 : i32
    %c0_i32_0 = arith.constant 0 : i32
    return %arg0, %c0_i32 : i32, i32
  }
  func.func @transform_1(%arg0: i32) -> (i32, i32) {
    %c0_i32 = arith.constant 0 : i32
    %c0_i32_0 = arith.constant 0 : i32
    return %arg0, %c0_i32 : i32, i32
  }
}

</mosaic_0001>

<sc_bundles>
// kernel: kernel.5.cloned.1.call-start
scs
__scs_entry_jumppad:
0x0: {  	(pc) =	sbr.rel $0x88, $3  }
0x1: {  	(tag) =	ssettag $0x0;
	lr =	simm.s32 $0x1  }
0x2: {  	[smem:$0x3F9B] =	sst lr;
	_ =	strace $0xD0000000  }
0x3: {  	_ = 	snop  }
0x4: {  	_ = 	snop  }
0x5: {  	_ = 	snop  }
0x6: {  	_ = 	snop  }
0x7: {  	_ = 	snop  }
__scs_overlays_trampoline_lowered:
0x8: {  	[smem:$0x3FAA] =	sst s0  }
0x9: {  	[smem:$0x3FAB] =	sst s1  }
0xa: {  	[smem:$0x3FAC] =	sst s2  }
0xb: {  	[smem:$0x3FAD] =	sst s3  }
0xc: {  	[smem:$0x3FAE] =	sst s4  }
0xd: {  	[smem:$0x3FAF] =	sst s5  }
0xe: {  	[smem:$0x3FB0] =	sst s6  }
0xf: {  	[smem:$0x3FB1] =	sst s7  }
0x10: {  	[smem:$0x3FB2] =	sst s8  }
0x11: {  	[smem:$0x3FB3] =	sst s9;
	s0 =	simm.s32 @!p0 $0x0  }
0x12: {  	s1 =	sld [smem:$0x3F99];
	s0 =	simm.s32 @p0 $0x1  }
0x13: {  	[smem:$0x3FB4] =	sst s0;
	s0 =	simm.s32 @!p1 $0x0  }
0x14: {  	s2 =	sld [smem:$0x3F98];
	s0 =	simm.s32 @p1 $0x1  }
0x15: {  	[smem:$0x3FB5] =	sst s0;
	s0 =	simm.s32 @!p2 $0x0  }
0x16: {  	s3 =	sld [smem:$0x3FDB];
	s0 =	simm.s32 @p2 $0x1  }
0x17: {  	s4 =	simm.s32 $0x1BF5;
	[smem:$0x3FB7] =	sst s0  }
0x18: {  	s0 =	sld [smem:$0x3F9A];
	_ =	swait.ge [sflag:s4], $0x0  }
0x19: {  	s7 =	sld [smem:$0x3F9B]  }
0x1a: {  	s8 =	sadd.s32 $0xFFFFE003, lr  }
0x1b: {  	s9 =	sadd.s32 $0xFFFFFEF7, lr;
	s5 =	simm.s32 $0xFFFFFFFF;
	p2 =	slt.u32 s8, $0xFFFFF086  }
0x1c: {  	p1 =	slt.u32 s9, $0xF7A;
	s5 =	simm.s32 @!p2 $0x0  }
0x1d: {  	s5 =	simm.s32 @p1 $0x1;
	p0 =	seq.s32 s7, s2  }
0x1e: {  	s7 =	smul.u32 @!p0 $0xF7A, s2;
	p2 =	seq.s32 @!p0 s5, $0x0  }
0x1f: {  	s9 =	smul.u32 $0xF7A, s1;
	s8 =	simm.s32 @!p0 $0x1BF5;
	p2 =	por !p2, p0  }
0x20: {  	[sflag:s8] =	ssyncset.s32 @!p0 $0xFFFFF086;
	s6 =	sadd.s32 @!p0 s3, s7;
	s7 =	simm.s32 @!p0 $0x108  }
0x21: {  	s3 =	sadd.s32 s3, s9;
	s6 =	sadd.s32 @!p0 $0x88, s6;
	s7 =	simm.s32 @p2 $0x1082  }
0x22: {  	[simem:s7], [sflag:s8] =	dma.local @!p0 [hbm:s6], $0xF7A  }
0x23: {  	s9 =	sor.u32 $0xD0000000, s2;
	s6 =	simm.s32 $0x108;
	_ =	swait.ge @!p0 [sflag:s8], $0x0  }
0x24: {  	s3 =	sadd.s32 $0x88, s3;
	s6 =	simm.s32 @!p1 $0x1082;
	[sflag:s4] =	ssyncset.s32 $0xFFFFF086  }
0x25: {  	[simem:s6], [sflag:s4] =	dma.local [hbm:s3], $0xF7A  }
0x26: {  	[smem:$0x3F9B] =	sst s1;
	(tag) =	ssettag s2;
	_ =	strace s9  }
0x27: {  	s1 =	sld [smem:$0x3FAB]  }
0x28: {  	s2 =	sld [smem:$0x3FAC]  }
0x29: {  	s4 =	sld [smem:$0x3FAE]  }
0x2a: {  	p0 =	seq.s32 s5, $0x0;
	s5 =	sld [smem:$0x3FAF]  }
0x2b: {  	s6 =	sld [smem:$0x3FB0]  }
0x2c: {  	s7 =	sld [smem:$0x3FB1]  }
0x2d: {  	s3 =	simm.s32 $0x108;
	s8 =	sld [smem:$0x3FB2]  }
0x2e: {  	s3 =	simm.s32 @!p0 $0x1082;
	s9 =	sld [smem:$0x3FB3]  }
0x2f: {  	lr =	sadd.s32 s0, s3;
	s0 =	sld [smem:$0x3FAA]  }
0x30: {  	s3 =	sld [smem:$0x3FAD]  }
0x31: {  	[smem:$0x3FB6] =	sst s10  }
0x32: {  	s10 =	sld [smem:$0x3FB4];
	_ =	sdelay $0x3  }
0x33: {  	p0 =	seq.s32 s10, $0x1;
	s10 =	sld [smem:$0x3FB6];
	_ =	sdelay $0x3  }
0x34: {  	[smem:$0x3FB6] =	sst s10  }
0x35: {  	s10 =	sld [smem:$0x3FB5];
	_ =	sdelay $0x3  }
0x36: {  	p1 =	seq.s32 s10, $0x1;
	s10 =	sld [smem:$0x3FB6];
	_ =	sdelay $0x3  }
0x37: {  	[smem:$0x3FB6] =	sst s10  }
0x38: {  	s10 =	sld [smem:$0x3FB7]  }
0x39: {  	_ = 	snop;
	(pc) =	sbr.ind lr, $3  }
0x3a: {  	_ = 	snop  }
0x3b: {  	_ = 	snop  }
0x3c: {  	p2 =	seq.s32 s10, $0x1;
	s10 =	sld [smem:$0x3FB6]  }
0x3d: {  	_ =	shalt  }
0x3e: {  	_ =	shalt  }
0x3f: {  	_ =	shalt  }
0x40: {  	_ =	shalt  }
0x41: {  	_ =	shalt  }
0x42: {  	_ =	shalt  }
0x43: {  	_ =	shalt  }
0x44: {  	_ =	shalt  }
0x45: {  	_ =	shalt  }
0x46: {  	_ =	shalt  }
0x47: {  	_ =	shalt  }
0x48: {  	_ =	shalt  }
0x49: {  	_ =	shalt  }
0x4a: {  	_ =	shalt  }
0x4b: {  	_ =	shalt  }
0x4c: {  	_ =	shalt  }
0x4d: {  	_ =	shalt  }
0x4e: {  	_ =	shalt  }
0x4f: {  	_ =	shalt  }
0x50: {  	_ =	shalt  }
0x51: {  	_ =	shalt  }
0x52: {  	_ =	shalt  }
0x53: {  	_ =	shalt  }
0x54: {  	_ =	shalt  }
0x55: {  	_ =	shalt  }
0x56: {  	_ =	shalt  }
0x57: {  	_ =	shalt  }
0x58: {  	_ =	shalt  }
0x59: {  	_ =	shalt  }
0x5a: {  	_ =	shalt  }
0x5b: {  	_ =	shalt  }
0x5c: {  	_ =	shalt  }
0x5d: {  	_ =	shalt  }
0x5e: {  	_ =	shalt  }
0x5f: {  	_ =	shalt  }
0x60: {  	_ =	shalt  }
0x61: {  	_ =	shalt  }
0x62: {  	_ =	shalt  }
0x63: {  	_ =	shalt  }
0x64: {  	_ =	shalt  }
0x65: {  	_ =	shalt  }
0x66: {  	_ =	shalt  }
0x67: {  	_ =	shalt  }
0x68: {  	_ =	shalt  }
0x69: {  	_ =	shalt  }
0x6a: {  	_ =	shalt  }
0x6b: {  	_ =	shalt  }
0x6c: {  	_ =	shalt  }
0x6d: {  	_ =	shalt  }
0x6e: {  	_ =	shalt  }
0x6f: {  	_ =	shalt  }
0x70: {  	_ =	shalt  }
0x71: {  	_ =	shalt  }
0x72: {  	_ =	shalt  }
0x73: {  	_ =	shalt  }
0x74: {  	_ =	shalt  }
0x75: {  	_ =	shalt  }
0x76: {  	_ =	shalt  }
0x77: {  	_ =	shalt  }
0x78: {  	_ =	shalt  }
0x79: {  	_ =	shalt  }
0x7a: {  	_ =	shalt  }
0x7b: {  	_ =	shalt  }
0x7c: {  	_ =	shalt  }
0x7d: {  	_ =	shalt  }
0x7e: {  	_ =	shalt  }
0x7f: {  	_ =	shalt  }
0x80: {  	_ =	shalt  }
0x81: {  	_ =	shalt  }
0x82: {  	_ =	shalt  }
0x83: {  	_ =	shalt  }
0x84: {  	_ =	shalt  }
0x85: {  	_ =	shalt  }
0x86: {  	_ =	shalt  }
0x87: {  	_ =	shalt  }
.Lfunc_end0:
.L_simem_size_0:
called_computation_lowered:
.L_overlay_start_0:
0x88: {  	s0 =	sld [smem:$0x3FD9]  }
0x89: {  	s1 =	sld [smem:$0x3FFE];
	_ =	sdelay $0x3  }
0x8a: {  	s0 =	sadd.s32 s1, s0  }
0x8b: {  	[smem:$0x3FC2] =	sst s0  }
0x8c: {  	_ = 	snop  }
0x8d: {  	(tm) =	ssettm $0x1  }
0x8e: {  	s15 =	sld [smem:$0x3FFB];
	_ =	sdelay $0x3  }
0x8f: {  	_ =	strace s15  }
0x90: {  	s0 =	sld [smem:$0x3FFC];
	_ =	sdelay $0x3  }
0x91: {  	_ =	strace s0  }
0x92: {  	s0 =	sld [smem:$0x3FFD];
	_ =	sdelay $0x3  }
0x93: {  	_ =	strace s0  }
0x94: {  	_ =	strace $0x8FFFFFFF  }
0x95: {  	s16 =	sld [smem:$0x3FDB];
	_ =	sdelay $0x1  }
0x96: {  	s17 =	simm.s32 $_scs_section_size  }
0x97: {  	s2 =	simm.s32 $_size__tile_overlayer_lowered;
	s3 =	simm.s32 $_tile_overlayer_lowered  }
0x98: {  	s20 =	simm.s32 $0x1BFF;
	s19 =	sshll.u32 s3, $0x1;
	s0 =	sadd.s32 s17, s16  }
0x99: {  	s4 =	simm.s32 $0x0;
	s18 =	sshll.u32 s2, $0x1;
	s2 =	sadd.s32 s19, s0  }
0x9a: {  	[timem:s4], [sflag:s20] =	dma.local [hbm:s2], s18  }
0x9b: {  	_ =	swait.ge [sflag:s20], s18  }
0x9c: {  	s1 =	ssub.s32 $0x0, s18;
	[sflag:s20] =	ssyncset.done $0x0  }
0x9d: {  	[sflag:s20] =	ssyncadd.s32 s1;
	_ =	sdelay $0x1  }
0x9e: {  	s21 =	simm.s32 $0x1B8B  }
0x9f: {  	_ =	swait.ge [sflag:s21], $0x1  }
0xa0: {  	[sflag:s21] =	ssyncset.done $0x0  }
0xa1: {  	s23 =	simm.s32 $0x1B8E;
	s22 =	sld [smem:$0x3FFE];
	[sflag:s21] =	ssyncadd.s32 $0xFFFFFFFF  }
0xa2: {  	s24 =	simm.s32 $execute0_lowered;
	[smem:$0x3FD2] =	sst s23  }
0xa3: {  	s2 =	sshll.u32 s24, $0x1;
	_ =	strace $0x80000046;
	[dreg:$0x1] =	wrdreg $0xFFFFFFFF  }
0xa4: {  	s25 =	simm.s32 $_size_execute0_lowered;
	s0 =	sadd.s32 s0, s2;
	[dreg:$0x0] =	wrdreg $0x0  }
0xa5: {  	s2 =	sshll.u32 s25, $0x1;
	[dreg:$0x2] =	wrdreg s0  }
0xa6: {  	[dreg:$0x3] =	wrdreg s2  }
0xa7: {  	[dreg:$0x4] =	wrdreg $0xC0  }
0xa8: {  	_ =	task [dreg:s4], $0x5FFFF  }
0xa9: {  	[dreg:$0x1] =	wrdreg $0xFFFFFFFF  }
0xaa: {  	[dreg:$0x0] =	wrdreg $0x60  }
0xab: {  	[dreg:$0x2] =	wrdreg s22  }
0xac: {  	[dreg:$0x3] =	wrdreg $0x0  }
0xad: {  	[dreg:$0x4] =	wrdreg $0x9  }
0xae: {  	_ =	task.clear_ibuf [dreg:s4], $0x5FFFF;
	_ =	strace $0x90000046  }
0xaf: {  	s26 =	simm.s32 $0x9;
	_ =	strace $0x80000048  }
0xb0: {  	_ =	swait.ge [sflag:s26], $0x1  }
0xb1: {  	[sflag:s26] =	ssyncadd.s32 $0xFFFFFFFF  }
0xb2: {  	_ =	strace $0x90000048  }
0xb3: {  	_ =	sfence  }
0xb4: {  	s28 =	sld [smem:$0x0];
	_ =	sdelay $0x1  }
0xb5: {  	s29 =	srdreg.scid  }
0xb6: {  	s30 =	sshll.u32 s29, $0xD;
	s31 =	sshrl.u32 s29, $0x2  }
0xb7: {  	s1 =	sand.u32 $0x1, s29;
	s2 =	sand.u32 $0x4000, s30;
	s0 =	sadd.s32 s31, s28  }
0xb8: {  	s1 =	sor.u32 s2, s1;
	s0 =	sshll.u32 s0, $0x11  }
0xb9: {  	s0 =	sor.u32 s0, s1  }
0xba: {  	s0 =	sadd.s32 $0x8F2B, s0  }
0xbb: {  	[sflag:s0] =	ssyncadd.remote.s32 $0x1  }
0xbc: {  	_ =	sfence.sel $0xFFFF  }
0xbd: {  	[dreg:$0x0] =	wrdreg $0xFFFFFFFF;
	(pc) =	sbr.abs _section_cstart, $3  }
0xbe: {  	[dreg:$0x1] =	wrdreg $0xFFFFFFFF  }
0xbf: {  	_ =	task.clear_ibuf [dreg:s4], $0x2FFFF;
	_ =	strace $0x9FFFFFFF  }
0xc0: {  	(tm) =	ssettm $0x7FFFFFFF  }
0xc1: {  	_ =	shalt  }
tec
execute0_lowered:
.L_overlay_start_1:
0x0: {  	(tag) =	ssettag $0x1  }
0x1: {  	s7 =	stileid.u32  }
0x2: {  	s2 =	rddreg [dreg:$0x0];
	s0 =	smul.u32 $0xA00, s7  }
0x3: {  	s4 =	rddreg [dreg:$0x1];
	s1 =	simm.s32 $0x0  }
0x4: {  	s5 =	simm.s32 $0x2800;
	[smem:$0x7FF] =	sst s1;
	s3 =	sadd.s32 s0, s2  }
0x5: {  	s6 =	simm.s32 $0x12;
	_ =	strace $0x80000047;
	s0 =	sadd.s32 $0x5800, s3  }
0x6: {  	[tilespmem:s5], [sflag:$0x12] =	stream.linear.gather [hbm4b:s0+s1], $0x5000, $0x38;
	[tilespmem:$0x1F800] =	vst v63  }
0x7: {  	_ =	swait.ge [sflag:s6], $0x5000  }
0x8: {  	s28 =	simm.s32 $0x7800;
	[sflag:s6] =	ssyncset.done $0x0  }
0x9: {  	s3 =	sadd.s32 $0xF800, s3;
	s0 =	smul.u32 $0x2800, s7;
	[sflag:s6] =	ssyncadd.s32 $0xFFFFB000  }
0xa: {  	[tilespmem:s28], [sflag:$0x12] =	stream.linear.gather [hbm4b:s3+s1], $0x5000, $0x38;
	[tilespmem:$0x1F800] =	vst v63  }
0xb: {  	s11 =	sshrl.u32 s0, $0x3;
	_ =	swait.ge [sflag:s6], $0x5000  }
0xc: {  	s29 =	sadd.s32 s11, s2;
	[sflag:s6] =	ssyncset.done $0x0  }
0xd: {  	s30 =	simm.s32 $0x14000;
	s3 =	sadd.s32 $0x800, s29;
	[sflag:s6] =	ssyncadd.s32 $0xFFFFB000  }
0xe: {  	[tilespmem:s30], [sflag:$0x12] =	stream.linear.gather [hbm4b:s3+s1], $0x2800, $0x38;
	[tilespmem:$0x1F800] =	vst v63  }
0xf: {  	_ =	swait.ge [sflag:s6], $0x2800  }
0x10: {  	s31 =	sadd.s32 $0x1E800, s2;
	[sflag:s6] =	ssyncset.done $0x0  }
0x11: {  	v0 =	vimm.f32 $1.000000000e+00;
	v1 =	vimm.f32 $0.0e+00;
	s5 =	sadd.s32 $0x19800, s2;
	[dreg:$0x4] =	wrdreg s31;
	[sflag:s6] =	ssyncadd.s32 $0xFFFFD800  }
.LBB2_1:
0x12: {  	p0 =	sne.s32 s1, $0x1FC0  }
.Ltmp0:
0x13: {  	_ = 	snop;
	(pc) =	sbr.rel @p0 .LBB2_1-.Ltmp0, $4  }
0x14: {  	_ = 	snop  }
0x15: {  	s2 =	sshra.s32 s1, $0x2  }
0x16: {  	[tilespmem:s2+$0x1E800] =	vst v0  }
0x17: {  	s1 =	sadd.s32 $0x40, s1;
	[tilespmem:s2+$0x1F000] =	vst v1  }
0x18: {  	s1 =	simm.s32 $0x0  }
0x19: {  	v0 =	vld [tilespmem:s1+$0x14000]  }
0x1a: {  	s2 =	simm.s32 $0x40  }
.LBB2_3:
0x1b: {  	p0 =	sne.s32 s2, $0x9FC0  }
.Ltmp1:
0x1c: {  	_ = 	snop;
	(pc) =	sbr.rel @p0 .LBB2_3-.Ltmp1, $4  }
0x1d: {  	_ = 	snop  }
0x1e: {  	s3 =	sshra.s32 s2, $0x2;
	s2 =	sadd.s32 $0x40, s2;
	v1 =	vmul.f32 $1.000000010e-01, v0  }
0x1f: {  	v0 =	vld [tilespmem:s3+$0x14000]  }
0x20: {  	[tilespmem:s1+$0xF000] =	vst v1;
	s1 =	smov.u32 s3  }
0x21: {  	_ =	sdelay $0x2  }
0x22: {  	s9 =	smul.u32 $0xA000, s7;
	v0 =	vmul.f32 $1.000000010e-01, v0  }
0x23: {  	s10 =	sadd.s32 s0, s4  }
0x24: {  	s12 =	simm.s32 $0x1F000;
	s2 =	simm.s32 $0x12;
	s0 =	sshrl.u32 s9, $0x2;
	[tilespmem:s1+$0xF000] =	vst v0  }
0x25: {  	[spmem:s10] =	stream.linear.scatter [tilespmem:s12], [sflag:$0x12], $0x800, $0x38;
	[tilespmem:$0x1F800] =	vst v63  }
0x26: {  	s0 =	sadd.s32 s0, s4;
	_ =	swait.ge [sflag:s2], $0x800  }
0x27: {  	s3 =	sadd.s32 $0x800, s0;
	[sflag:s2] =	ssyncset.done $0x0  }
0x28: {  	[dreg:$0x6] =	wrdreg s3;
	[sflag:s2] =	ssyncadd.s32 $0xFFFFF800  }
0x29: {  	[spmem:s3] =	stream.linear.scatter [tilespmem:s12], [sflag:$0x12], $0x800, $0x38;
	[tilespmem:$0x1F800] =	vst v63  }
0x2a: {  	_ =	swait.ge [sflag:s2], $0x800  }
0x2b: {  	s13 =	sadd.s32 $0x1000, s0;
	[sflag:s2] =	ssyncset.done $0x0  }
0x2c: {  	[dreg:$0x7] =	wrdreg s13;
	[sflag:s2] =	ssyncadd.s32 $0xFFFFF800  }
0x2d: {  	[spmem:s13] =	stream.linear.scatter [tilespmem:s12], [sflag:$0x12], $0x800, $0x38;
	[tilespmem:$0x1F800] =	vst v63  }
0x2e: {  	_ =	swait.ge [sflag:s2], $0x800  }
0x2f: {  	s14 =	sadd.s32 $0x1800, s0;
	[sflag:s2] =	ssyncset.done $0x0  }
0x30: {  	[dreg:$0x8] =	wrdreg s14;
	[sflag:s2] =	ssyncadd.s32 $0xFFFFF800  }
0x31: {  	[spmem:s14] =	stream.linear.scatter [tilespmem:s12], [sflag:$0x12], $0x800, $0x38;
	[tilespmem:$0x1F800] =	vst v63  }
0x32: {  	_ =	swait.ge [sflag:s2], $0x800  }
0x33: {  	s0 =	sadd.s32 $0x2000, s0;
	[sflag:s2] =	ssyncset.done $0x0  }
0x34: {  	[dreg:$0x9] =	wrdreg s0;
	[sflag:s2] =	ssyncadd.s32 $0xFFFFF800  }
0x35: {  	[spmem:s0] =	stream.linear.scatter [tilespmem:s12], [sflag:$0x12], $0x800, $0x38;
	[tilespmem:$0x1F800] =	vst v63  }
0x36: {  	_ =	swait.ge [sflag:s2], $0x800  }
0x37: {  	[sflag:s2] =	ssyncset.done $0x0  }
0x38: {  	s15 =	simm.s32 $0x7800;
	[sflag:s2] =	ssyncadd.s32 $0xFFFFF800  }
0x39: {  	s1 =	simm.s32 $0x80;
	s2 =	simm.s32 $0x1E800;
	[bflag:$0x0] =	sbarrier.arrive $0xFFFF  }
0x3a: {  	[spmem:s4] =	stream.indirect.scatter.add.f32 [tilespmem:s2], [sflag:$0x11], $0x10, s15, s1, $0xb8;
	[tilespmem:$0x1F800] =	vst v63  }
0x3b: {  	s16 =	simm.s32 $0x7880  }
0x3c: {  	[spmem:s4] =	stream.indirect.scatter.add.f32 [tilespmem:s2], [sflag:$0x11], $0x10, s16, s1, $0xb8;
	[tilespmem:$0x1F800] =	vst v63  }
0x3d: {  	s17 =	simm.s32 $0x7900  }
0x3e: {  	[spmem:s4] =	stream.indirect.scatter.add.f32 [tilespmem:s2], [sflag:$0x11], $0x10, s17, s1, $0xb8;
	[tilespmem:$0x1F800] =	vst v63  }
0x3f: {  	s18 =	simm.s32 $0x7980  }
0x40: {  	[spmem:s4] =	stream.indirect.scatter.add.f32 [tilespmem:s2], [sflag:$0x11], $0x10, s18, s1, $0xb8;
	[tilespmem:$0x1F800] =	vst v63  }
0x41: {  	s19 =	simm.s32 $0x7A00  }
0x42: {  	[spmem:s4] =	stream.indirect.scatter.add.f32 [tilespmem:s2], [sflag:$0x11], $0x10, s19, s1, $0xb8;
	[tilespmem:$0x1F800] =	vst v63  }
0x43: {  	s20 =	simm.s32 $0x7A80  }
0x44: {  	[spmem:s4] =	stream.indirect.scatter.add.f32 [tilespmem:s2], [sflag:$0x11], $0x10, s20, s1, $0xb8;
	[tilespmem:$0x1F800] =	vst v63  }
0x45: {  	s21 =	simm.s32 $0x7B00  }
0x46: {  	[spmem:s4] =	stream.indirect.scatter.add.f32 [tilespmem:s2], [sflag:$0x11], $0x10, s21, s1, $0xb8;
	[tilespmem:$0x1F800] =	vst v63  }
0x47: {  	s22 =	simm.s32 $0x7B80  }
0x48: {  	[spmem:s4] =	stream.indirect.scatter.add.f32 [tilespmem:s2], [sflag:$0x11], $0x10, s22, s1, $0xb8;
	[tilespmem:$0x1F800] =	vst v63  }
0x49: {  	s23 =	simm.s32 $0x7C00  }
0x4a: {  	[spmem:s4] =	stream.indirect.scatter.add.f32 [tilespmem:s2], [sflag:$0x11], $0x10, s23, s1, $0xb8;
	[tilespmem:$0x1F800] =	vst v63  }
0x4b: {  	s24 =	simm.s32 $0x7C80  }
0x4c: {  	[spmem:s4] =	stream.indirect.scatter.add.f32 [tilespmem:s2], [sflag:$0x11], $0x10, s24, s1, $0xb8;
	[tilespmem:$0x1F800] =	vst v63  }
0x4d: {  	s25 =	simm.s32 $0x7D00  }
0x4e: {  	[spmem:s4] =	stream.indirect.scatter.add.f32 [tilespmem:s2], [sflag:$0x11], $0x10, s25, s1, $0xb8;
	[tilespmem:$0x1F800] =	vst v63  }
0x4f: {  	s26 =	simm.s32 $0x7D80  }
0x50: {  	[spmem:s4] =	stream.indirect.scatter.add.f32 [tilespmem:s2], [sflag:$0x11], $0x10, s26, s1, $0xb8;
	[tilespmem:$0x1F800] =	vst v63  }
0x51: {  	s28 =	simm.s32 $0x7E00  }
0x52: {  	[spmem:s4] =	stream.indirect.scatter.add.f32 [tilespmem:s2], [sflag:$0x11], $0x10, s28, s1, $0xb8;
	[tilespmem:$0x1F800] =	vst v63  }
0x53: {  	s29 =	simm.s32 $0x7E80  }
0x54: {  	[spmem:s4] =	stream.indirect.scatter.add.f32 [tilespmem:s2], [sflag:$0x11], $0x10, s29, s1, $0xb8;
	[tilespmem:$0x1F800] =	vst v63  }
0x55: {  	s30 =	simm.s32 $0x7F00  }
0x56: {  	[spmem:s4] =	stream.indirect.scatter.add.f32 [tilespmem:s2], [sflag:$0x11], $0x10, s30, s1, $0xb8;
	[tilespmem:$0x1F800] =	vst v63  }
0x57: {  	s31 =	simm.s32 $0x7F80;
	s0 =	simm.s32 $0x11  }
0x58: {  	[spmem:s4] =	stream.indirect.scatter.add.f32 [tilespmem:s2], [sflag:$0x11], $0x10, s31, s1, $0xb8;
	[tilespmem:$0x1F800] =	vst v63  }
0x59: {  	_ =	swait.ge [sflag:s0], $0x800  }
0x5a: {  	[sflag:s0] =	ssyncset.done $0x0  }
0x5b: {  	[sflag:s0] =	ssyncadd.s32 $0xFFFFF800  }
0x5c: {  	_ =	swait.ge [sflag:s0], $0x800  }
0x5d: {  	[sflag:s0] =	ssyncset.done $0x0  }
0x5e: {  	[sflag:s0] =	ssyncadd.s32 $0xFFFFF800  }
0x5f: {  	_ =	swait.ge [sflag:s0], $0x800  }
0x60: {  	[sflag:s0] =	ssyncset.done $0x0  }
0x61: {  	[sflag:s0] =	ssyncadd.s32 $0xFFFFF800  }
0x62: {  	_ =	swait.ge [sflag:s0], $0x800  }
0x63: {  	[sflag:s0] =	ssyncset.done $0x0  }
0x64: {  	[sflag:s0] =	ssyncadd.s32 $0xFFFFF800  }
0x65: {  	_ =	swait.ge [sflag:s0], $0x800  }
0x66: {  	[sflag:s0] =	ssyncset.done $0x0  }
0x67: {  	[sflag:s0] =	ssyncadd.s32 $0xFFFFF800  }
0x68: {  	_ =	swait.ge [sflag:s0], $0x800  }
0x69: {  	[sflag:s0] =	ssyncset.done $0x0  }
0x6a: {  	[sflag:s0] =	ssyncadd.s32 $0xFFFFF800  }
0x6b: {  	_ =	swait.ge [sflag:s0], $0x800  }
0x6c: {  	[sflag:s0] =	ssyncset.done $0x0  }
0x6d: {  	[sflag:s0] =	ssyncadd.s32 $0xFFFFF800  }
0x6e: {  	_ =	swait.ge [sflag:s0], $0x800  }
0x6f: {  	[sflag:s0] =	ssyncset.done $0x0  }
0x70: {  	[sflag:s0] =	ssyncadd.s32 $0xFFFFF800  }
0x71: {  	_ =	swait.ge [sflag:s0], $0x800  }
0x72: {  	[sflag:s0] =	ssyncset.done $0x0  }
0x73: {  	[sflag:s0] =	ssyncadd.s32 $0xFFFFF800  }
0x74: {  	_ =	swait.ge [sflag:s0], $0x800  }
0x75: {  	[sflag:s0] =	ssyncset.done $0x0  }
0x76: {  	[sflag:s0] =	ssyncadd.s32 $0xFFFFF800  }
0x77: {  	_ =	swait.ge [sflag:s0], $0x800  }
0x78: {  	[sflag:s0] =	ssyncset.done $0x0  }
0x79: {  	[sflag:s0] =	ssyncadd.s32 $0xFFFFF800  }
0x7a: {  	_ =	swait.ge [sflag:s0], $0x800  }
0x7b: {  	[sflag:s0] =	ssyncset.done $0x0  }
0x7c: {  	[sflag:s0] =	ssyncadd.s32 $0xFFFFF800  }
0x7d: {  	_ =	swait.ge [sflag:s0], $0x800  }
0x7e: {  	[sflag:s0] =	ssyncset.done $0x0  }
0x7f: {  	[sflag:s0] =	ssyncadd.s32 $0xFFFFF800  }
0x80: {  	_ =	swait.ge [sflag:s0], $0x800  }
0x81: {  	[sflag:s0] =	ssyncset.done $0x0  }
0x82: {  	[sflag:s0] =	ssyncadd.s32 $0xFFFFF800  }
0x83: {  	_ =	swait.ge [sflag:s0], $0x800  }
0x84: {  	[sflag:s0] =	ssyncset.done $0x0  }
0x85: {  	[sflag:s0] =	ssyncadd.s32 $0xFFFFF800  }
0x86: {  	_ =	swait.ge [sflag:s0], $0x800  }
0x87: {  	s8 =	simm.s32 $0x4000;
	s7 =	simm.s32 $0x800;
	[sflag:s0] =	ssyncset.done $0x0  }
.LBB2_5:
0x88: {  	s9 =	sadd.s32 $0x7800, s7  }
0x89: {  	[sflag:s0] =	ssyncadd.s32 $0xFFFFF800;
	s6 =	smov.u32 s8;
	s3 =	sadd.s32 $0x2000, s8  }
0x8a: {  	[spmem:s4] =	stream.indirect.scatter.add.f32 [tilespmem:s2], [sflag:$0x11], $0x10, s9, s1, $0xb8;
	[tilespmem:$0x1F800] =	vst v63  }
0x8b: {  	p0 =	sne.s32 s8, $0x12000;
	s8 =	sadd.s32 $0x7880, s7  }
0x8c: {  	[spmem:s4] =	stream.indirect.scatter.add.f32 [tilespmem:s2], [sflag:$0x11], $0x10, s8, s1, $0xb8;
	[tilespmem:$0x1F800] =	vst v63  }
0x8d: {  	s8 =	sadd.s32 $0x7900, s7  }
0x8e: {  	[spmem:s4] =	stream.indirect.scatter.add.f32 [tilespmem:s2], [sflag:$0x11], $0x10, s8, s1, $0xb8;
	[tilespmem:$0x1F800] =	vst v63  }
0x8f: {  	s8 =	sadd.s32 $0x7980, s7  }
0x90: {  	[spmem:s4] =	stream.indirect.scatter.add.f32 [tilespmem:s2], [sflag:$0x11], $0x10, s8, s1, $0xb8;
	[tilespmem:$0x1F800] =	vst v63  }
0x91: {  	s8 =	sadd.s32 $0x7A00, s7  }
0x92: {  	[spmem:s4] =	stream.indirect.scatter.add.f32 [tilespmem:s2], [sflag:$0x11], $0x10, s8, s1, $0xb8;
	[tilespmem:$0x1F800] =	vst v63  }
0x93: {  	s8 =	sadd.s32 $0x7A80, s7  }
0x94: {  	[spmem:s4] =	stream.indirect.scatter.add.f32 [tilespmem:s2], [sflag:$0x11], $0x10, s8, s1, $0xb8;
	[tilespmem:$0x1F800] =	vst v63  }
0x95: {  	s8 =	sadd.s32 $0x7B00, s7  }
0x96: {  	[spmem:s4] =	stream.indirect.scatter.add.f32 [tilespmem:s2], [sflag:$0x11], $0x10, s8, s1, $0xb8;
	[tilespmem:$0x1F800] =	vst v63  }
0x97: {  	s8 =	sadd.s32 $0x7B80, s7  }
0x98: {  	[spmem:s4] =	stream.indirect.scatter.add.f32 [tilespmem:s2], [sflag:$0x11], $0x10, s8, s1, $0xb8;
	[tilespmem:$0x1F800] =	vst v63  }
0x99: {  	s8 =	sadd.s32 $0x7C00, s7  }
0x9a: {  	[spmem:s4] =	stream.indirect.scatter.add.f32 [tilespmem:s2], [sflag:$0x11], $0x10, s8, s1, $0xb8;
	[tilespmem:$0x1F800] =	vst v63  }
0x9b: {  	s8 =	sadd.s32 $0x7C80, s7  }
0x9c: {  	[spmem:s4] =	stream.indirect.scatter.add.f32 [tilespmem:s2], [sflag:$0x11], $0x10, s8, s1, $0xb8;
	[tilespmem:$0x1F800] =	vst v63  }
0x9d: {  	s8 =	sadd.s32 $0x7D00, s7  }
0x9e: {  	[spmem:s4] =	stream.indirect.scatter.add.f32 [tilespmem:s2], [sflag:$0x11], $0x10, s8, s1, $0xb8;
	[tilespmem:$0x1F800] =	vst v63  }
0x9f: {  	s8 =	sadd.s32 $0x7D80, s7  }
0xa0: {  	[spmem:s4] =	stream.indirect.scatter.add.f32 [tilespmem:s2], [sflag:$0x11], $0x10, s8, s1, $0xb8;
	[tilespmem:$0x1F800] =	vst v63  }
0xa1: {  	s8 =	sadd.s32 $0x7E00, s7  }
0xa2: {  	[spmem:s4] =	stream.indirect.scatter.add.f32 [tilespmem:s2], [sflag:$0x11], $0x10, s8, s1, $0xb8;
	[tilespmem:$0x1F800] =	vst v63  }
0xa3: {  	s8 =	sadd.s32 $0x7E80, s7  }
0xa4: {  	[spmem:s4] =	stream.indirect.scatter.add.f32 [tilespmem:s2], [sflag:$0x11], $0x10, s8, s1, $0xb8;
	[tilespmem:$0x1F800] =	vst v63  }
0xa5: {  	s8 =	sadd.s32 $0x7F00, s7  }
0xa6: {  	[spmem:s4] =	stream.indirect.scatter.add.f32 [tilespmem:s2], [sflag:$0x11], $0x10, s8, s1, $0xb8;
	[tilespmem:$0x1F800] =	vst v63  }
0xa7: {  	s7 =	sadd.s32 $0x7F80, s7  }
0xa8: {  	[spmem:s4] =	stream.indirect.scatter.add.f32 [tilespmem:s2], [sflag:$0x11], $0x10, s7, s1, $0xb8;
	[tilespmem:$0x1F800] =	vst v63  }
0xa9: {  	_ =	swait.ge [sflag:s0], $0x800  }
0xaa: {  	[sflag:s0] =	ssyncset.done $0x0  }
0xab: {  	[sflag:s0] =	ssyncadd.s32 $0xFFFFF800  }
0xac: {  	_ =	swait.ge [sflag:s0], $0x800  }
0xad: {  	[sflag:s0] =	ssyncset.done $0x0  }
0xae: {  	[sflag:s0] =	ssyncadd.s32 $0xFFFFF800  }
0xaf: {  	_ =	swait.ge [sflag:s0], $0x800  }
0xb0: {  	[sflag:s0] =	ssyncset.done $0x0  }
0xb1: {  	[sflag:s0] =	ssyncadd.s32 $0xFFFFF800  }
0xb2: {  	_ =	swait.ge [sflag:s0], $0x800  }
0xb3: {  	[sflag:s0] =	ssyncset.done $0x0  }
0xb4: {  	[sflag:s0] =	ssyncadd.s32 $0xFFFFF800  }
0xb5: {  	_ =	swait.ge [sflag:s0], $0x800  }
0xb6: {  	[sflag:s0] =	ssyncset.done $0x0  }
0xb7: {  	[sflag:s0] =	ssyncadd.s32 $0xFFFFF800  }
0xb8: {  	_ =	swait.ge [sflag:s0], $0x800  }
0xb9: {  	[sflag:s0] =	ssyncset.done $0x0  }
0xba: {  	[sflag:s0] =	ssyncadd.s32 $0xFFFFF800  }
0xbb: {  	_ =	swait.ge [sflag:s0], $0x800  }
0xbc: {  	[sflag:s0] =	ssyncset.done $0x0  }
0xbd: {  	[sflag:s0] =	ssyncadd.s32 $0xFFFFF800  }
0xbe: {  	_ =	swait.ge [sflag:s0], $0x800  }
0xbf: {  	[sflag:s0] =	ssyncset.done $0x0  }
0xc0: {  	[sflag:s0] =	ssyncadd.s32 $0xFFFFF800  }
0xc1: {  	_ =	swait.ge [sflag:s0], $0x800  }
0xc2: {  	[sflag:s0] =	ssyncset.done $0x0  }
0xc3: {  	[sflag:s0] =	ssyncadd.s32 $0xFFFFF800  }
0xc4: {  	_ =	swait.ge [sflag:s0], $0x800  }
0xc5: {  	[sflag:s0] =	ssyncset.done $0x0  }
0xc6: {  	[sflag:s0] =	ssyncadd.s32 $0xFFFFF800  }
0xc7: {  	_ =	swait.ge [sflag:s0], $0x800  }
0xc8: {  	[sflag:s0] =	ssyncset.done $0x0  }
0xc9: {  	[sflag:s0] =	ssyncadd.s32 $0xFFFFF800  }
0xca: {  	_ =	swait.ge [sflag:s0], $0x800  }
0xcb: {  	[sflag:s0] =	ssyncset.done $0x0  }
0xcc: {  	[sflag:s0] =	ssyncadd.s32 $0xFFFFF800  }
0xcd: {  	_ =	swait.ge [sflag:s0], $0x800  }
0xce: {  	[sflag:s0] =	ssyncset.done $0x0  }
0xcf: {  	[sflag:s0] =	ssyncadd.s32 $0xFFFFF800  }
0xd0: {  	_ =	swait.ge [sflag:s0], $0x800  }
0xd1: {  	[sflag:s0] =	ssyncset.done $0x0  }
0xd2: {  	[sflag:s0] =	ssyncadd.s32 $0xFFFFF800  }
.Ltmp2:
0xd3: {  	_ =	swait.ge [sflag:s0], $0x800;
	(pc) =	sbr.rel @p0 .LBB2_5-.Ltmp2, $4  }
0xd4: {  	[sflag:s0] =	ssyncset.done $0x0  }
0xd5: {  	[sflag:s0] =	ssyncadd.s32 $0xFFFFF800  }
0xd6: {  	_ =	swait.ge [sflag:s0], $0x800  }
0xd7: {  	s8 =	smov.u32 s3;
	s7 =	sshra.s32 s6, $0x2;
	[sflag:s0] =	ssyncset.done $0x0  }
0xd8: {  	s3 =	sadd.s32 $0x7800, s7;
	[sflag:s0] =	ssyncadd.s32 $0xFFFFF800  }
0xd9: {  	[spmem:s4] =	stream.indirect.scatter.add.f32 [tilespmem:s2], [sflag:$0x11], $0x10, s3, s1, $0xb8;
	[tilespmem:$0x1F800] =	vst v63  }
0xda: {  	s14 =	sadd.s32 $0x7880, s7  }
0xdb: {  	[spmem:s4] =	stream.indirect.scatter.add.f32 [tilespmem:s2], [sflag:$0x11], $0x10, s14, s1, $0xb8;
	[tilespmem:$0x1F800] =	vst v63  }
0xdc: {  	s15 =	sadd.s32 $0x7900, s7  }
0xdd: {  	[spmem:s4] =	stream.indirect.scatter.add.f32 [tilespmem:s2], [sflag:$0x11], $0x10, s15, s1, $0xb8;
	[tilespmem:$0x1F800] =	vst v63  }
0xde: {  	s16 =	sadd.s32 $0x7980, s7  }
0xdf: {  	[spmem:s4] =	stream.indirect.scatter.add.f32 [tilespmem:s2], [sflag:$0x11], $0x10, s16, s1, $0xb8;
	[tilespmem:$0x1F800] =	vst v63  }
0xe0: {  	s17 =	sadd.s32 $0x7A00, s7  }
0xe1: {  	[spmem:s4] =	stream.indirect.scatter.add.f32 [tilespmem:s2], [sflag:$0x11], $0x10, s17, s1, $0xb8;
	[tilespmem:$0x1F800] =	vst v63  }
0xe2: {  	s18 =	sadd.s32 $0x7A80, s7  }
0xe3: {  	[spmem:s4] =	stream.indirect.scatter.add.f32 [tilespmem:s2], [sflag:$0x11], $0x10, s18, s1, $0xb8;
	[tilespmem:$0x1F800] =	vst v63  }
0xe4: {  	s19 =	sadd.s32 $0x7B00, s7  }
0xe5: {  	[spmem:s4] =	stream.indirect.scatter.add.f32 [tilespmem:s2], [sflag:$0x11], $0x10, s19, s1, $0xb8;
	[tilespmem:$0x1F800] =	vst v63  }
0xe6: {  	s20 =	sadd.s32 $0x7B80, s7  }
0xe7: {  	[spmem:s4] =	stream.indirect.scatter.add.f32 [tilespmem:s2], [sflag:$0x11], $0x10, s20, s1, $0xb8;
	[tilespmem:$0x1F800] =	vst v63  }
0xe8: {  	s21 =	sadd.s32 $0x7C00, s7  }
0xe9: {  	[spmem:s4] =	stream.indirect.scatter.add.f32 [tilespmem:s2], [sflag:$0x11], $0x10, s21, s1, $0xb8;
	[tilespmem:$0x1F800] =	vst v63  }
0xea: {  	s22 =	sadd.s32 $0x7C80, s7  }
0xeb: {  	[spmem:s4] =	stream.indirect.scatter.add.f32 [tilespmem:s2], [sflag:$0x11], $0x10, s22, s1, $0xb8;
	[tilespmem:$0x1F800] =	vst v63  }
0xec: {  	s23 =	sadd.s32 $0x7D00, s7  }
0xed: {  	[spmem:s4] =	stream.indirect.scatter.add.f32 [tilespmem:s2], [sflag:$0x11], $0x10, s23, s1, $0xb8;
	[tilespmem:$0x1F800] =	vst v63  }
0xee: {  	s24 =	sadd.s32 $0x7D80, s7  }
0xef: {  	[spmem:s4] =	stream.indirect.scatter.add.f32 [tilespmem:s2], [sflag:$0x11], $0x10, s24, s1, $0xb8;
	[tilespmem:$0x1F800] =	vst v63  }
0xf0: {  	s25 =	sadd.s32 $0x7E00, s7  }
0xf1: {  	[spmem:s4] =	stream.indirect.scatter.add.f32 [tilespmem:s2], [sflag:$0x11], $0x10, s25, s1, $0xb8;
	[tilespmem:$0x1F800] =	vst v63  }
0xf2: {  	s26 =	sadd.s32 $0x7E80, s7  }
0xf3: {  	[spmem:s4] =	stream.indirect.scatter.add.f32 [tilespmem:s2], [sflag:$0x11], $0x10, s26, s1, $0xb8;
	[tilespmem:$0x1F800] =	vst v63  }
0xf4: {  	s28 =	sadd.s32 $0x7F00, s7  }
0xf5: {  	[spmem:s4] =	stream.indirect.scatter.add.f32 [tilespmem:s2], [sflag:$0x11], $0x10, s28, s1, $0xb8;
	[tilespmem:$0x1F800] =	vst v63  }
0xf6: {  	s29 =	sadd.s32 $0x7F80, s7  }
0xf7: {  	[spmem:s4] =	stream.indirect.scatter.add.f32 [tilespmem:s2], [sflag:$0x11], $0x10, s29, s1, $0xb8;
	[tilespmem:$0x1F800] =	vst v63  }
0xf8: {  	_ =	swait.ge [sflag:s0], $0x800  }
0xf9: {  	[sflag:s0] =	ssyncset.done $0x0  }
0xfa: {  	[sflag:s0] =	ssyncadd.s32 $0xFFFFF800  }
0xfb: {  	_ =	swait.ge [sflag:s0], $0x800  }
0xfc: {  	[sflag:s0] =	ssyncset.done $0x0  }
0xfd: {  	[sflag:s0] =	ssyncadd.s32 $0xFFFFF800  }
0xfe: {  	_ =	swait.ge [sflag:s0], $0x800  }
0xff: {  	[sflag:s0] =	ssyncset.done $0x0  }
0x100: {  	[sflag:s0] =	ssyncadd.s32 $0xFFFFF800  }
0x101: {  	_ =	swait.ge [sflag:s0], $0x800  }
0x102: {  	[sflag:s0] =	ssyncset.done $0x0  }
0x103: {  	[sflag:s0] =	ssyncadd.s32 $0xFFFFF800  }
0x104: {  	_ =	swait.ge [sflag:s0], $0x800  }
0x105: {  	[sflag:s0] =	ssyncset.done $0x0  }
0x106: {  	[sflag:s0] =	ssyncadd.s32 $0xFFFFF800  }
0x107: {  	_ =	swait.ge [sflag:s0], $0x800  }
0x108: {  	[sflag:s0] =	ssyncset.done $0x0  }
0x109: {  	[sflag:s0] =	ssyncadd.s32 $0xFFFFF800  }
0x10a: {  	_ =	swait.ge [sflag:s0], $0x800  }
0x10b: {  	[sflag:s0] =	ssyncset.done $0x0  }
0x10c: {  	[sflag:s0] =	ssyncadd.s32 $0xFFFFF800  }
0x10d: {  	_ =	swait.ge [sflag:s0], $0x800  }
0x10e: {  	[sflag:s0] =	ssyncset.done $0x0  }
0x10f: {  	[sflag:s0] =	ssyncadd.s32 $0xFFFFF800  }
0x110: {  	_ =	swait.ge [sflag:s0], $0x800  }
0x111: {  	[sflag:s0] =	ssyncset.done $0x0  }
0x112: {  	[sflag:s0] =	ssyncadd.s32 $0xFFFFF800  }
0x113: {  	_ =	swait.ge [sflag:s0], $0x800  }
0x114: {  	[sflag:s0] =	ssyncset.done $0x0  }
0x115: {  	[sflag:s0] =	ssyncadd.s32 $0xFFFFF800  }
0x116: {  	_ =	swait.ge [sflag:s0], $0x800  }
0x117: {  	[sflag:s0] =	ssyncset.done $0x0  }
0x118: {  	[sflag:s0] =	ssyncadd.s32 $0xFFFFF800  }
0x119: {  	_ =	swait.ge [sflag:s0], $0x800  }
0x11a: {  	[sflag:s0] =	ssyncset.done $0x0  }
0x11b: {  	[sflag:s0] =	ssyncadd.s32 $0xFFFFF800  }
0x11c: {  	_ =	swait.ge [sflag:s0], $0x800  }
0x11d: {  	[sflag:s0] =	ssyncset.done $0x0  }
0x11e: {  	[sflag:s0] =	ssyncadd.s32 $0xFFFFF800  }
0x11f: {  	_ =	swait.ge [sflag:s0], $0x800  }
0x120: {  	[sflag:s0] =	ssyncset.done $0x0  }
0x121: {  	[sflag:s0] =	ssyncadd.s32 $0xFFFFF800  }
0x122: {  	_ =	swait.ge [sflag:s0], $0x800  }
0x123: {  	[sflag:s0] =	ssyncset.done $0x0  }
0x124: {  	[sflag:s0] =	ssyncadd.s32 $0xFFFFF800  }
0x125: {  	_ =	swait.ge [sflag:s0], $0x800  }
0x126: {  	[sflag:s0] =	ssyncset.done $0x0  }
0x127: {  	[sflag:s0] =	ssyncadd.s32 $0xFFFFF800  }
0x128: {  	s30 =	simm.s32 $0x11800;
	s31 =	simm.s32 $0x12;
	[bflag:$0x0] =	sbarrier.arrive $0xFFFF  }
0x129: {  	[tilespmem:s30], [sflag:$0x12] =	stream.linear.gather [spmem:s10], $0x2800, $0x38;
	[tilespmem:$0x1F800] =	vst v63  }
0x12a: {  	_ =	swait.ge [sflag:s31], $0x2800  }
0x12b: {  	[sflag:s31] =	ssyncset.done $0x0  }
0x12c: {  	s1 =	simm.s32 $0x40;
	s0 =	simm.s32 $0x0;
	[sflag:s31] =	ssyncadd.s32 $0xFFFFD800  }
.LBB2_7:
0x12d: {  	p0 =	sne.s32 s1, $0x9FC0;
	v0 =	vld [tilespmem:s0+$0x11800];
	_ =	sdelay $0x4  }
0x12e: {  	v0 =	vadd.f32 $1.000000000e+00, v0;
	_ =	sdelay $0x1  }
0x12f: {  	v1 =	vshra.s32 v0, $0x1;
	v0 =	vmul.f32 $5.000000000e-01, v0  }
0x130: {  	v1 =	vsub.s32 $0x5F3759DF, v1  }
0x131: {  	v2 =	vmul.f32 v1, v0;
	_ =	sdelay $0x1  }
0x132: {  	v2 =	vmul.f32 v1, v2;
	_ =	sdelay $0x1  }
0x133: {  	v2 =	vsub.f32 $1.500000000e+00, v2;
	_ =	sdelay $0x1  }
0x134: {  	v1 =	vmul.f32 v1, v2;
	_ =	sdelay $0x1  }
0x135: {  	v2 =	vmul.f32 v1, v0;
	_ =	sdelay $0x1  }
0x136: {  	v2 =	vmul.f32 v2, v1;
	_ =	sdelay $0x1  }
0x137: {  	v2 =	vsub.f32 $1.500000000e+00, v2;
	_ =	sdelay $0x1  }
0x138: {  	v1 =	vmul.f32 v2, v1;
	_ =	sdelay $0x1  }
0x139: {  	v0 =	vmul.f32 v1, v0  }
0x13a: {  	v2 =	vld [tilespmem:s0+$0xF000]  }
0x13b: {  	v0 =	vmul.f32 v0, v1;
	_ =	sdelay $0x1  }
0x13c: {  	v0 =	vsub.f32 $1.500000000e+00, v0;
	_ =	sdelay $0x1  }
.Ltmp3:
0x13d: {  	v0 =	vmul.f32 v0, v1;
	v1 =	vmul.f32 $1.000000000e+01, v2;
	(pc) =	sbr.rel @p0 .LBB2_7-.Ltmp3, $3  }
0x13e: {  	_ = 	snop  }
0x13f: {  	[tilespmem:s0+$0xC800] =	vst v0;
	v0 =	vmul.f32 v0, v1;
	_ =	sdelay $0x1  }
0x140: {  	[tilespmem:s0+$0x11800] =	vst v0;
	s0 =	sshra.s32 s1, $0x2;
	s1 =	sadd.s32 $0x40, s1  }
0x141: {  	v0 =	vld [tilespmem:s0+$0x11800];
	_ =	sdelay $0x4  }
0x142: {  	v0 =	vadd.f32 $1.000000000e+00, v0;
	_ =	sdelay $0x1  }
0x143: {  	v1 =	vshra.s32 v0, $0x1;
	v0 =	vmul.f32 $5.000000000e-01, v0  }
0x144: {  	v1 =	vsub.s32 $0x5F3759DF, v1  }
0x145: {  	v2 =	vmul.f32 v1, v0;
	_ =	sdelay $0x1  }
0x146: {  	v2 =	vmul.f32 v1, v2;
	_ =	sdelay $0x1  }
0x147: {  	v2 =	vsub.f32 $1.500000000e+00, v2;
	_ =	sdelay $0x1  }
0x148: {  	v1 =	vmul.f32 v1, v2;
	_ =	sdelay $0x1  }
0x149: {  	v2 =	vmul.f32 v1, v0;
	_ =	sdelay $0x1  }
0x14a: {  	v2 =	vmul.f32 v2, v1;
	_ =	sdelay $0x1  }
0x14b: {  	v2 =	vsub.f32 $1.500000000e+00, v2;
	_ =	sdelay $0x1  }
0x14c: {  	v1 =	vmul.f32 v2, v1;
	_ =	sdelay $0x1  }
0x14d: {  	v0 =	vmul.f32 v1, v0  }
0x14e: {  	v62 =	vld [tilespmem:s0+$0xF000]  }
0x14f: {  	v0 =	vmul.f32 v0, v1;
	_ =	sdelay $0x1  }
0x150: {  	v0 =	vsub.f32 $1.500000000e+00, v0;
	_ =	sdelay $0x1  }
0x151: {  	v63 =	vmul.f32 $1.000000000e+01, v62;
	v0 =	vmul.f32 v0, v1;
	_ =	sdelay $0x1  }
0x152: {  	v1 =	vmul.f32 v0, v63  }
0x153: {  	[dreg:$0x3] =	wrdreg s11;
	s20 =	sadd.s32 s5, s11;
	s22 =	simm.s32 $0x0;
	[tilespmem:s0+$0xC800] =	vst v0  }
0x154: {  	s1 =	simm.s32 $0x11800;
	s21 =	simm.s32 $0x12;
	[dreg:$0xa] =	wrdreg s20;
	[tilespmem:s0+$0x11800] =	vst v1  }
0x155: {  	[hbm4b:s20+s22] =	stream.linear.scatter [tilespmem:s1], [sflag:$0x12], $0x2800, $0x38;
	[tilespmem:$0x1F800] =	vst v63  }
0x156: {  	_ =	swait.ge [sflag:s21], $0x2800  }
0x157: {  	[sflag:s21] =	ssyncset.done $0x0  }
0x158: {  	s2 =	simm.s32 $0x1F000;
	[sflag:s21] =	ssyncadd.s32 $0xFFFFD800  }
0x159: {  	[spmem:s10] =	stream.linear.scatter [tilespmem:s2], [sflag:$0x12], $0x800, $0x38;
	[tilespmem:$0x1F800] =	vst v63  }
0x15a: {  	_ =	swait.ge [sflag:s21], $0x800  }
0x15b: {  	s16 =	simm.s32 $0x80;
	[sflag:s21] =	ssyncset.done $0x0  }
0x15c: {  	s28 =	simm.s32 $0x17000;
	s23 =	rddreg [dreg:$0x6];
	[sflag:s21] =	ssyncadd.s32 $0xFFFFF800  }
0x15d: {  	[spmem:s23] =	stream.linear.scatter [tilespmem:s2], [sflag:$0x12], $0x800, $0x38;
	[tilespmem:$0x1F800] =	vst v63  }
0x15e: {  	s29 =	simm.s32 $0x18000;
	s30 =	simm.s32 $0x18800;
	_ =	swait.ge [sflag:s21], $0x800  }
0x15f: {  	s3 =	simm.s32 $0x19800;
	s13 =	simm.s32 $0x1B000;
	[sflag:s21] =	ssyncset.done $0x0  }
0x160: {  	s7 =	simm.s32 $0x1B800;
	s24 =	rddreg [dreg:$0x7];
	[sflag:s21] =	ssyncadd.s32 $0xFFFFF800  }
0x161: {  	[spmem:s24] =	stream.linear.scatter [tilespmem:s2], [sflag:$0x12], $0x800, $0x38;
	[tilespmem:$0x1F800] =	vst v63  }
0x162: {  	s11 =	simm.s32 $0x1C000;
	s6 =	simm.s32 $0x1C800;
	_ =	swait.ge [sflag:s21], $0x800  }
0x163: {  	s9 =	simm.s32 $0x1D800;
	s8 =	simm.s32 $0x1E000;
	[sflag:s21] =	ssyncset.done $0x0  }
0x164: {  	s15 =	simm.s32 $0x1;
	s25 =	rddreg [dreg:$0x8];
	[sflag:s21] =	ssyncadd.s32 $0xFFFFF800  }
0x165: {  	[spmem:s25] =	stream.linear.scatter [tilespmem:s2], [sflag:$0x12], $0x800, $0x38;
	[tilespmem:$0x1F800] =	vst v63  }
0x166: {  	s12 =	simm.s32 $0x2;
	s14 =	simm.s32 $0x3;
	_ =	swait.ge [sflag:s21], $0x800  }
0x167: {  	s17 =	simm.s32 $0x4;
	s18 =	simm.s32 $0x5;
	[sflag:s21] =	ssyncset.done $0x0  }
0x168: {  	s19 =	simm.s32 $0x6;
	s26 =	rddreg [dreg:$0x9];
	[sflag:s21] =	ssyncadd.s32 $0xFFFFF800  }
0x169: {  	[spmem:s26] =	stream.linear.scatter [tilespmem:s2], [sflag:$0x12], $0x800, $0x38;
	[tilespmem:$0x1F800] =	vst v63  }
0x16a: {  	s31 =	simm.s32 $0x8;
	s0 =	simm.s32 $0x1A000;
	_ =	swait.ge [sflag:s21], $0x800  }
0x16b: {  	s1 =	simm.s32 $0x19000;
	s20 =	simm.s32 $0x7;
	[sflag:s21] =	ssyncset.done $0x0  }
0x16c: {  	s23 =	simm.s32 $0x16800;
	s24 =	simm.s32 $0x17800;
	[sflag:s21] =	ssyncadd.s32 $0xFFFFF800  }
0x16d: {  	s25 =	simm.s32 $0x1D000;
	s2 =	simm.s32 $0x1A800;
	[bflag:$0x0] =	sbarrier.arrive $0xFFFF  }
0x16e: {  	s26 =	simm.s32 $0x9;
	s21 =	simm.s32 $0x11;
	[dreg:$0x5] =	wrdreg s10  }
.LBB2_9:
0x16f: {  	s10 =	simm.s32 $0x2800  }
0x170: {  	[tilespmem:s23], [sflag:$0x1] =	stream.indirect.gather [hbm4b:s5+s16], $0x10, s10, s16, $0xb8;
	[tilespmem:$0x1F800] =	vst v63  }
0x171: {  	s10 =	simm.s32 $0x2880  }
0x172: {  	[tilespmem:s28], [sflag:$0x2] =	stream.indirect.gather [hbm4b:s5+s16], $0x10, s10, s16, $0xb8;
	[tilespmem:$0x1F800] =	vst v63  }
0x173: {  	s10 =	simm.s32 $0x2900  }
0x174: {  	[tilespmem:s24], [sflag:$0x3] =	stream.indirect.gather [hbm4b:s5+s16], $0x10, s10, s16, $0xb8;
	[tilespmem:$0x1F800] =	vst v63  }
0x175: {  	s10 =	simm.s32 $0x2980  }
0x176: {  	[tilespmem:s29], [sflag:$0x4] =	stream.indirect.gather [hbm4b:s5+s16], $0x10, s10, s16, $0xb8;
	[tilespmem:$0x1F800] =	vst v63  }
0x177: {  	s10 =	simm.s32 $0x2A00  }
0x178: {  	[tilespmem:s30], [sflag:$0x5] =	stream.indirect.gather [hbm4b:s5+s16], $0x10, s10, s16, $0xb8;
	[tilespmem:$0x1F800] =	vst v63  }
0x179: {  	s10 =	simm.s32 $0x2A80  }
0x17a: {  	[tilespmem:s1], [sflag:$0x6] =	stream.indirect.gather [hbm4b:s5+s16], $0x10, s10, s16, $0xb8;
	[tilespmem:$0x1F800] =	vst v63  }
0x17b: {  	s10 =	simm.s32 $0x2B00  }
0x17c: {  	[tilespmem:s3], [sflag:$0x7] =	stream.indirect.gather [hbm4b:s5+s16], $0x10, s10, s16, $0xb8;
	[tilespmem:$0x1F800] =	vst v63  }
0x17d: {  	s10 =	simm.s32 $0x2B80  }
0x17e: {  	[tilespmem:s0], [sflag:$0x8] =	stream.indirect.gather [hbm4b:s5+s16], $0x10, s10, s16, $0xb8;
	[tilespmem:$0x1F800] =	vst v63  }
0x17f: {  	s10 =	simm.s32 $0x2C00  }
0x180: {  	[tilespmem:s2], [sflag:$0x9] =	stream.indirect.gather [hbm4b:s5+s16], $0x10, s10, s16, $0xb8;
	[tilespmem:$0x1F800] =	vst v63  }
0x181: {  	s10 =	simm.s32 $0x2C80  }
0x182: {  	[tilespmem:s13], [sflag:$0xA] =	stream.indirect.gather [hbm4b:s5+s16], $0x10, s10, s16, $0xb8;
	[tilespmem:$0x1F800] =	vst v63  }
0x183: {  	s10 =	simm.s32 $0x2D00  }
0x184: {  	[tilespmem:s7], [sflag:$0xB] =	stream.indirect.gather [hbm4b:s5+s16], $0x10, s10, s16, $0xb8;
	[tilespmem:$0x1F800] =	vst v63  }
0x185: {  	s10 =	simm.s32 $0x2D80  }
0x186: {  	[tilespmem:s11], [sflag:$0xC] =	stream.indirect.gather [hbm4b:s5+s16], $0x10, s10, s16, $0xb8;
	[tilespmem:$0x1F800] =	vst v63  }
0x187: {  	s10 =	simm.s32 $0x2E00  }
0x188: {  	[tilespmem:s6], [sflag:$0xD] =	stream.indirect.gather [hbm4b:s5+s16], $0x10, s10, s16, $0xb8;
	[tilespmem:$0x1F800] =	vst v63  }
0x189: {  	s10 =	simm.s32 $0x2E80  }
0x18a: {  	[tilespmem:s25], [sflag:$0xE] =	stream.indirect.gather [hbm4b:s5+s16], $0x10, s10, s16, $0xb8;
	[tilespmem:$0x1F800] =	vst v63  }
0x18b: {  	s10 =	simm.s32 $0x2F00  }
0x18c: {  	[tilespmem:s9], [sflag:$0xF] =	stream.indirect.gather [hbm4b:s5+s16], $0x10, s10, s16, $0xb8;
	[tilespmem:$0x1F800] =	vst v63  }
0x18d: {  	[dreg:$0xb] =	wrdreg s22;
	s10 =	simm.s32 $0x2F80  }
0x18e: {  	[tilespmem:s8], [sflag:$0x10] =	stream.indirect.gather [hbm4b:s5+s16], $0x10, s10, s16, $0xb8;
	[tilespmem:$0x1F800] =	vst v63  }
0x18f: {  	_ =	swait.ge [sflag:s15], $0x800  }
0x190: {  	[sflag:s15] =	ssyncset.done $0x0  }
0x191: {  	s10 =	simm.s32 $0x7800;
	[sflag:s15] =	ssyncadd.s32 $0xFFFFF800  }
0x192: {  	[spmem:s4] =	stream.indirect.scatter.add.f32 [tilespmem:s23], [sflag:$0x11], $0x10, s10, s16, $0xb8;
	[tilespmem:$0x1F800] =	vst v63  }
0x193: {  	_ =	swait.ge [sflag:s12], $0x800  }
0x194: {  	[sflag:s12] =	ssyncset.done $0x0  }
0x195: {  	s15 =	simm.s32 $0x7880;
	[sflag:s12] =	ssyncadd.s32 $0xFFFFF800  }
0x196: {  	[spmem:s4] =	stream.indirect.scatter.add.f32 [tilespmem:s28], [sflag:$0x11], $0x10, s15, s16, $0xb8;
	[tilespmem:$0x1F800] =	vst v63  }
0x197: {  	_ =	swait.ge [sflag:s14], $0x800  }
0x198: {  	[sflag:s14] =	ssyncset.done $0x0  }
0x199: {  	s23 =	simm.s32 $0x7900;
	[sflag:s14] =	ssyncadd.s32 $0xFFFFF800  }
0x19a: {  	[spmem:s4] =	stream.indirect.scatter.add.f32 [tilespmem:s24], [sflag:$0x11], $0x10, s23, s16, $0xb8;
	[tilespmem:$0x1F800] =	vst v63  }
0x19b: {  	_ =	swait.ge [sflag:s17], $0x800  }
0x19c: {  	[sflag:s17] =	ssyncset.done $0x0  }
0x19d: {  	s28 =	simm.s32 $0x7980;
	[sflag:s17] =	ssyncadd.s32 $0xFFFFF800  }
0x19e: {  	[spmem:s4] =	stream.indirect.scatter.add.f32 [tilespmem:s29], [sflag:$0x11], $0x10, s28, s16, $0xb8;
	[tilespmem:$0x1F800] =	vst v63  }
0x19f: {  	_ =	swait.ge [sflag:s18], $0x800  }
0x1a0: {  	[sflag:s18] =	ssyncset.done $0x0  }
0x1a1: {  	s29 =	simm.s32 $0x7A00;
	[sflag:s18] =	ssyncadd.s32 $0xFFFFF800  }
0x1a2: {  	[spmem:s4] =	stream.indirect.scatter.add.f32 [tilespmem:s30], [sflag:$0x11], $0x10, s29, s16, $0xb8;
	[tilespmem:$0x1F800] =	vst v63  }
0x1a3: {  	_ =	swait.ge [sflag:s19], $0x800  }
0x1a4: {  	[sflag:s19] =	ssyncset.done $0x0  }
0x1a5: {  	s30 =	simm.s32 $0x7A80;
	[sflag:s19] =	ssyncadd.s32 $0xFFFFF800  }
0x1a6: {  	[spmem:s4] =	stream.indirect.scatter.add.f32 [tilespmem:s1], [sflag:$0x11], $0x10, s30, s16, $0xb8;
	[tilespmem:$0x1F800] =	vst v63  }
0x1a7: {  	_ =	swait.ge [sflag:s20], $0x800  }
0x1a8: {  	[sflag:s20] =	ssyncset.done $0x0  }
0x1a9: {  	s1 =	simm.s32 $0x7B00;
	[sflag:s20] =	ssyncadd.s32 $0xFFFFF800  }
0x1aa: {  	[spmem:s4] =	stream.indirect.scatter.add.f32 [tilespmem:s3], [sflag:$0x11], $0x10, s1, s16, $0xb8;
	[tilespmem:$0x1F800] =	vst v63  }
0x1ab: {  	_ =	swait.ge [sflag:s31], $0x800  }
0x1ac: {  	[sflag:s31] =	ssyncset.done $0x0  }
0x1ad: {  	s10 =	simm.s32 $0x7B80;
	[sflag:s31] =	ssyncadd.s32 $0xFFFFF800  }
0x1ae: {  	[spmem:s4] =	stream.indirect.scatter.add.f32 [tilespmem:s0], [sflag:$0x11], $0x10, s10, s16, $0xb8;
	[tilespmem:$0x1F800] =	vst v63  }
0x1af: {  	_ =	swait.ge [sflag:s26], $0x800  }
0x1b0: {  	[sflag:s26] =	ssyncset.done $0x0  }
0x1b1: {  	s12 =	simm.s32 $0x7C00;
	s14 =	simm.s32 $0xA;
	[sflag:s26] =	ssyncadd.s32 $0xFFFFF800  }
0x1b2: {  	[spmem:s4] =	stream.indirect.scatter.add.f32 [tilespmem:s2], [sflag:$0x11], $0x10, s12, s16, $0xb8;
	[tilespmem:$0x1F800] =	vst v63  }
0x1b3: {  	_ =	swait.ge [sflag:s14], $0x800  }
0x1b4: {  	[sflag:s14] =	ssyncset.done $0x0  }
0x1b5: {  	s15 =	simm.s32 $0x7C80;
	s17 =	simm.s32 $0xB;
	[sflag:s14] =	ssyncadd.s32 $0xFFFFF800  }
0x1b6: {  	[spmem:s4] =	stream.indirect.scatter.add.f32 [tilespmem:s13], [sflag:$0x11], $0x10, s15, s16, $0xb8;
	[tilespmem:$0x1F800] =	vst v63  }
0x1b7: {  	_ =	swait.ge [sflag:s17], $0x800  }
0x1b8: {  	[sflag:s17] =	ssyncset.done $0x0  }
0x1b9: {  	s18 =	simm.s32 $0x7D00;
	s19 =	simm.s32 $0xC;
	[sflag:s17] =	ssyncadd.s32 $0xFFFFF800  }
0x1ba: {  	[spmem:s4] =	stream.indirect.scatter.add.f32 [tilespmem:s7], [sflag:$0x11], $0x10, s18, s16, $0xb8;
	[tilespmem:$0x1F800] =	vst v63  }
0x1bb: {  	_ =	swait.ge [sflag:s19], $0x800  }
0x1bc: {  	[sflag:s19] =	ssyncset.done $0x0  }
0x1bd: {  	s22 =	simm.s32 $0xD;
	s20 =	simm.s32 $0x7D80;
	[sflag:s19] =	ssyncadd.s32 $0xFFFFF800  }
0x1be: {  	[spmem:s4] =	stream.indirect.scatter.add.f32 [tilespmem:s11], [sflag:$0x11], $0x10, s20, s16, $0xb8;
	[tilespmem:$0x1F800] =	vst v63  }
0x1bf: {  	_ =	swait.ge [sflag:s22], $0x800  }
0x1c0: {  	[sflag:s22] =	ssyncset.done $0x0  }
0x1c1: {  	s23 =	simm.s32 $0x7E00;
	s24 =	simm.s32 $0xE;
	[sflag:s22] =	ssyncadd.s32 $0xFFFFF800  }
0x1c2: {  	[spmem:s4] =	stream.indirect.scatter.add.f32 [tilespmem:s6], [sflag:$0x11], $0x10, s23, s16, $0xb8;
	[tilespmem:$0x1F800] =	vst v63  }
0x1c3: {  	_ =	swait.ge [sflag:s24], $0x800  }
0x1c4: {  	[sflag:s24] =	ssyncset.done $0x0  }
0x1c5: {  	s28 =	simm.s32 $0xF;
	s26 =	simm.s32 $0x7E80;
	[sflag:s24] =	ssyncadd.s32 $0xFFFFF800  }
0x1c6: {  	[spmem:s4] =	stream.indirect.scatter.add.f32 [tilespmem:s25], [sflag:$0x11], $0x10, s26, s16, $0xb8;
	[tilespmem:$0x1F800] =	vst v63  }
0x1c7: {  	_ =	swait.ge [sflag:s28], $0x800  }
0x1c8: {  	[sflag:s28] =	ssyncset.done $0x0  }
0x1c9: {  	s29 =	simm.s32 $0x7F00;
	s30 =	simm.s32 $0x10;
	[sflag:s28] =	ssyncadd.s32 $0xFFFFF800  }
0x1ca: {  	[spmem:s4] =	stream.indirect.scatter.add.f32 [tilespmem:s9], [sflag:$0x11], $0x10, s29, s16, $0xb8;
	[tilespmem:$0x1F800] =	vst v63  }
0x1cb: {  	_ =	swait.ge [sflag:s30], $0x800  }
0x1cc: {  	[sflag:s30] =	ssyncset.done $0x0  }
0x1cd: {  	s31 =	simm.s32 $0x7F80;
	[sflag:s30] =	ssyncadd.s32 $0xFFFFF800  }
0x1ce: {  	[spmem:s4] =	stream.indirect.scatter.add.f32 [tilespmem:s8], [sflag:$0x11], $0x10, s31, s16, $0xb8;
	[tilespmem:$0x1F800] =	vst v63  }
0x1cf: {  	_ =	swait.ge [sflag:s21], $0x800  }
0x1d0: {  	[sflag:s21] =	ssyncset.done $0x0  }
0x1d1: {  	[sflag:s21] =	ssyncadd.s32 $0xFFFFF800  }
0x1d2: {  	_ =	swait.ge [sflag:s21], $0x800  }
0x1d3: {  	[sflag:s21] =	ssyncset.done $0x0  }
0x1d4: {  	[sflag:s21] =	ssyncadd.s32 $0xFFFFF800  }
0x1d5: {  	_ =	swait.ge [sflag:s21], $0x800  }
0x1d6: {  	[sflag:s21] =	ssyncset.done $0x0  }
0x1d7: {  	[sflag:s21] =	ssyncadd.s32 $0xFFFFF800  }
0x1d8: {  	_ =	swait.ge [sflag:s21], $0x800  }
0x1d9: {  	[sflag:s21] =	ssyncset.done $0x0  }
0x1da: {  	[sflag:s21] =	ssyncadd.s32 $0xFFFFF800  }
0x1db: {  	_ =	swait.ge [sflag:s21], $0x800  }
0x1dc: {  	[sflag:s21] =	ssyncset.done $0x0  }
0x1dd: {  	[sflag:s21] =	ssyncadd.s32 $0xFFFFF800  }
0x1de: {  	_ =	swait.ge [sflag:s21], $0x800  }
0x1df: {  	[sflag:s21] =	ssyncset.done $0x0  }
0x1e0: {  	[sflag:s21] =	ssyncadd.s32 $0xFFFFF800  }
0x1e1: {  	_ =	swait.ge [sflag:s21], $0x800  }
0x1e2: {  	[sflag:s21] =	ssyncset.done $0x0  }
0x1e3: {  	[sflag:s21] =	ssyncadd.s32 $0xFFFFF800  }
0x1e4: {  	_ =	swait.ge [sflag:s21], $0x800  }
0x1e5: {  	[sflag:s21] =	ssyncset.done $0x0  }
0x1e6: {  	[sflag:s21] =	ssyncadd.s32 $0xFFFFF800  }
0x1e7: {  	_ =	swait.ge [sflag:s21], $0x800  }
0x1e8: {  	[sflag:s21] =	ssyncset.done $0x0  }
0x1e9: {  	[sflag:s21] =	ssyncadd.s32 $0xFFFFF800  }
0x1ea: {  	_ =	swait.ge [sflag:s21], $0x800  }
0x1eb: {  	[sflag:s21] =	ssyncset.done $0x0  }
0x1ec: {  	[sflag:s21] =	ssyncadd.s32 $0xFFFFF800  }
0x1ed: {  	_ =	swait.ge [sflag:s21], $0x800  }
0x1ee: {  	[sflag:s21] =	ssyncset.done $0x0  }
0x1ef: {  	[sflag:s21] =	ssyncadd.s32 $0xFFFFF800  }
0x1f0: {  	_ =	swait.ge [sflag:s21], $0x800  }
0x1f1: {  	[sflag:s21] =	ssyncset.done $0x0  }
0x1f2: {  	[sflag:s21] =	ssyncadd.s32 $0xFFFFF800  }
0x1f3: {  	_ =	swait.ge [sflag:s21], $0x800  }
0x1f4: {  	[sflag:s21] =	ssyncset.done $0x0  }
0x1f5: {  	[sflag:s21] =	ssyncadd.s32 $0xFFFFF800  }
0x1f6: {  	_ =	swait.ge [sflag:s21], $0x800  }
0x1f7: {  	[sflag:s21] =	ssyncset.done $0x0  }
0x1f8: {  	[sflag:s21] =	ssyncadd.s32 $0xFFFFF800  }
0x1f9: {  	s12 =	simm.s32 $0x2;
	_ =	swait.ge [sflag:s21], $0x800  }
0x1fa: {  	s14 =	simm.s32 $0x3;
	s15 =	simm.s32 $0x1;
	[sflag:s21] =	ssyncset.done $0x0  }
0x1fb: {  	s17 =	simm.s32 $0x4;
	s18 =	simm.s32 $0x5;
	[sflag:s21] =	ssyncadd.s32 $0xFFFFF800  }
0x1fc: {  	s19 =	simm.s32 $0x6;
	s20 =	simm.s32 $0x7;
	_ =	swait.ge [sflag:s21], $0x800  }
0x1fd: {  	s22 =	simm.s32 $0x800;
	s23 =	simm.s32 $0x4000;
	[sflag:s21] =	ssyncset.done $0x0  }
.LBB2_10:
0x1fe: {  	s28 =	simm.s32 $0x16800;
	s26 =	sadd.s32 $0x2800, s22  }
0x1ff: {  	[sflag:s21] =	ssyncadd.s32 $0xFFFFF800;
	s24 =	smov.u32 s23;
	s25 =	sadd.s32 $0x2000, s23  }
0x200: {  	[tilespmem:s28], [sflag:$0x1] =	stream.indirect.gather [hbm4b:s5+s16], $0x10, s26, s16, $0xb8;
	[tilespmem:$0x1F800] =	vst v63  }
0x201: {  	s28 =	simm.s32 $0x17000;
	s26 =	simm.s32 $0x16800  }
0x202: {  	p0 =	sne.s32 s23, $0x12000;
	s23 =	sadd.s32 $0x2880, s22  }
0x203: {  	[tilespmem:s28], [sflag:$0x2] =	stream.indirect.gather [hbm4b:s5+s16], $0x10, s23, s16, $0xb8;
	[tilespmem:$0x1F800] =	vst v63  }
0x204: {  	s6 =	simm.s32 $0x17800;
	s23 =	sadd.s32 $0x2900, s22  }
0x205: {  	[tilespmem:s6], [sflag:$0x3] =	stream.indirect.gather [hbm4b:s5+s16], $0x10, s23, s16, $0xb8;
	[tilespmem:$0x1F800] =	vst v63  }
0x206: {  	s11 =	simm.s32 $0x18000;
	s23 =	sadd.s32 $0x2980, s22  }
0x207: {  	[tilespmem:s11], [sflag:$0x4] =	stream.indirect.gather [hbm4b:s5+s16], $0x10, s23, s16, $0xb8;
	[tilespmem:$0x1F800] =	vst v63  }
0x208: {  	s13 =	simm.s32 $0x18800;
	s23 =	sadd.s32 $0x2A00, s22  }
0x209: {  	[tilespmem:s13], [sflag:$0x5] =	stream.indirect.gather [hbm4b:s5+s16], $0x10, s23, s16, $0xb8;
	[tilespmem:$0x1F800] =	vst v63  }
0x20a: {  	s10 =	simm.s32 $0x19000;
	s23 =	sadd.s32 $0x2A80, s22  }
0x20b: {  	[tilespmem:s10], [sflag:$0x6] =	stream.indirect.gather [hbm4b:s5+s16], $0x10, s23, s16, $0xb8;
	[tilespmem:$0x1F800] =	vst v63  }
0x20c: {  	s9 =	simm.s32 $0x19800;
	s23 =	sadd.s32 $0x2B00, s22  }
0x20d: {  	[tilespmem:s9], [sflag:$0x7] =	stream.indirect.gather [hbm4b:s5+s16], $0x10, s23, s16, $0xb8;
	[tilespmem:$0x1F800] =	vst v63  }
0x20e: {  	s8 =	simm.s32 $0x1A000;
	s23 =	sadd.s32 $0x2B80, s22  }
0x20f: {  	[tilespmem:s8], [sflag:$0x8] =	stream.indirect.gather [hbm4b:s5+s16], $0x10, s23, s16, $0xb8;
	[tilespmem:$0x1F800] =	vst v63  }
0x210: {  	s7 =	simm.s32 $0x1A800;
	s23 =	sadd.s32 $0x2C00, s22  }
0x211: {  	[tilespmem:s7], [sflag:$0x9] =	stream.indirect.gather [hbm4b:s5+s16], $0x10, s23, s16, $0xb8;
	[tilespmem:$0x1F800] =	vst v63  }
0x212: {  	s2 =	simm.s32 $0x1B000;
	s23 =	sadd.s32 $0x2C80, s22  }
0x213: {  	[tilespmem:s2], [sflag:$0xA] =	stream.indirect.gather [hbm4b:s5+s16], $0x10, s23, s16, $0xb8;
	[tilespmem:$0x1F800] =	vst v63  }
0x214: {  	s0 =	simm.s32 $0x1B800;
	s23 =	sadd.s32 $0x2D00, s22  }
0x215: {  	[tilespmem:s0], [sflag:$0xB] =	stream.indirect.gather [hbm4b:s5+s16], $0x10, s23, s16, $0xb8;
	[tilespmem:$0x1F800] =	vst v63  }
0x216: {  	s29 =	simm.s32 $0x1C000;
	s23 =	sadd.s32 $0x2D80, s22  }
0x217: {  	[tilespmem:s29], [sflag:$0xC] =	stream.indirect.gather [hbm4b:s5+s16], $0x10, s23, s16, $0xb8;
	[tilespmem:$0x1F800] =	vst v63  }
0x218: {  	s30 =	simm.s32 $0x1C800;
	s23 =	sadd.s32 $0x2E00, s22  }
0x219: {  	[tilespmem:s30], [sflag:$0xD] =	stream.indirect.gather [hbm4b:s5+s16], $0x10, s23, s16, $0xb8;
	[tilespmem:$0x1F800] =	vst v63  }
0x21a: {  	s31 =	simm.s32 $0x1D000;
	s23 =	sadd.s32 $0x2E80, s22  }
0x21b: {  	[tilespmem:s31], [sflag:$0xE] =	stream.indirect.gather [hbm4b:s5+s16], $0x10, s23, s16, $0xb8;
	[tilespmem:$0x1F800] =	vst v63  }
0x21c: {  	s1 =	simm.s32 $0x1D800;
	s23 =	sadd.s32 $0x2F00, s22  }
0x21d: {  	[tilespmem:s1], [sflag:$0xF] =	stream.indirect.gather [hbm4b:s5+s16], $0x10, s23, s16, $0xb8;
	[tilespmem:$0x1F800] =	vst v63  }
0x21e: {  	s3 =	simm.s32 $0x1E000;
	s23 =	sadd.s32 $0x2F80, s22  }
0x21f: {  	[tilespmem:s3], [sflag:$0x10] =	stream.indirect.gather [hbm4b:s5+s16], $0x10, s23, s16, $0xb8;
	[tilespmem:$0x1F800] =	vst v63  }
0x220: {  	_ =	swait.ge [sflag:s15], $0x800  }
0x221: {  	[sflag:s15] =	ssyncset.done $0x0  }
0x222: {  	s23 =	sadd.s32 $0x7800, s22;
	[sflag:s15] =	ssyncadd.s32 $0xFFFFF800  }
0x223: {  	[spmem:s4] =	stream.indirect.scatter.add.f32 [tilespmem:s26], [sflag:$0x11], $0x10, s23, s16, $0xb8;
	[tilespmem:$0x1F800] =	vst v63  }
0x224: {  	_ =	swait.ge [sflag:s12], $0x800  }
0x225: {  	[sflag:s12] =	ssyncset.done $0x0  }
0x226: {  	s23 =	sadd.s32 $0x7880, s22;
	[sflag:s12] =	ssyncadd.s32 $0xFFFFF800  }
0x227: {  	[spmem:s4] =	stream.indirect.scatter.add.f32 [tilespmem:s28], [sflag:$0x11], $0x10, s23, s16, $0xb8;
	[tilespmem:$0x1F800] =	vst v63  }
0x228: {  	_ =	swait.ge [sflag:s14], $0x800  }
0x229: {  	[sflag:s14] =	ssyncset.done $0x0  }
0x22a: {  	s23 =	sadd.s32 $0x7900, s22;
	[sflag:s14] =	ssyncadd.s32 $0xFFFFF800  }
0x22b: {  	[spmem:s4] =	stream.indirect.scatter.add.f32 [tilespmem:s6], [sflag:$0x11], $0x10, s23, s16, $0xb8;
	[tilespmem:$0x1F800] =	vst v63  }
0x22c: {  	_ =	swait.ge [sflag:s17], $0x800  }
0x22d: {  	[sflag:s17] =	ssyncset.done $0x0  }
0x22e: {  	s23 =	sadd.s32 $0x7980, s22;
	[sflag:s17] =	ssyncadd.s32 $0xFFFFF800  }
0x22f: {  	[spmem:s4] =	stream.indirect.scatter.add.f32 [tilespmem:s11], [sflag:$0x11], $0x10, s23, s16, $0xb8;
	[tilespmem:$0x1F800] =	vst v63  }
0x230: {  	_ =	swait.ge [sflag:s18], $0x800  }
0x231: {  	[sflag:s18] =	ssyncset.done $0x0  }
0x232: {  	s23 =	sadd.s32 $0x7A00, s22;
	[sflag:s18] =	ssyncadd.s32 $0xFFFFF800  }
0x233: {  	[spmem:s4] =	stream.indirect.scatter.add.f32 [tilespmem:s13], [sflag:$0x11], $0x10, s23, s16, $0xb8;
	[tilespmem:$0x1F800] =	vst v63  }
0x234: {  	_ =	swait.ge [sflag:s19], $0x800  }
0x235: {  	[sflag:s19] =	ssyncset.done $0x0  }
0x236: {  	s23 =	sadd.s32 $0x7A80, s22;
	[sflag:s19] =	ssyncadd.s32 $0xFFFFF800  }
0x237: {  	[spmem:s4] =	stream.indirect.scatter.add.f32 [tilespmem:s10], [sflag:$0x11], $0x10, s23, s16, $0xb8;
	[tilespmem:$0x1F800] =	vst v63  }
0x238: {  	_ =	swait.ge [sflag:s20], $0x800  }
0x239: {  	[sflag:s20] =	ssyncset.done $0x0  }
0x23a: {  	s6 =	simm.s32 $0x8;
	s23 =	sadd.s32 $0x7B00, s22;
	[sflag:s20] =	ssyncadd.s32 $0xFFFFF800  }
0x23b: {  	[spmem:s4] =	stream.indirect.scatter.add.f32 [tilespmem:s9], [sflag:$0x11], $0x10, s23, s16, $0xb8;
	[tilespmem:$0x1F800] =	vst v63  }
0x23c: {  	_ =	swait.ge [sflag:s6], $0x800  }
0x23d: {  	[sflag:s6] =	ssyncset.done $0x0  }
0x23e: {  	s23 =	sadd.s32 $0x7B80, s22;
	[sflag:s6] =	ssyncadd.s32 $0xFFFFF800  }
0x23f: {  	[spmem:s4] =	stream.indirect.scatter.add.f32 [tilespmem:s8], [sflag:$0x11], $0x10, s23, s16, $0xb8;
	[tilespmem:$0x1F800] =	vst v63  }
0x240: {  	s8 =	simm.s32 $0x9  }
0x241: {  	_ =	swait.ge [sflag:s8], $0x800  }
0x242: {  	[sflag:s8] =	ssyncset.done $0x0  }
0x243: {  	s23 =	sadd.s32 $0x7C00, s22;
	[sflag:s8] =	ssyncadd.s32 $0xFFFFF800  }
0x244: {  	[spmem:s4] =	stream.indirect.scatter.add.f32 [tilespmem:s7], [sflag:$0x11], $0x10, s23, s16, $0xb8;
	[tilespmem:$0x1F800] =	vst v63  }
0x245: {  	s7 =	simm.s32 $0xA  }
0x246: {  	_ =	swait.ge [sflag:s7], $0x800  }
0x247: {  	[sflag:s7] =	ssyncset.done $0x0  }
0x248: {  	s23 =	sadd.s32 $0x7C80, s22;
	[sflag:s7] =	ssyncadd.s32 $0xFFFFF800  }
0x249: {  	[spmem:s4] =	stream.indirect.scatter.add.f32 [tilespmem:s2], [sflag:$0x11], $0x10, s23, s16, $0xb8;
	[tilespmem:$0x1F800] =	vst v63  }
0x24a: {  	s2 =	simm.s32 $0xB  }
0x24b: {  	_ =	swait.ge [sflag:s2], $0x800  }
0x24c: {  	[sflag:s2] =	ssyncset.done $0x0  }
0x24d: {  	s23 =	sadd.s32 $0x7D00, s22;
	[sflag:s2] =	ssyncadd.s32 $0xFFFFF800  }
0x24e: {  	[spmem:s4] =	stream.indirect.scatter.add.f32 [tilespmem:s0], [sflag:$0x11], $0x10, s23, s16, $0xb8;
	[tilespmem:$0x1F800] =	vst v63  }
0x24f: {  	s0 =	simm.s32 $0xC  }
0x250: {  	_ =	swait.ge [sflag:s0], $0x800  }
0x251: {  	[sflag:s0] =	ssyncset.done $0x0  }
0x252: {  	s23 =	sadd.s32 $0x7D80, s22;
	[sflag:s0] =	ssyncadd.s32 $0xFFFFF800;
	s0 =	simm.s32 $0xD  }
0x253: {  	[spmem:s4] =	stream.indirect.scatter.add.f32 [tilespmem:s29], [sflag:$0x11], $0x10, s23, s16, $0xb8;
	[tilespmem:$0x1F800] =	vst v63  }
0x254: {  	_ =	swait.ge [sflag:s0], $0x800  }
0x255: {  	[sflag:s0] =	ssyncset.done $0x0  }
0x256: {  	s23 =	sadd.s32 $0x7E00, s22;
	[sflag:s0] =	ssyncadd.s32 $0xFFFFF800;
	s0 =	simm.s32 $0xE  }
0x257: {  	[spmem:s4] =	stream.indirect.scatter.add.f32 [tilespmem:s30], [sflag:$0x11], $0x10, s23, s16, $0xb8;
	[tilespmem:$0x1F800] =	vst v63  }
0x258: {  	_ =	swait.ge [sflag:s0], $0x800  }
0x259: {  	[sflag:s0] =	ssyncset.done $0x0  }
0x25a: {  	s23 =	sadd.s32 $0x7E80, s22;
	[sflag:s0] =	ssyncadd.s32 $0xFFFFF800;
	s0 =	simm.s32 $0xF  }
0x25b: {  	[spmem:s4] =	stream.indirect.scatter.add.f32 [tilespmem:s31], [sflag:$0x11], $0x10, s23, s16, $0xb8;
	[tilespmem:$0x1F800] =	vst v63  }
0x25c: {  	_ =	swait.ge [sflag:s0], $0x800  }
0x25d: {  	[sflag:s0] =	ssyncset.done $0x0  }
0x25e: {  	s23 =	sadd.s32 $0x7F00, s22;
	[sflag:s0] =	ssyncadd.s32 $0xFFFFF800;
	s0 =	simm.s32 $0x10  }
0x25f: {  	[spmem:s4] =	stream.indirect.scatter.add.f32 [tilespmem:s1], [sflag:$0x11], $0x10, s23, s16, $0xb8;
	[tilespmem:$0x1F800] =	vst v63  }
0x260: {  	_ =	swait.ge [sflag:s0], $0x800  }
0x261: {  	[sflag:s0] =	ssyncset.done $0x0  }
0x262: {  	s22 =	sadd.s32 $0x7F80, s22;
	[sflag:s0] =	ssyncadd.s32 $0xFFFFF800  }
0x263: {  	[spmem:s4] =	stream.indirect.scatter.add.f32 [tilespmem:s3], [sflag:$0x11], $0x10, s22, s16, $0xb8;
	[tilespmem:$0x1F800] =	vst v63  }
0x264: {  	_ =	swait.ge [sflag:s21], $0x800  }
0x265: {  	[sflag:s21] =	ssyncset.done $0x0  }
0x266: {  	[sflag:s21] =	ssyncadd.s32 $0xFFFFF800  }
0x267: {  	_ =	swait.ge [sflag:s21], $0x800  }
0x268: {  	[sflag:s21] =	ssyncset.done $0x0  }
0x269: {  	[sflag:s21] =	ssyncadd.s32 $0xFFFFF800  }
0x26a: {  	_ =	swait.ge [sflag:s21], $0x800  }
0x26b: {  	[sflag:s21] =	ssyncset.done $0x0  }
0x26c: {  	[sflag:s21] =	ssyncadd.s32 $0xFFFFF800  }
0x26d: {  	_ =	swait.ge [sflag:s21], $0x800  }
0x26e: {  	[sflag:s21] =	ssyncset.done $0x0  }
0x26f: {  	[sflag:s21] =	ssyncadd.s32 $0xFFFFF800  }
0x270: {  	_ =	swait.ge [sflag:s21], $0x800  }
0x271: {  	[sflag:s21] =	ssyncset.done $0x0  }
0x272: {  	[sflag:s21] =	ssyncadd.s32 $0xFFFFF800  }
0x273: {  	_ =	swait.ge [sflag:s21], $0x800  }
0x274: {  	[sflag:s21] =	ssyncset.done $0x0  }
0x275: {  	[sflag:s21] =	ssyncadd.s32 $0xFFFFF800  }
0x276: {  	_ =	swait.ge [sflag:s21], $0x800  }
0x277: {  	[sflag:s21] =	ssyncset.done $0x0  }
0x278: {  	[sflag:s21] =	ssyncadd.s32 $0xFFFFF800  }
0x279: {  	_ =	swait.ge [sflag:s21], $0x800  }
0x27a: {  	[sflag:s21] =	ssyncset.done $0x0  }
0x27b: {  	[sflag:s21] =	ssyncadd.s32 $0xFFFFF800  }
0x27c: {  	_ =	swait.ge [sflag:s21], $0x800  }
0x27d: {  	[sflag:s21] =	ssyncset.done $0x0  }
0x27e: {  	[sflag:s21] =	ssyncadd.s32 $0xFFFFF800  }
0x27f: {  	_ =	swait.ge [sflag:s21], $0x800  }
0x280: {  	[sflag:s21] =	ssyncset.done $0x0  }
0x281: {  	[sflag:s21] =	ssyncadd.s32 $0xFFFFF800  }
0x282: {  	_ =	swait.ge [sflag:s21], $0x800  }
0x283: {  	[sflag:s21] =	ssyncset.done $0x0  }
0x284: {  	[sflag:s21] =	ssyncadd.s32 $0xFFFFF800  }
0x285: {  	_ =	swait.ge [sflag:s21], $0x800  }
0x286: {  	[sflag:s21] =	ssyncset.done $0x0  }
0x287: {  	[sflag:s21] =	ssyncadd.s32 $0xFFFFF800  }
0x288: {  	_ =	swait.ge [sflag:s21], $0x800  }
0x289: {  	[sflag:s21] =	ssyncset.done $0x0  }
0x28a: {  	[sflag:s21] =	ssyncadd.s32 $0xFFFFF800  }
0x28b: {  	_ =	swait.ge [sflag:s21], $0x800  }
0x28c: {  	[sflag:s21] =	ssyncset.done $0x0  }
0x28d: {  	[sflag:s21] =	ssyncadd.s32 $0xFFFFF800  }
.Ltmp4:
0x28e: {  	_ =	swait.ge [sflag:s21], $0x800;
	(pc) =	sbr.rel @p0 .LBB2_10-.Ltmp4, $4  }
0x28f: {  	[sflag:s21] =	ssyncset.done $0x0  }
0x290: {  	[sflag:s21] =	ssyncadd.s32 $0xFFFFF800  }
0x291: {  	_ =	swait.ge [sflag:s21], $0x800  }
0x292: {  	s23 =	smov.u32 s25;
	s22 =	sshra.s32 s24, $0x2;
	[sflag:s21] =	ssyncset.done $0x0  }
0x293: {  	s23 =	sadd.s32 $0x2800, s22;
	[sflag:s21] =	ssyncadd.s32 $0xFFFFF800  }
0x294: {  	[tilespmem:s26], [sflag:$0x1] =	stream.indirect.gather [hbm4b:s5+s16], $0x10, s23, s16, $0xb8;
	[tilespmem:$0x1F800] =	vst v63  }
0x295: {  	s0 =	sadd.s32 $0x2880, s22  }
0x296: {  	[tilespmem:s28], [sflag:$0x2] =	stream.indirect.gather [hbm4b:s5+s16], $0x10, s0, s16, $0xb8;
	[tilespmem:$0x1F800] =	vst v63  }
0x297: {  	s1 =	sadd.s32 $0x2900, s22;
	s6 =	simm.s32 $0x17800  }
0x298: {  	[tilespmem:s6], [sflag:$0x3] =	stream.indirect.gather [hbm4b:s5+s16], $0x10, s1, s16, $0xb8;
	[tilespmem:$0x1F800] =	vst v63  }
0x299: {  	s2 =	sadd.s32 $0x2980, s22;
	s11 =	simm.s32 $0x18000  }
0x29a: {  	[tilespmem:s11], [sflag:$0x4] =	stream.indirect.gather [hbm4b:s5+s16], $0x10, s2, s16, $0xb8;
	[tilespmem:$0x1F800] =	vst v63  }
0x29b: {  	s3 =	sadd.s32 $0x2A00, s22;
	s13 =	simm.s32 $0x18800  }
0x29c: {  	[tilespmem:s13], [sflag:$0x5] =	stream.indirect.gather [hbm4b:s5+s16], $0x10, s3, s16, $0xb8;
	[tilespmem:$0x1F800] =	vst v63  }
0x29d: {  	s7 =	sadd.s32 $0x2A80, s22;
	s10 =	simm.s32 $0x19000  }
0x29e: {  	[tilespmem:s10], [sflag:$0x6] =	stream.indirect.gather [hbm4b:s5+s16], $0x10, s7, s16, $0xb8;
	[tilespmem:$0x1F800] =	vst v63  }
0x29f: {  	s8 =	sadd.s32 $0x2B00, s22;
	s9 =	simm.s32 $0x19800  }
0x2a0: {  	[tilespmem:s9], [sflag:$0x7] =	stream.indirect.gather [hbm4b:s5+s16], $0x10, s8, s16, $0xb8;
	[tilespmem:$0x1F800] =	vst v63  }
0x2a1: {  	s24 =	sadd.s32 $0x2B80, s22;
	s8 =	simm.s32 $0x1A000  }
0x2a2: {  	[tilespmem:s8], [sflag:$0x8] =	stream.indirect.gather [hbm4b:s5+s16], $0x10, s24, s16, $0xb8;
	[tilespmem:$0x1F800] =	vst v63  }
0x2a3: {  	s25 =	sadd.s32 $0x2C00, s22;
	s7 =	simm.s32 $0x1A800  }
0x2a4: {  	[tilespmem:s7], [sflag:$0x9] =	stream.indirect.gather [hbm4b:s5+s16], $0x10, s25, s16, $0xb8;
	[tilespmem:$0x1F800] =	vst v63  }
0x2a5: {  	s0 =	sadd.s32 $0x2C80, s22;
	s2 =	simm.s32 $0x1B000  }
0x2a6: {  	[tilespmem:s2], [sflag:$0xA] =	stream.indirect.gather [hbm4b:s5+s16], $0x10, s0, s16, $0xb8;
	[tilespmem:$0x1F800] =	vst v63  }
0x2a7: {  	s1 =	sadd.s32 $0x2D00, s22;
	s0 =	simm.s32 $0x1B800  }
0x2a8: {  	[tilespmem:s0], [sflag:$0xB] =	stream.indirect.gather [hbm4b:s5+s16], $0x10, s1, s16, $0xb8;
	[tilespmem:$0x1F800] =	vst v63  }
0x2a9: {  	s29 =	simm.s32 $0x1C000;
	s3 =	sadd.s32 $0x2D80, s22  }
0x2aa: {  	[tilespmem:s29], [sflag:$0xC] =	stream.indirect.gather [hbm4b:s5+s16], $0x10, s3, s16, $0xb8;
	[tilespmem:$0x1F800] =	vst v63  }
0x2ab: {  	s24 =	sadd.s32 $0x2E00, s22;
	s25 =	simm.s32 $0x1C800  }
0x2ac: {  	[tilespmem:s25], [sflag:$0xD] =	stream.indirect.gather [hbm4b:s5+s16], $0x10, s24, s16, $0xb8;
	[tilespmem:$0x1F800] =	vst v63  }
0x2ad: {  	s1 =	sadd.s32 $0x2E80, s22;
	s24 =	simm.s32 $0x1D000  }
0x2ae: {  	[tilespmem:s24], [sflag:$0xE] =	stream.indirect.gather [hbm4b:s5+s16], $0x10, s1, s16, $0xb8;
	[tilespmem:$0x1F800] =	vst v63  }
0x2af: {  	s3 =	sadd.s32 $0x2F00, s22;
	s1 =	simm.s32 $0x1D800  }
0x2b0: {  	[tilespmem:s1], [sflag:$0xF] =	stream.indirect.gather [hbm4b:s5+s16], $0x10, s3, s16, $0xb8;
	[tilespmem:$0x1F800] =	vst v63  }
0x2b1: {  	s23 =	sadd.s32 $0x2F80, s22;
	s3 =	simm.s32 $0x1E000  }
0x2b2: {  	[tilespmem:s3], [sflag:$0x10] =	stream.indirect.gather [hbm4b:s5+s16], $0x10, s23, s16, $0xb8;
	[tilespmem:$0x1F800] =	vst v63  }
0x2b3: {  	_ =	swait.ge [sflag:s15], $0x800  }
0x2b4: {  	[sflag:s15] =	ssyncset.done $0x0  }
0x2b5: {  	[sflag:s15] =	ssyncadd.s32 $0xFFFFF800;
	s15 =	sadd.s32 $0x7800, s22  }
0x2b6: {  	[spmem:s4] =	stream.indirect.scatter.add.f32 [tilespmem:s26], [sflag:$0x11], $0x10, s15, s16, $0xb8;
	[tilespmem:$0x1F800] =	vst v63  }
0x2b7: {  	_ =	swait.ge [sflag:s12], $0x800  }
0x2b8: {  	[sflag:s12] =	ssyncset.done $0x0  }
0x2b9: {  	s26 =	sadd.s32 $0x7880, s22;
	[sflag:s12] =	ssyncadd.s32 $0xFFFFF800  }
0x2ba: {  	[spmem:s4] =	stream.indirect.scatter.add.f32 [tilespmem:s28], [sflag:$0x11], $0x10, s26, s16, $0xb8;
	[tilespmem:$0x1F800] =	vst v63  }
0x2bb: {  	_ =	swait.ge [sflag:s14], $0x800  }
0x2bc: {  	[sflag:s14] =	ssyncset.done $0x0  }
0x2bd: {  	s12 =	sadd.s32 $0x7900, s22;
	[sflag:s14] =	ssyncadd.s32 $0xFFFFF800  }
0x2be: {  	[spmem:s4] =	stream.indirect.scatter.add.f32 [tilespmem:s6], [sflag:$0x11], $0x10, s12, s16, $0xb8;
	[tilespmem:$0x1F800] =	vst v63  }
0x2bf: {  	_ =	swait.ge [sflag:s17], $0x800  }
0x2c0: {  	[sflag:s17] =	ssyncset.done $0x0  }
0x2c1: {  	s14 =	sadd.s32 $0x7980, s22;
	[sflag:s17] =	ssyncadd.s32 $0xFFFFF800  }
0x2c2: {  	[spmem:s4] =	stream.indirect.scatter.add.f32 [tilespmem:s11], [sflag:$0x11], $0x10, s14, s16, $0xb8;
	[tilespmem:$0x1F800] =	vst v63  }
0x2c3: {  	_ =	swait.ge [sflag:s18], $0x800  }
0x2c4: {  	[sflag:s18] =	ssyncset.done $0x0  }
0x2c5: {  	s15 =	sadd.s32 $0x7A00, s22;
	[sflag:s18] =	ssyncadd.s32 $0xFFFFF800  }
0x2c6: {  	[spmem:s4] =	stream.indirect.scatter.add.f32 [tilespmem:s13], [sflag:$0x11], $0x10, s15, s16, $0xb8;
	[tilespmem:$0x1F800] =	vst v63  }
0x2c7: {  	_ =	swait.ge [sflag:s19], $0x800  }
0x2c8: {  	[sflag:s19] =	ssyncset.done $0x0  }
0x2c9: {  	s17 =	sadd.s32 $0x7A80, s22;
	[sflag:s19] =	ssyncadd.s32 $0xFFFFF800  }
0x2ca: {  	[spmem:s4] =	stream.indirect.scatter.add.f32 [tilespmem:s10], [sflag:$0x11], $0x10, s17, s16, $0xb8;
	[tilespmem:$0x1F800] =	vst v63  }
0x2cb: {  	_ =	swait.ge [sflag:s20], $0x800  }
0x2cc: {  	[sflag:s20] =	ssyncset.done $0x0  }
0x2cd: {  	s18 =	sadd.s32 $0x7B00, s22;
	s19 =	simm.s32 $0x8;
	[sflag:s20] =	ssyncadd.s32 $0xFFFFF800  }
0x2ce: {  	[spmem:s4] =	stream.indirect.scatter.add.f32 [tilespmem:s9], [sflag:$0x11], $0x10, s18, s16, $0xb8;
	[tilespmem:$0x1F800] =	vst v63  }
0x2cf: {  	_ =	swait.ge [sflag:s19], $0x800  }
0x2d0: {  	[sflag:s19] =	ssyncset.done $0x0  }
0x2d1: {  	s26 =	simm.s32 $0x9;
	s20 =	sadd.s32 $0x7B80, s22;
	[sflag:s19] =	ssyncadd.s32 $0xFFFFF800  }
0x2d2: {  	[spmem:s4] =	stream.indirect.scatter.add.f32 [tilespmem:s8], [sflag:$0x11], $0x10, s20, s16, $0xb8;
	[tilespmem:$0x1F800] =	vst v63  }
0x2d3: {  	_ =	swait.ge [sflag:s26], $0x800  }
0x2d4: {  	[sflag:s26] =	ssyncset.done $0x0  }
0x2d5: {  	s6 =	sadd.s32 $0x7C00, s22;
	s8 =	simm.s32 $0xA;
	[sflag:s26] =	ssyncadd.s32 $0xFFFFF800  }
0x2d6: {  	[spmem:s4] =	stream.indirect.scatter.add.f32 [tilespmem:s7], [sflag:$0x11], $0x10, s6, s16, $0xb8;
	[tilespmem:$0x1F800] =	vst v63  }
0x2d7: {  	_ =	swait.ge [sflag:s8], $0x800  }
0x2d8: {  	[sflag:s8] =	ssyncset.done $0x0  }
0x2d9: {  	s10 =	simm.s32 $0xB;
	s9 =	sadd.s32 $0x7C80, s22;
	[sflag:s8] =	ssyncadd.s32 $0xFFFFF800  }
0x2da: {  	[spmem:s4] =	stream.indirect.scatter.add.f32 [tilespmem:s2], [sflag:$0x11], $0x10, s9, s16, $0xb8;
	[tilespmem:$0x1F800] =	vst v63  }
0x2db: {  	_ =	swait.ge [sflag:s10], $0x800  }
0x2dc: {  	[sflag:s10] =	ssyncset.done $0x0  }
0x2dd: {  	s12 =	simm.s32 $0xC;
	s11 =	sadd.s32 $0x7D00, s22;
	[sflag:s10] =	ssyncadd.s32 $0xFFFFF800  }
0x2de: {  	[spmem:s4] =	stream.indirect.scatter.add.f32 [tilespmem:s0], [sflag:$0x11], $0x10, s11, s16, $0xb8;
	[tilespmem:$0x1F800] =	vst v63  }
0x2df: {  	_ =	swait.ge [sflag:s12], $0x800  }
0x2e0: {  	[sflag:s12] =	ssyncset.done $0x0  }
0x2e1: {  	s14 =	simm.s32 $0xD;
	s13 =	sadd.s32 $0x7D80, s22;
	[sflag:s12] =	ssyncadd.s32 $0xFFFFF800  }
0x2e2: {  	[spmem:s4] =	stream.indirect.scatter.add.f32 [tilespmem:s29], [sflag:$0x11], $0x10, s13, s16, $0xb8;
	[tilespmem:$0x1F800] =	vst v63  }
0x2e3: {  	_ =	swait.ge [sflag:s14], $0x800  }
0x2e4: {  	[sflag:s14] =	ssyncset.done $0x0  }
0x2e5: {  	s15 =	sadd.s32 $0x7E00, s22;
	s17 =	simm.s32 $0xE;
	[sflag:s14] =	ssyncadd.s32 $0xFFFFF800  }
0x2e6: {  	[spmem:s4] =	stream.indirect.scatter.add.f32 [tilespmem:s25], [sflag:$0x11], $0x10, s15, s16, $0xb8;
	[tilespmem:$0x1F800] =	vst v63  }
0x2e7: {  	_ =	swait.ge [sflag:s17], $0x800  }
0x2e8: {  	[sflag:s17] =	ssyncset.done $0x0  }
0x2e9: {  	s18 =	sadd.s32 $0x7E80, s22;
	s19 =	simm.s32 $0xF;
	[sflag:s17] =	ssyncadd.s32 $0xFFFFF800  }
0x2ea: {  	[spmem:s4] =	stream.indirect.scatter.add.f32 [tilespmem:s24], [sflag:$0x11], $0x10, s18, s16, $0xb8;
	[tilespmem:$0x1F800] =	vst v63  }
0x2eb: {  	_ =	swait.ge [sflag:s19], $0x800  }
0x2ec: {  	[sflag:s19] =	ssyncset.done $0x0  }
0x2ed: {  	s20 =	sadd.s32 $0x7F00, s22;
	s24 =	simm.s32 $0x10;
	[sflag:s19] =	ssyncadd.s32 $0xFFFFF800  }
0x2ee: {  	[spmem:s4] =	stream.indirect.scatter.add.f32 [tilespmem:s1], [sflag:$0x11], $0x10, s20, s16, $0xb8;
	[tilespmem:$0x1F800] =	vst v63  }
0x2ef: {  	_ =	swait.ge [sflag:s24], $0x800  }
0x2f0: {  	[sflag:s24] =	ssyncset.done $0x0  }
0x2f1: {  	s25 =	sadd.s32 $0x7F80, s22;
	[sflag:s24] =	ssyncadd.s32 $0xFFFFF800  }
0x2f2: {  	[spmem:s4] =	stream.indirect.scatter.add.f32 [tilespmem:s3], [sflag:$0x11], $0x10, s25, s16, $0xb8;
	[tilespmem:$0x1F800] =	vst v63  }
0x2f3: {  	_ =	swait.ge [sflag:s21], $0x800  }
0x2f4: {  	[sflag:s21] =	ssyncset.done $0x0  }
0x2f5: {  	[sflag:s21] =	ssyncadd.s32 $0xFFFFF800  }
0x2f6: {  	_ =	swait.ge [sflag:s21], $0x800  }
0x2f7: {  	[sflag:s21] =	ssyncset.done $0x0  }
0x2f8: {  	[sflag:s21] =	ssyncadd.s32 $0xFFFFF800  }
0x2f9: {  	_ =	swait.ge [sflag:s21], $0x800  }
0x2fa: {  	[sflag:s21] =	ssyncset.done $0x0  }
0x2fb: {  	[sflag:s21] =	ssyncadd.s32 $0xFFFFF800  }
0x2fc: {  	_ =	swait.ge [sflag:s21], $0x800  }
0x2fd: {  	[sflag:s21] =	ssyncset.done $0x0  }
0x2fe: {  	[sflag:s21] =	ssyncadd.s32 $0xFFFFF800  }
0x2ff: {  	_ =	swait.ge [sflag:s21], $0x800  }
0x300: {  	[sflag:s21] =	ssyncset.done $0x0  }
0x301: {  	[sflag:s21] =	ssyncadd.s32 $0xFFFFF800  }
0x302: {  	_ =	swait.ge [sflag:s21], $0x800  }
0x303: {  	[sflag:s21] =	ssyncset.done $0x0  }
0x304: {  	[sflag:s21] =	ssyncadd.s32 $0xFFFFF800  }
0x305: {  	_ =	swait.ge [sflag:s21], $0x800  }
0x306: {  	[sflag:s21] =	ssyncset.done $0x0  }
0x307: {  	[sflag:s21] =	ssyncadd.s32 $0xFFFFF800  }
0x308: {  	_ =	swait.ge [sflag:s21], $0x800  }
0x309: {  	[sflag:s21] =	ssyncset.done $0x0  }
0x30a: {  	[sflag:s21] =	ssyncadd.s32 $0xFFFFF800  }
0x30b: {  	_ =	swait.ge [sflag:s21], $0x800  }
0x30c: {  	[sflag:s21] =	ssyncset.done $0x0  }
0x30d: {  	[sflag:s21] =	ssyncadd.s32 $0xFFFFF800  }
0x30e: {  	_ =	swait.ge [sflag:s21], $0x800  }
0x30f: {  	[sflag:s21] =	ssyncset.done $0x0  }
0x310: {  	[sflag:s21] =	ssyncadd.s32 $0xFFFFF800  }
0x311: {  	_ =	swait.ge [sflag:s21], $0x800  }
0x312: {  	[sflag:s21] =	ssyncset.done $0x0  }
0x313: {  	[sflag:s21] =	ssyncadd.s32 $0xFFFFF800  }
0x314: {  	_ =	swait.ge [sflag:s21], $0x800  }
0x315: {  	[sflag:s21] =	ssyncset.done $0x0  }
0x316: {  	[sflag:s21] =	ssyncadd.s32 $0xFFFFF800  }
0x317: {  	_ =	swait.ge [sflag:s21], $0x800  }
0x318: {  	[sflag:s21] =	ssyncset.done $0x0  }
0x319: {  	[sflag:s21] =	ssyncadd.s32 $0xFFFFF800  }
0x31a: {  	_ =	swait.ge [sflag:s21], $0x800  }
0x31b: {  	[sflag:s21] =	ssyncset.done $0x0  }
0x31c: {  	[sflag:s21] =	ssyncadd.s32 $0xFFFFF800  }
0x31d: {  	_ =	swait.ge [sflag:s21], $0x800  }
0x31e: {  	[sflag:s21] =	ssyncset.done $0x0  }
0x31f: {  	[sflag:s21] =	ssyncadd.s32 $0xFFFFF800  }
0x320: {  	_ =	swait.ge [sflag:s21], $0x800  }
0x321: {  	[sflag:s21] =	ssyncset.done $0x0  }
0x322: {  	[sflag:s21] =	ssyncadd.s32 $0xFFFFF800  }
0x323: {  	[bflag:$0x0] =	sbarrier.arrive $0xFFFF  }
0x324: {  	s26 =	simm.s32 $0x14000;
	s10 =	rddreg [dreg:$0x5]  }
0x325: {  	[tilespmem:s26], [sflag:$0x12] =	stream.linear.gather [spmem:s10], $0x2800, $0x38;
	[tilespmem:$0x1F800] =	vst v63  }
0x326: {  	s26 =	simm.s32 $0x12  }
0x327: {  	_ =	swait.ge [sflag:s26], $0x2800  }
0x328: {  	[sflag:s26] =	ssyncset.done $0x0  }
0x329: {  	s22 =	simm.s32 $0x0;
	[sflag:s26] =	ssyncadd.s32 $0xFFFFD800  }
0x32a: {  	v1 =	vld [tilespmem:s22+$0xC800]  }
0x32b: {  	v4 =	vld [tilespmem:s22+$0x14000]  }
0x32c: {  	v2 =	vld [tilespmem:s22+$0xC810]  }
0x32d: {  	v5 =	vld [tilespmem:s22+$0x14010]  }
0x32e: {  	v3 =	vld [tilespmem:s22+$0xC820]  }
0x32f: {  	s30 =	simm.s32 $0x18800;
	s31 =	simm.s32 $0x8;
	v6 =	vld [tilespmem:s22+$0x14020]  }
0x330: {  	s23 =	simm.s32 $0x100;
	s7 =	simm.s32 $0x1B800;
	s6 =	simm.s32 $0x1C800;
	v0 =	vld [tilespmem:s22+$0xC830]  }
0x331: {  	s8 =	simm.s32 $0x1E000;
	s2 =	simm.s32 $0x1A800;
	s9 =	simm.s32 $0x1D800;
	v7 =	vld [tilespmem:s22+$0x14030]  }
0x332: {  	s0 =	simm.s32 $0x1A000;
	s11 =	simm.s32 $0x1C000;
	s29 =	simm.s32 $0x18000;
	v10 =	vld [tilespmem:s22+$0x11800]  }
0x333: {  	s13 =	simm.s32 $0x1B000;
	s19 =	simm.s32 $0x6;
	s1 =	simm.s32 $0x19000;
	v9 =	vld [tilespmem:s22+$0x11810]  }
0x334: {  	s20 =	simm.s32 $0x7;
	s3 =	simm.s32 $0x19800;
	s25 =	simm.s32 $0x1D000;
	v8 =	vld [tilespmem:s22+$0x11820]  }
.LBB2_12:
0x335: {  	p0 =	sne.s32 s23, $0x9F00;
	v11 =	vld [tilespmem:s22+$0x11830]  }
0x336: {  	v12 =	vld [tilespmem:s22+$0xF000]  }
0x337: {  	v13 =	vmul.f32 $8.999999760e-01, v1;
	v4 =	vadd.f32 v10, v4;
	v10 =	vld [tilespmem:s22+$0xF010]  }
0x338: {  	v14 =	vmul.f32 $8.999999760e-01, v2;
	v5 =	vadd.f32 v9, v5;
	v9 =	vld [tilespmem:s22+$0xF020]  }
0x339: {  	s24 =	sshra.s32 s23, $0x2;
	v15 =	vmul.f32 $8.999999760e-01, v3;
	v13 =	vmul.f32 v4, v13;
	v6 =	vadd.f32 v8, v6;
	v8 =	vld [tilespmem:s22+$0xF030]  }
0x33a: {  	v16 =	vld [tilespmem:s24+$0xC800];
	v5 =	vmul.f32 v5, v14;
	v14 =	vmul.f32 $8.999999760e-01, v0;
	v7 =	vadd.f32 v11, v7  }
0x33b: {  	v4 =	vld [tilespmem:s24+$0x14000];
	v11 =	vadd.f32 v13, v12;
	v6 =	vmul.f32 v6, v15  }
0x33c: {  	v12 =	vld [tilespmem:s24+$0xC810];
	v10 =	vadd.f32 v5, v10;
	v7 =	vmul.f32 v7, v14  }
0x33d: {  	v5 =	vld [tilespmem:s24+$0x14010];
	v13 =	vmul.f32 v11, v1;
	v9 =	vadd.f32 v6, v9  }
0x33e: {  	v11 =	vld [tilespmem:s24+$0xC820];
	v10 =	vmul.f32 v10, v2;
	v7 =	vadd.f32 v7, v8  }
0x33f: {  	v6 =	vld [tilespmem:s24+$0x14020];
	[tilespmem:s22+$0x11800] =	vst v13;
	v3 =	vmul.f32 v9, v3;
	v1 =	vmov v16  }
.Ltmp5:
0x340: {  	[tilespmem:s22+$0x11810] =	vst v10;
	v8 =	vmul.f32 v7, v0;
	v0 =	vld [tilespmem:s24+$0xC830];
	(pc) =	sbr.rel @p0 .LBB2_12-.Ltmp5, $4  }
0x341: {  	v7 =	vld [tilespmem:s24+$0x14030];
	[tilespmem:s22+$0x11820] =	vst v3;
	v2 =	vmov v12  }
0x342: {  	v10 =	vld [tilespmem:s24+$0x11800];
	[tilespmem:s22+$0x11830] =	vst v8;
	s22 =	smov.u32 s24  }
0x343: {  	v9 =	vld [tilespmem:s22+$0x11810];
	v3 =	vmov v11  }
0x344: {  	s23 =	sadd.s32 $0x100, s23;
	v8 =	vld [tilespmem:s22+$0x11820]  }
0x345: {  	v11 =	vld [tilespmem:s22+$0x11830]  }
0x346: {  	v12 =	vld [tilespmem:s22+$0xF000]  }
0x347: {  	v13 =	vmul.f32 $8.999999760e-01, v1;
	v53 =	vld [tilespmem:s22+$0xF010];
	v4 =	vadd.f32 v10, v4  }
0x348: {  	v14 =	vmul.f32 $8.999999760e-01, v2;
	v54 =	vld [tilespmem:s22+$0xF020];
	v5 =	vadd.f32 v9, v5  }
0x349: {  	v55 =	vmul.f32 $8.999999760e-01, v3;
	v56 =	vld [tilespmem:s22+$0xF030];
	v4 =	vmul.f32 v4, v13;
	v6 =	vadd.f32 v8, v6  }
0x34a: {  	v57 =	vmul.f32 $8.999999760e-01, v0;
	v5 =	vmul.f32 v5, v14;
	v7 =	vadd.f32 v11, v7  }
0x34b: {  	v4 =	vadd.f32 v4, v12;
	v6 =	vmul.f32 v6, v55  }
0x34c: {  	v5 =	vadd.f32 v5, v53;
	v7 =	vmul.f32 v7, v57  }
0x34d: {  	v58 =	vmul.f32 v4, v1;
	v59 =	vadd.f32 v6, v54  }
0x34e: {  	v60 =	vmul.f32 v5, v2;
	v61 =	vadd.f32 v7, v56  }
0x34f: {  	[tilespmem:s22+$0x11800] =	vst v58;
	v62 =	vmul.f32 v59, v3  }
0x350: {  	[tilespmem:s22+$0x11810] =	vst v60;
	v63 =	vmul.f32 v61, v0  }
0x351: {  	[tilespmem:s22+$0x11820] =	vst v62  }
0x352: {  	s18 =	simm.s32 $0x0;
	s23 =	rddreg [dreg:$0xa];
	s24 =	simm.s32 $0x11800;
	[tilespmem:s22+$0x11830] =	vst v63  }
0x353: {  	[hbm4b:s23+s18] =	stream.linear.scatter [tilespmem:s24], [sflag:$0x12], $0x2800, $0x38;
	[tilespmem:$0x1F800] =	vst v63  }
0x354: {  	_ =	swait.ge [sflag:s26], $0x2800  }
0x355: {  	[sflag:s26] =	ssyncset.done $0x0  }
0x356: {  	s12 =	simm.s32 $0x1F000;
	[sflag:s26] =	ssyncadd.s32 $0xFFFFD800  }
0x357: {  	[spmem:s10] =	stream.linear.scatter [tilespmem:s12], [sflag:$0x12], $0x800, $0x38;
	[tilespmem:$0x1F800] =	vst v63  }
0x358: {  	_ =	swait.ge [sflag:s26], $0x800  }
0x359: {  	[sflag:s26] =	ssyncset.done $0x0  }
0x35a: {  	s14 =	rddreg [dreg:$0x6];
	[sflag:s26] =	ssyncadd.s32 $0xFFFFF800  }
0x35b: {  	[spmem:s14] =	stream.linear.scatter [tilespmem:s12], [sflag:$0x12], $0x800, $0x38;
	[tilespmem:$0x1F800] =	vst v63  }
0x35c: {  	_ =	swait.ge [sflag:s26], $0x800  }
0x35d: {  	[sflag:s26] =	ssyncset.done $0x0  }
0x35e: {  	s15 =	rddreg [dreg:$0x7];
	[sflag:s26] =	ssyncadd.s32 $0xFFFFF800  }
0x35f: {  	[spmem:s15] =	stream.linear.scatter [tilespmem:s12], [sflag:$0x12], $0x800, $0x38;
	[tilespmem:$0x1F800] =	vst v63  }
0x360: {  	_ =	swait.ge [sflag:s26], $0x800  }
0x361: {  	[sflag:s26] =	ssyncset.done $0x0  }
0x362: {  	s17 =	rddreg [dreg:$0x8];
	[sflag:s26] =	ssyncadd.s32 $0xFFFFF800  }
0x363: {  	[spmem:s17] =	stream.linear.scatter [tilespmem:s12], [sflag:$0x12], $0x800, $0x38;
	[tilespmem:$0x1F800] =	vst v63  }
0x364: {  	_ =	swait.ge [sflag:s26], $0x800  }
0x365: {  	[sflag:s26] =	ssyncset.done $0x0  }
0x366: {  	s18 =	rddreg [dreg:$0x9];
	[sflag:s26] =	ssyncadd.s32 $0xFFFFF800  }
0x367: {  	[spmem:s18] =	stream.linear.scatter [tilespmem:s12], [sflag:$0x12], $0x800, $0x38;
	[tilespmem:$0x1F800] =	vst v63  }
0x368: {  	_ =	swait.ge [sflag:s26], $0x800  }
0x369: {  	s24 =	rddreg [dreg:$0xb]  }
0x36a: {  	s22 =	sadd.s32 $0x1, s24  }
0x36b: {  	p0 =	sne.s32 s22, $0xA  }
.Ltmp6:
0x36c: {  	_ = 	snop;
	(pc) =	sbr.rel @p0 .LBB2_9-.Ltmp6, $4  }
0x36d: {  	s23 =	simm.s32 $0x16800;
	[sflag:s26] =	ssyncset.done $0x0  }
0x36e: {  	s14 =	simm.s32 $0x3;
	s15 =	simm.s32 $0x1;
	[sflag:s26] =	ssyncadd.s32 $0xFFFFF800  }
0x36f: {  	s17 =	simm.s32 $0x4;
	s12 =	simm.s32 $0x2;
	[bflag:$0x0] =	sbarrier.arrive $0xFFFF  }
0x370: {  	s18 =	simm.s32 $0x5;
	s24 =	simm.s32 $0x17800;
	s26 =	simm.s32 $0x9  }
0x371: {  	s2 =	simm.s32 $0x0  }
0x372: {  	v0 =	vld [tilespmem:s2+$0xC800];
	_ =	sdelay $0x4  }
0x373: {  	(erf) = vrcp.f32 v0;
	_ =	sdelay $0x2  }
0x374: {  	s0 =	simm.s32 $0x10  }
0x375: {  	v1 =	vld [tilespmem:s0+$0xC800];
	_ =	sdelay $0x3  }
0x376: {  	v2 =	vld [tilespmem:s2+$0x11800]  }
0x377: {  	s1 =	simm.s32 $0x20;
	v3 =	vpop (erf);
	(erf) = vrcp.f32 v1  }
0x378: {  	v0 =	vld [tilespmem:s1+$0xC800];
	_ =	sdelay $0x2  }
0x379: {  	v2 =	vmul.f32 v3, v2  }
0x37a: {  	s3 =	simm.s32 $0xC0;
	v1 =	vld [tilespmem:s0+$0x11800]  }
.LBB2_15:
0x37b: {  	s4 =	sshra.s32 s3, $0x2;
	p0 =	sne.s32 s3, $0x9FC0;
	s3 =	sadd.s32 $0x40, s3;
	(erf) = vrcp.f32 v0;
	[tilespmem:s2+$0x14000] =	vst v2  }
.Ltmp7:
0x37c: {  	s2 =	smov.u32 s0;
	s0 =	smov.u32 s1;
	v0 =	vld [tilespmem:s4+$0xC800];
	(pc) =	sbr.rel @p0 .LBB2_15-.Ltmp7, $4  }
0x37d: {  	s1 =	smov.u32 s4  }
0x37e: {  	v2 =	vpop (erf)  }
0x37f: {  	v2 =	vmul.f32 v2, v1  }
0x380: {  	v1 =	vld [tilespmem:s0+$0x11800]  }
0x381: {  	(erf) = vrcp.f32 v0;
	_ =	sdelay $0x3  }
0x382: {  	[tilespmem:s2+$0x14000] =	vst v2  }
0x383: {  	v61 =	vld [tilespmem:s1+$0x11800];
	_ =	sdelay $0x2  }
0x384: {  	v62 =	vpop (erf)  }
0x385: {  	v1 =	vmul.f32 v62, v1;
	v63 =	vpop (erf)  }
0x386: {  	s25 =	rddreg [dreg:$0x3];
	v0 =	vmul.f32 v63, v61  }
0x387: {  	s26 =	rddreg [dreg:$0x4];
	s28 =	simm.s32 $0x0;
	[tilespmem:s0+$0x14000] =	vst v1  }
0x388: {  	s29 =	simm.s32 $0x14000;
	s30 =	simm.s32 $0x12;
	s0 =	sadd.s32 s26, s25;
	[tilespmem:s1+$0x14000] =	vst v0  }
0x389: {  	[hbm4b:s0+s28] =	stream.linear.scatter [tilespmem:s29], [sflag:$0x12], $0x2800, $0x38;
	[tilespmem:$0x1F800] =	vst v63  }
0x38a: {  	_ =	swait.ge [sflag:s30], $0x2800  }
0x38b: {  	[sflag:s30] =	ssyncset.done $0x0  }
0x38c: {  	[sflag:s30] =	ssyncadd.s32 $0xFFFFD800  }
0x38d: {  	_ =	sfence.sel $0x180000  }
0x38e: {  	[bflag:$0x0] =	sbarrier.arrive $0xFFFF  }
0x38f: {  	_ =	strace $0x90000047  }
0x390: {  	s31 =	stileid.u32;
	[bflag:$0x2] =	sbarrier.arrive $0xFFFF  }
0x391: {  	p0 =	sne.s32 s31, $0x0;
	s0 =	rddreg [dreg:$0x2]  }
0x392: {  	s0 =	sadd.s32 @!p0 $0x100000, s0  }
0x393: {  	[sflag:s0] =	ssyncadd.tile.s32 @!p0 $0x1;
	_ =	shalt  }
.Lfunc_end2:
_tile_overlayer_lowered:
.L_overlay_start_2:
0x394: {  	(tag) =	ssettag $0x2  }
0x395: {  	s0 =	rddreg [dreg:$0x0];
	s2 =	stileid.u32  }
0x396: {  	s1 =	rddreg [dreg:$0x1];
	p0 =	sne.s32 s2, $0x0  }
0x397: {  	s3 =	rddreg [dreg:$0x2];
	[bflag:$0x3] =	sbarrier.arrive $0xFFFF;
	s2 =	simm.s32 @!p0 $0x1C12  }
0x398: {  	[timem:s3], [sflag:s2] =	dma.local @!p0 [hbm:s0], s1  }
0x399: {  	s0 =	simm.s32 @!p0 $0x12  }
0x39a: {  	_ =	swait.ge @!p0 [sflag:s0], s1  }
0x39b: {  	s1 =	ssub.s32 @!p0 $0x0, s1;
	[sflag:s0] =	ssyncset.done @!p0 $0x0  }
0x39c: {  	[sflag:s0] =	ssyncadd.s32 @!p0 s1  }
0x39d: {  	[bflag:$0x3] =	sbarrier.arrive $0xFFFF  }
0x39e: {  	_ =	shalt  }

</sc_bundles>
